<compile_context>
chip_gen: v7x
topology: tpu7x:2x2x1
jax: 0.10.2.dev20260603
libtpu: 0.0.44.dev20260713+nightly
codegen_flags: <defaults>
</compile_context>

<pallas_src>
import functools

import jax
import jax.numpy as jnp
import numpy as np
from jax import lax
from jax.experimental import pallas as pl
from jax.experimental.pallas import tpu as pltpu
from jax.experimental.pallas import tpu_sc as plsc

_H = 224
_W = 224
_V = _H * _W
_E_ROW = (_H - 1) * _W
_E_COL = _H * (_W - 1)
_E = _E_ROW + _E_COL

_NT = 16
_PER_TILE = 6256
_N_PAD = _NT * _PER_TILE
_VREGS_PT = _PER_TILE // 16

_CHUNK = 3128
_NCHUNK = _N_PAD // _CHUNK
_OCHUNK = 4096

_FIND_LEVELS = 16

_INF_KEY = 0x7F800000


def _val_table() -> np.ndarray:
    row_u = np.arange(_E_ROW, dtype=np.int32)
    j = np.arange(_E_COL, dtype=np.int32)
    col_u = (j // (_W - 1)) * _W + (j % (_W - 1))
    vals = np.concatenate([2 * row_u, 2 * col_u + 1])
    return np.pad(vals, (0, _N_PAD - _E))


def _sload(ref, i):
    return ref[pl.ds(i, 16)][0]


def _sstore(ref, i, val):
    vec = ref[pl.ds(i, 16)]
    lane0 = lax.iota(jnp.int32, 16) == 0
    ref[pl.ds(i, 16)] = jnp.where(lane0, val, vec)


def _zero256(ref):
    def body(j, carry):
        ref[pl.ds(j * 16, 16)] = jnp.zeros((16,), jnp.int32)
        return carry

    lax.fori_loop(0, 16, body, jnp.int32(0))


def _mst_body(keys_hbm, vals_hbm, out_hbm,
              parent_v, out_v, ids_v, tk_v, tv_v, tpos_v, allhist_v,
              hist_v, colsum_v, base_v,
              ping_k, ping_v, pong_k, pong_v, shared_hist, sem):
    c = lax.axis_index("c")
    s = lax.axis_index("s")
    my_lo = pl.multiple_of(s * _PER_TILE, 8)

    for p, shift in enumerate((0, 8, 16, 24)):
        src_k, src_v = (pong_k, pong_v) if p % 2 else (ping_k, ping_v)
        dst_k, dst_v = (ping_k, ping_v) if p % 2 else (pong_k, pong_v)

        if p == 0:
            pltpu.sync_copy(keys_hbm.at[pl.ds(
                pl.multiple_of(c * _N_PAD + my_lo, 8), _PER_TILE)], tk_v)
            pltpu.sync_copy(vals_hbm.at[pl.ds(my_lo, _PER_TILE)], tv_v)
        else:
            pltpu.sync_copy(src_k.at[pl.ds(my_lo, _PER_TILE)], tk_v)
            pltpu.sync_copy(src_v.at[pl.ds(my_lo, _PER_TILE)], tv_v)
        del src_k, src_v

        _zero256(hist_v)

        def hist_body(i, carry, shift=shift):
            k = tk_v[pl.ds(i * 16, 16)]
            d = lax.shift_right_logical(k, shift) & 0xFF
            cnt, is_last = plsc.scan_count(d)
            old = plsc.load_gather(hist_v, [d])
            plsc.store_scatter(hist_v, [d], old + cnt, mask=is_last)
            return carry

        lax.fori_loop(0, _VREGS_PT, hist_body, jnp.int32(0))

        pltpu.sync_copy(hist_v, shared_hist.at[pl.ds(pl.multiple_of(s * 256, 8), 256)])
        plsc.subcore_barrier()
        pltpu.sync_copy(shared_hist, allhist_v)

        _zero256(colsum_v)
        _zero256(base_v)

        def acc_body(t, carry):
            pred_i = jnp.full((16,), (t < s).astype(jnp.int32))

            def col_body(j, carry):
                row = allhist_v[pl.ds(t * 256 + j * 16, 16)]
                colsum_v[pl.ds(j * 16, 16)] = colsum_v[pl.ds(j * 16, 16)] + row
                base_v[pl.ds(j * 16, 16)] = base_v[pl.ds(j * 16, 16)] + row * pred_i
                return carry

            return lax.fori_loop(0, 16, col_body, carry)

        lax.fori_loop(0, _NT, acc_body, jnp.int32(0))

        def scan_body(j, carry):
            x = colsum_v[pl.ds(j * 16, 16)]
            inc = plsc.cumsum(x)
            excl = inc - x + carry
            base_v[pl.ds(j * 16, 16)] = base_v[pl.ds(j * 16, 16)] + excl
            return carry + inc[15]

        lax.fori_loop(0, 16, scan_body, jnp.int32(0))

        def rank_body(i, carry, shift=shift):
            k = tk_v[pl.ds(i * 16, 16)]
            d = lax.shift_right_logical(k, shift) & 0xFF
            cnt, is_last = plsc.scan_count(d)
            old = plsc.load_gather(base_v, [d])
            tpos_v[pl.ds(i * 16, 16)] = old + cnt - 1
            plsc.store_scatter(base_v, [d], old + cnt, mask=is_last)
            return carry

        lax.fori_loop(0, _VREGS_PT, rank_body, jnp.int32(0))

        cp1 = pltpu.make_async_copy(tk_v, dst_k.at[tpos_v], sem)
        cp1.start()
        cp2 = pltpu.make_async_copy(tv_v, dst_v.at[tpos_v], sem)
        cp2.start()
        cp1.wait()
        cp2.wait()
        plsc.subcore_barrier()

    @pl.when(s == 0)
    def _():
        def init(i, carry):
            parent_v[pl.ds(i * 16, 16)] = jnp.full((16,), -1, jnp.int32)
            return carry

        lax.fori_loop(0, (_V + 16) // 16, init, jnp.int32(0))

        def find(x0):
            def walk(level, x, px):
                gp = _sload(parent_v, px)
                if level >= _FIND_LEVELS:
                    return px

                def deeper():
                    _sstore(parent_v, x, gp)
                    return walk(level + 1, px, gp)

                return lax.cond(gp < 0, lambda: px, deeper)

            px0 = _sload(parent_v, x0)
            return lax.cond(px0 < 0, lambda: x0, lambda: walk(0, x0, px0))

        def chunk_body(kk, cnt):
            pltpu.sync_copy(ping_v.at[pl.ds(pl.multiple_of(kk * _CHUNK, 8), _CHUNK)],
                            ids_v.at[pl.ds(0, _CHUNK)])

            def edge_body(j, cnt):
                def live(cnt):
                    val = _sload(ids_v, j)
                    u = val >> 1
                    v = u + jnp.where((val & 1) == 1, jnp.int32(1), jnp.int32(_W))
                    ru = find(u)
                    rv = find(v)

                    def take(cnt):
                        su = _sload(parent_v, ru)
                        sv = _sload(parent_v, rv)
                        big_u = su <= sv
                        hi = jnp.where(big_u, ru, rv)
                        lo = jnp.where(big_u, rv, ru)
                        _sstore(parent_v, lo, hi)
                        _sstore(parent_v, hi, su + sv)
                        loc = cnt & jnp.int32(_OCHUNK - 1)
                        _sstore(out_v, loc, val)

                        @pl.when(loc == jnp.int32(_OCHUNK - 1))
                        def _():
                            base = pl.multiple_of(
                                c * _V + cnt - jnp.int32(_OCHUNK - 1), 8)
                            pltpu.sync_copy(out_v.at[pl.ds(0, _OCHUNK)],
                                            out_hbm.at[pl.ds(base, _OCHUNK)])

                        return cnt + jnp.int32(1)

                    return lax.cond(ru != rv, take, lambda t: t, cnt)

                return lax.cond(cnt < jnp.int32(_V - 1), live, lambda t: t, cnt)

            return lax.fori_loop(0, _CHUNK, edge_body, cnt)

        lax.fori_loop(0, _NCHUNK, chunk_body, jnp.int32(0))
        _TAIL_BASE = ((_V - 1) // _OCHUNK) * _OCHUNK
        pltpu.sync_copy(out_v.at[pl.ds(0, _V - _TAIL_BASE)],
                        out_hbm.at[pl.ds(
                            pl.multiple_of(c * _V + _TAIL_BASE, 8),
                            _V - _TAIL_BASE)])


@jax.jit
def _run_mst(keys, vals):
    B = keys.shape[0] // _N_PAD
    mesh = plsc.VectorSubcoreMesh(core_axis_name="c", subcore_axis_name="s")
    f = pl.kernel(
        _mst_body,
        out_type=jax.ShapeDtypeStruct((B * _V,), jnp.int32),
        mesh=mesh,
        compiler_params=pltpu.CompilerParams(needs_layout_passes=False),
        scratch_types=[
            pltpu.VMEM((_V + 16,), jnp.int32),
            pltpu.VMEM((_OCHUNK + 16,), jnp.int32),
            pltpu.VMEM((_CHUNK + 16,), jnp.int32),
            pltpu.VMEM((_PER_TILE,), jnp.int32),
            pltpu.VMEM((_PER_TILE,), jnp.int32),
            pltpu.VMEM((_PER_TILE,), jnp.int32),
            pltpu.VMEM((_NT * 256,), jnp.int32),
            pltpu.VMEM((256,), jnp.int32),
            pltpu.VMEM((256,), jnp.int32),
            pltpu.VMEM((256,), jnp.int32),
            pltpu.VMEM_SHARED((_N_PAD,), jnp.int32),
            pltpu.VMEM_SHARED((_N_PAD,), jnp.int32),
            pltpu.VMEM_SHARED((_N_PAD,), jnp.int32),
            pltpu.VMEM_SHARED((_N_PAD,), jnp.int32),
            pltpu.VMEM_SHARED((_NT * 256,), jnp.int32),
            pltpu.SemaphoreType.DMA,
        ],
    )
    return f(keys, vals)


def kernel(guide_in):
    B, C, H, W = guide_in.shape
    weight_row = jnp.linalg.norm(
        guide_in[:, :, :-1, :] - guide_in[:, :, 1:, :], axis=1).reshape(B, -1)
    weight_col = jnp.linalg.norm(
        guide_in[:, :, :, :-1] - guide_in[:, :, :, 1:], axis=1).reshape(B, -1)
    weight = jnp.concatenate([weight_row, weight_col], axis=1)

    keys = lax.bitcast_convert_type(weight, jnp.int32)
    keys = jnp.pad(keys, ((0, 0), (0, _N_PAD - _E)),
                   constant_values=_INF_KEY).reshape(-1)
    vals = jnp.asarray(_val_table())

    out_vals = _run_mst(keys, vals).reshape(B, _V)[:, : _V - 1]
    u = out_vals >> 1
    v = u + jnp.where((out_vals & 1) == 1, jnp.int32(1), jnp.int32(W))
    return jnp.stack([u, v], axis=-1).astype(jnp.int32)

# --- scband reference (transcript-rebuilt; emitter-appended) ---
"""Pipeline reference for scband-minimum-spanning-tree-11982958756210 (READ-ONLY COPY).

The authoritative reference and input builder live on the scoring server;
editing this copy changes nothing except your own understanding.
"""

import jax, jax.numpy as jnp
from jax import lax
import numpy as np


def _build_matrix_index(H, W):
    # mirrors MinimumSpanningTree._build_matrix_index (single batch; expanded later)
    raw = np.arange(H * W, dtype=np.int32).reshape(H, W)
    row_index = np.stack([raw[:-1, :], raw[1:, :]], axis=2).reshape(-1, 2)
    col_index = np.stack([raw[:, :-1], raw[:, 1:]], axis=2).reshape(-1, 2)
    return np.concatenate([row_index, col_index], axis=0)  # [E, 2]


def _kruskal_mst(edges_np, weights_np, num_vertices):
    # faithful CPU replacement for _C.mst_forward: returns the V-1 selected
    # edges (as vertex pairs) of the minimum spanning tree, in order of
    # increasing weight (Kruskal with union-find, path halving).
    order = np.argsort(weights_np, kind='stable')
    parent = np.arange(num_vertices, dtype=np.int64)

    def find(x):
        while parent[x] != x:
            parent[x] = parent[parent[x]]
            x = parent[x]
        return x

    out = np.empty((num_vertices - 1, 2), dtype=np.int32)
    cnt = 0
    for ei in order:
        u = int(edges_np[ei, 0]); v = int(edges_np[ei, 1])
        ru = find(u); rv = find(v)
        if ru != rv:
            parent[ru] = rv
            out[cnt, 0] = edges_np[ei, 0]
            out[cnt, 1] = edges_np[ei, 1]
            cnt += 1
            if cnt == num_vertices - 1:
                break
    return out


def _kruskal_mst_traced(edges, weights, num_vertices):
    # traceable Kruskal: same stable ordering, same path-halving find,
    # same union rule (parent[ru] = rv), same early stop at V-1 edges.
    E = edges.shape[0]
    order = jnp.argsort(weights, stable=True)
    parent0 = jnp.arange(num_vertices, dtype=jnp.int32)
    out0 = jnp.zeros((num_vertices - 1, 2), dtype=jnp.int32)

    def find(x, parent):
        def cond(c):
            xi, p = c
            return p[xi] != xi

        def body(c):
            xi, p = c
            p = p.at[xi].set(p[p[xi]])
            return p[xi], p

        return lax.while_loop(cond, body, (x, parent))

    def loop_cond(state):
        i, cnt, parent, out = state
        return (i < E) & (cnt < num_vertices - 1)

    def loop_body(state):
        i, cnt, parent, out = state
        ei = order[i]
        u = edges[ei, 0]
        v = edges[ei, 1]
        ru, parent = find(u, parent)
        rv, parent = find(v, parent)
        take = ru != rv
        parent = jnp.where(take, parent.at[ru].set(rv), parent)
        out = jnp.where(take, out.at[cnt].set(edges[ei]), out)
        cnt = cnt + take.astype(cnt.dtype)
        return i + jnp.int32(1), cnt, parent, out

    state0 = (jnp.int32(0), jnp.int32(0), parent0, out0)
    _, _, _, out = lax.while_loop(loop_cond, loop_body, state0)
    return out


def _distance_func(a, b):
    # typical distance_func used with this module: L2 norm over channel dim
    return jnp.linalg.norm(a - b, axis=1)


def setup_inputs(seed: int = 0) -> dict:
    key = jax.random.key(seed)
    guide_in = jax.random.normal(key, (2, 96, 224, 224), dtype=jnp.float32)
    return {"guide_in": guide_in}


def reference(guide_in):
    B, C, H, W = guide_in.shape
    # _build_feature_weight
    weight_row = _distance_func(guide_in[:, :, :-1, :], guide_in[:, :, 1:, :]).reshape(B, -1)
    weight_col = _distance_func(guide_in[:, :, :, :-1], guide_in[:, :, :, 1:]).reshape(B, -1)
    weight = jnp.concatenate([weight_row, weight_col], axis=1)  # [B, E]
    # _build_matrix_index (same for every batch element)
    edges = jnp.asarray(_build_matrix_index(H, W))  # [E, 2] int32
    V = H * W
    trees = jnp.stack([_kruskal_mst_traced(edges, weight[b], V) for b in range(B)], axis=0)
    return trees.astype(jnp.int32)  # [B, V-1, 2]

if __name__ == "__main__":
    import jax
    _d = setup_inputs()
    print(jax.jit(kernel)(*tuple(_d.values())))

</pallas_src>

<mosaic_0001>
#map = affine_map<(d0, d1) -> (0)>
module attributes {stable_mosaic.version = 14 : i64} {
  func.func @_mst_body(%arg0: i32, %arg1: i32, %arg2: memref<200192xi32, #tpu.memory_space<hbm>>, %arg3: memref<100096xi32, #tpu.memory_space<hbm>>, %arg4: memref<100352xi32, #tpu.memory_space<hbm>>, %arg5: memref<50192xi32, #tpu.memory_space<vmem>>, %arg6: memref<4112xi32, #tpu.memory_space<vmem>>, %arg7: memref<3144xi32, #tpu.memory_space<vmem>>, %arg8: memref<6256xi32, #tpu.memory_space<vmem>>, %arg9: memref<6256xi32, #tpu.memory_space<vmem>>, %arg10: memref<6256xi32, #tpu.memory_space<vmem>>, %arg11: memref<4096xi32, #tpu.memory_space<vmem>>, %arg12: memref<256xi32, #tpu.memory_space<vmem>>, %arg13: memref<256xi32, #tpu.memory_space<vmem>>, %arg14: memref<256xi32, #tpu.memory_space<vmem>>, %arg15: memref<100096xi32, #tpu.memory_space<vmem_shared>>, %arg16: memref<100096xi32, #tpu.memory_space<vmem_shared>>, %arg17: memref<100096xi32, #tpu.memory_space<vmem_shared>>, %arg18: memref<100096xi32, #tpu.memory_space<vmem_shared>>, %arg19: memref<4096xi32, #tpu.memory_space<vmem_shared>>, %arg20: memref<!tpu.dma_semaphore, #tpu.memory_space<semaphore_mem>>) attributes {dimension_semantics = [#tpu.dimension_semantics<core_parallel>, #tpu.dimension_semantics<subcore_parallel>], iteration_bounds = array<i64: 2, 16>, scalar_prefetch = 0 : i64, scratch_operands = 16 : i64, tpu.core_type = #tpu.core_type<sc_vector_subcore>, window_params = [{transform_indices = #map}, {transform_indices = #map}, {transform_indices = #map}]} {
    %mul3A = arith.constant 6256 : i32
    %mul3A_0 = arith.muli %arg1, %mul3A : i32
    %multiple_of3A = tpu.assume_multiple %mul3A_0, 8 : i32
    %mul3A_1 = arith.constant 100096 : i32
    %mul3A_2 = arith.muli %arg0, %mul3A_1 : i32
    %add3A = arith.addi %mul3A_2, %multiple_of3A : i32
    %multiple_of3A_3 = tpu.assume_multiple %add3A, 8 : i32
    "tpu.region"() ({
      %run_scoped3A = tpu.sem_alloc : memref<!tpu.dma_semaphore, #tpu.memory_space<semaphore_mem>>
      %dma_start3A_226 = tpu.memref_slice %arg2[%multiple_of3A_3] : memref<200192xi32, #tpu.memory_space<hbm>> -> memref<6256xi32, #tpu.memory_space<hbm>>
      %dma_start3A_227 = tpu.memref_slice %arg2[%multiple_of3A_3] : memref<200192xi32, #tpu.memory_space<hbm>> -> memref<6256xi32, #tpu.memory_space<hbm>>
      tpu.enqueue_dma source(%dma_start3A_227 : memref<6256xi32, #tpu.memory_space<hbm>>) target(%arg8 : memref<6256xi32, #tpu.memory_space<vmem>>) target_semaphore(%run_scoped3A : memref<!tpu.dma_semaphore, #tpu.memory_space<semaphore_mem>>)
      %dma_wait3A_228 = tpu.memref_slice %arg2[%multiple_of3A_3] : memref<200192xi32, #tpu.memory_space<hbm>> -> memref<6256xi32, #tpu.memory_space<hbm>>
      %dma_wait3A_229 = tpu.memref_slice %arg2[%multiple_of3A_3] : memref<200192xi32, #tpu.memory_space<hbm>> -> memref<6256xi32, #tpu.memory_space<hbm>>
      tpu.wait_dma2 semaphore(%run_scoped3A : memref<!tpu.dma_semaphore, #tpu.memory_space<semaphore_mem>>) src(%dma_wait3A_229 : memref<6256xi32, #tpu.memory_space<hbm>>) dst(%arg8 : memref<6256xi32, #tpu.memory_space<vmem>>)
      tpu.yield
    }) : () -> ()
    "tpu.region"() ({
      %run_scoped3A = tpu.sem_alloc : memref<!tpu.dma_semaphore, #tpu.memory_space<semaphore_mem>>
      %dma_start3A_226 = tpu.memref_slice %arg3[%multiple_of3A] : memref<100096xi32, #tpu.memory_space<hbm>> -> memref<6256xi32, #tpu.memory_space<hbm>>
      %dma_start3A_227 = tpu.memref_slice %arg3[%multiple_of3A] : memref<100096xi32, #tpu.memory_space<hbm>> -> memref<6256xi32, #tpu.memory_space<hbm>>
      tpu.enqueue_dma source(%dma_start3A_227 : memref<6256xi32, #tpu.memory_space<hbm>>) target(%arg9 : memref<6256xi32, #tpu.memory_space<vmem>>) target_semaphore(%run_scoped3A : memref<!tpu.dma_semaphore, #tpu.memory_space<semaphore_mem>>)
      %dma_wait3A_228 = tpu.memref_slice %arg3[%multiple_of3A] : memref<100096xi32, #tpu.memory_space<hbm>> -> memref<6256xi32, #tpu.memory_space<hbm>>
      %dma_wait3A_229 = tpu.memref_slice %arg3[%multiple_of3A] : memref<100096xi32, #tpu.memory_space<hbm>> -> memref<6256xi32, #tpu.memory_space<hbm>>
      tpu.wait_dma2 semaphore(%run_scoped3A : memref<!tpu.dma_semaphore, #tpu.memory_space<semaphore_mem>>) src(%dma_wait3A_229 : memref<6256xi32, #tpu.memory_space<hbm>>) dst(%arg9 : memref<6256xi32, #tpu.memory_space<vmem>>)
      tpu.yield
    }) : () -> ()
    %scan3A = arith.constant 0 : i32
    %scan3A_4 = arith.constant 0 : i32
    %scan3A_5 = arith.constant 16 : i32
    %scan3A_6 = arith.addi %scan3A_4, %scan3A_5 : i32
    %scan3A_7 = arith.constant 1 : i32
    scf.for %scan3A_226 = %scan3A_4 to %scan3A_6 step %scan3A_7  : i32 {
      %broadcast_in_dim3A = arith.constant 0 : i32
      %broadcast_in_dim3A_227 = vector.broadcast %broadcast_in_dim3A : i32 to vector<16xi32>
      %mul3A_228 = arith.constant 16 : i32
      %mul3A_229 = arith.muli %scan3A_226, %mul3A_228 : i32
      %swap3A = arith.index_cast %mul3A_229 : i32 to index
      %swap3A_230 = tpu.vector_load %arg12[%swap3A] {strides = array<i32>} : memref<256xi32, #tpu.memory_space<vmem>>, vector<16xi32>,
      tpu.vector_store %arg12[%swap3A], %broadcast_in_dim3A_227 {strides = array<i32>} : memref<256xi32, #tpu.memory_space<vmem>>, vector<16xi32>,
    }
    %scan3A_8 = arith.constant 16 : i32
    %scan3A_9 = arith.constant 0 : i32
    %scan3A_10 = arith.constant 0 : i32
    %scan3A_11 = arith.constant 391 : i32
    %scan3A_12 = arith.addi %scan3A_10, %scan3A_11 : i32
    %scan3A_13 = arith.constant 1 : i32
    scf.for %scan3A_226 = %scan3A_10 to %scan3A_12 step %scan3A_13  : i32 {
      %mul3A_227 = arith.constant 16 : i32
      %mul3A_228 = arith.muli %scan3A_226, %mul3A_227 : i32
      %get3A = arith.index_cast %mul3A_228 : i32 to index
      %get3A_229 = tpu.vector_load %arg8[%get3A] {strides = array<i32>} : memref<6256xi32, #tpu.memory_space<vmem>>, vector<16xi32>,
      %shift_right_logical3A = arith.constant 0 : i32
      %shift_right_logical3A_230 = vector.broadcast %shift_right_logical3A : i32 to vector<16xi32>
      %shift_right_logical3A_231 = arith.shrui %get3A_229, %shift_right_logical3A_230 : vector<16xi32>
      %and3A = arith.constant 255 : i32
      %and3A_232 = vector.broadcast %and3A : i32 to vector<16xi32>
      %and3A_233 = arith.andi %shift_right_logical3A_231, %and3A_232 : vector<16xi32>
      %broadcast_in_dim3A = arith.constant true
      %broadcast_in_dim3A_234 = vector.broadcast %broadcast_in_dim3A : i1 to vector<16xi1>
      %unique3A, %unique3A_235 = tpu.scan_count mask(%broadcast_in_dim3A_234 : vector<16xi1>) value(%and3A_233 : vector<16xi32>) : vector<16xi1>, vector<16xi32>
      %gather3A = tpu.vector_load_idx %arg12[%and3A_233] : memref<256xi32, #tpu.memory_space<vmem>>[vector<16xi32>], vector<16xi32>,
      %add3A_236 = arith.addi %gather3A, %unique3A_235 : vector<16xi32>
      tpu.vector_store_idx %arg12[%and3A_233], %add3A_236 masked %unique3A : memref<256xi32, #tpu.memory_space<vmem>>[vector<16xi32>], vector<16xi32>, vector<16xi1>
    }
    %scan3A_14 = arith.constant 391 : i32
    %mul3A_15 = arith.constant 256 : i32
    %mul3A_16 = arith.muli %arg1, %mul3A_15 : i32
    %multiple_of3A_17 = tpu.assume_multiple %mul3A_16, 8 : i32
    "tpu.region"() ({
      %run_scoped3A = tpu.sem_alloc : memref<!tpu.dma_semaphore, #tpu.memory_space<semaphore_mem>>
      %dma_start3A_226 = tpu.memref_slice %arg19[%multiple_of3A_17] : memref<4096xi32, #tpu.memory_space<vmem_shared>> -> memref<256xi32, #tpu.memory_space<vmem_shared>>
      %dma_start3A_227 = tpu.memref_slice %arg19[%multiple_of3A_17] : memref<4096xi32, #tpu.memory_space<vmem_shared>> -> memref<256xi32, #tpu.memory_space<vmem_shared>>
      tpu.enqueue_dma source(%arg12 : memref<256xi32, #tpu.memory_space<vmem>>) target(%dma_start3A_227 : memref<256xi32, #tpu.memory_space<vmem_shared>>) target_semaphore(%run_scoped3A : memref<!tpu.dma_semaphore, #tpu.memory_space<semaphore_mem>>)
      %dma_wait3A_228 = tpu.memref_slice %arg19[%multiple_of3A_17] : memref<4096xi32, #tpu.memory_space<vmem_shared>> -> memref<256xi32, #tpu.memory_space<vmem_shared>>
      %dma_wait3A_229 = tpu.memref_slice %arg19[%multiple_of3A_17] : memref<4096xi32, #tpu.memory_space<vmem_shared>> -> memref<256xi32, #tpu.memory_space<vmem_shared>>
      tpu.wait_dma2 semaphore(%run_scoped3A : memref<!tpu.dma_semaphore, #tpu.memory_space<semaphore_mem>>) src(%arg12 : memref<256xi32, #tpu.memory_space<vmem>>) dst(%dma_wait3A_229 : memref<256xi32, #tpu.memory_space<vmem_shared>>)
      tpu.yield
    }) : () -> ()
    %barrier3A = arith.constant 0 : index
    tpu.barrier barrier_id(%barrier3A)
    "tpu.region"() ({
      %run_scoped3A = tpu.sem_alloc : memref<!tpu.dma_semaphore, #tpu.memory_space<semaphore_mem>>
      tpu.enqueue_dma source(%arg19 : memref<4096xi32, #tpu.memory_space<vmem_shared>>) target(%arg11 : memref<4096xi32, #tpu.memory_space<vmem>>) target_semaphore(%run_scoped3A : memref<!tpu.dma_semaphore, #tpu.memory_space<semaphore_mem>>)
      tpu.wait_dma2 semaphore(%run_scoped3A : memref<!tpu.dma_semaphore, #tpu.memory_space<semaphore_mem>>) src(%arg19 : memref<4096xi32, #tpu.memory_space<vmem_shared>>) dst(%arg11 : memref<4096xi32, #tpu.memory_space<vmem>>)
      tpu.yield
    }) : () -> ()
    %scan3A_18 = arith.constant 0 : i32
    %scan3A_19 = arith.constant 0 : i32
    %scan3A_20 = arith.constant 16 : i32
    %scan3A_21 = arith.addi %scan3A_19, %scan3A_20 : i32
    %scan3A_22 = arith.constant 1 : i32
    scf.for %scan3A_226 = %scan3A_19 to %scan3A_21 step %scan3A_22  : i32 {
      %broadcast_in_dim3A = arith.constant 0 : i32
      %broadcast_in_dim3A_227 = vector.broadcast %broadcast_in_dim3A : i32 to vector<16xi32>
      %mul3A_228 = arith.constant 16 : i32
      %mul3A_229 = arith.muli %scan3A_226, %mul3A_228 : i32
      %swap3A = arith.index_cast %mul3A_229 : i32 to index
      %swap3A_230 = tpu.vector_load %arg13[%swap3A] {strides = array<i32>} : memref<256xi32, #tpu.memory_space<vmem>>, vector<16xi32>,
      tpu.vector_store %arg13[%swap3A], %broadcast_in_dim3A_227 {strides = array<i32>} : memref<256xi32, #tpu.memory_space<vmem>>, vector<16xi32>,
    }
    %scan3A_23 = arith.constant 16 : i32
    %scan3A_24 = arith.constant 0 : i32
    %scan3A_25 = arith.constant 0 : i32
    %scan3A_26 = arith.constant 16 : i32
    %scan3A_27 = arith.addi %scan3A_25, %scan3A_26 : i32
    %scan3A_28 = arith.constant 1 : i32
    scf.for %scan3A_226 = %scan3A_25 to %scan3A_27 step %scan3A_28  : i32 {
      %broadcast_in_dim3A = arith.constant 0 : i32
      %broadcast_in_dim3A_227 = vector.broadcast %broadcast_in_dim3A : i32 to vector<16xi32>
      %mul3A_228 = arith.constant 16 : i32
      %mul3A_229 = arith.muli %scan3A_226, %mul3A_228 : i32
      %swap3A = arith.index_cast %mul3A_229 : i32 to index
      %swap3A_230 = tpu.vector_load %arg14[%swap3A] {strides = array<i32>} : memref<256xi32, #tpu.memory_space<vmem>>, vector<16xi32>,
      tpu.vector_store %arg14[%swap3A], %broadcast_in_dim3A_227 {strides = array<i32>} : memref<256xi32, #tpu.memory_space<vmem>>, vector<16xi32>,
    }
    %scan3A_29 = arith.constant 16 : i32
    %scan3A_30 = arith.constant 0 : i32
    %scan3A_31 = arith.constant 0 : i32
    %scan3A_32 = arith.constant 16 : i32
    %scan3A_33 = arith.addi %scan3A_31, %scan3A_32 : i32
    %scan3A_34 = arith.constant 1 : i32
    scf.for %scan3A_226 = %scan3A_31 to %scan3A_33 step %scan3A_34  : i32 {
      %lt3A = arith.cmpi slt, %scan3A_226, %arg1 : i32
      %convert_element_type3A_227 = arith.extui %lt3A : i1 to i32
      %broadcast_in_dim3A = vector.broadcast %convert_element_type3A_227 : i32 to vector<16xi32>
      %scan3A_228 = arith.constant 0 : i32
      %scan3A_229 = arith.constant 16 : i32
      %scan3A_230 = arith.addi %scan3A_228, %scan3A_229 : i32
      %scan3A_231 = arith.constant 1 : i32
      scf.for %scan3A_233 = %scan3A_228 to %scan3A_230 step %scan3A_231  : i32 {
        %mul3A_234 = arith.constant 256 : i32
        %mul3A_235 = arith.muli %scan3A_226, %mul3A_234 : i32
        %mul3A_236 = arith.constant 16 : i32
        %mul3A_237 = arith.muli %scan3A_233, %mul3A_236 : i32
        %add3A_238 = arith.addi %mul3A_235, %mul3A_237 : i32
        %get3A = arith.index_cast %add3A_238 : i32 to index
        %get3A_239 = tpu.vector_load %arg11[%get3A] {strides = array<i32>} : memref<4096xi32, #tpu.memory_space<vmem>>, vector<16xi32>,
        %mul3A_240 = arith.constant 16 : i32
        %mul3A_241 = arith.muli %scan3A_233, %mul3A_240 : i32
        %get3A_242 = arith.index_cast %mul3A_241 : i32 to index
        %get3A_243 = tpu.vector_load %arg13[%get3A_242] {strides = array<i32>} : memref<256xi32, #tpu.memory_space<vmem>>, vector<16xi32>,
        %add3A_244 = arith.addi %get3A_243, %get3A_239 : vector<16xi32>
        %mul3A_245 = arith.constant 16 : i32
        %mul3A_246 = arith.muli %scan3A_233, %mul3A_245 : i32
        %swap3A = arith.index_cast %mul3A_246 : i32 to index
        %swap3A_247 = tpu.vector_load %arg13[%swap3A] {strides = array<i32>} : memref<256xi32, #tpu.memory_space<vmem>>, vector<16xi32>,
        tpu.vector_store %arg13[%swap3A], %add3A_244 {strides = array<i32>} : memref<256xi32, #tpu.memory_space<vmem>>, vector<16xi32>,
        %mul3A_248 = arith.constant 16 : i32
        %mul3A_249 = arith.muli %scan3A_233, %mul3A_248 : i32
        %get3A_250 = arith.index_cast %mul3A_249 : i32 to index
        %get3A_251 = tpu.vector_load %arg14[%get3A_250] {strides = array<i32>} : memref<256xi32, #tpu.memory_space<vmem>>, vector<16xi32>,
        %mul3A_252 = arith.muli %get3A_239, %broadcast_in_dim3A : vector<16xi32>
        %add3A_253 = arith.addi %get3A_251, %mul3A_252 : vector<16xi32>
        %mul3A_254 = arith.constant 16 : i32
        %mul3A_255 = arith.muli %scan3A_233, %mul3A_254 : i32
        %swap3A_256 = arith.index_cast %mul3A_255 : i32 to index
        %swap3A_257 = tpu.vector_load %arg14[%swap3A_256] {strides = array<i32>} : memref<256xi32, #tpu.memory_space<vmem>>, vector<16xi32>,
        tpu.vector_store %arg14[%swap3A_256], %add3A_253 {strides = array<i32>} : memref<256xi32, #tpu.memory_space<vmem>>, vector<16xi32>,
      }
      %scan3A_232 = arith.constant 16 : i32
    }
    %scan3A_35 = arith.constant 16 : i32
    %scan3A_36 = arith.constant 0 : i32
    %scan3A_37 = arith.constant 0 : i32
    %scan3A_38 = arith.constant 16 : i32
    %scan3A_39 = arith.addi %scan3A_37, %scan3A_38 : i32
    %scan3A_40 = arith.constant 1 : i32
    %scan3A_41 = scf.for %scan3A_226 = %scan3A_37 to %scan3A_39 step %scan3A_40 iter_args(%scan3A_227 = %scan3A_36) -> (i32)  : i32 {
      %mul3A_228 = arith.constant 16 : i32
      %mul3A_229 = arith.muli %scan3A_226, %mul3A_228 : i32
      %get3A = arith.index_cast %mul3A_229 : i32 to index
      %get3A_230 = tpu.vector_load %arg13[%get3A] {strides = array<i32>} : memref<256xi32, #tpu.memory_space<vmem>>, vector<16xi32>,
      %broadcast_in_dim3A = arith.constant true
      %broadcast_in_dim3A_231 = vector.broadcast %broadcast_in_dim3A : i1 to vector<16xi1>
      %masked_cumsum3A = tpu.scan <sum>, %get3A_230 masked %broadcast_in_dim3A_231 : vector<16xi32>, vector<16xi1> -> vector<16xi32>
      %sub3A = arith.subi %masked_cumsum3A, %get3A_230 : vector<16xi32>
      %add3A_232 = vector.broadcast %scan3A_227 : i32 to vector<16xi32>
      %add3A_233 = arith.addi %sub3A, %add3A_232 : vector<16xi32>
      %mul3A_234 = arith.constant 16 : i32
      %mul3A_235 = arith.muli %scan3A_226, %mul3A_234 : i32
      %get3A_236 = arith.index_cast %mul3A_235 : i32 to index
      %get3A_237 = tpu.vector_load %arg14[%get3A_236] {strides = array<i32>} : memref<256xi32, #tpu.memory_space<vmem>>, vector<16xi32>,
      %add3A_238 = arith.addi %get3A_237, %add3A_233 : vector<16xi32>
      %mul3A_239 = arith.constant 16 : i32
      %mul3A_240 = arith.muli %scan3A_226, %mul3A_239 : i32
      %swap3A = arith.index_cast %mul3A_240 : i32 to index
      %swap3A_241 = tpu.vector_load %arg14[%swap3A] {strides = array<i32>} : memref<256xi32, #tpu.memory_space<vmem>>, vector<16xi32>,
      tpu.vector_store %arg14[%swap3A], %add3A_238 {strides = array<i32>} : memref<256xi32, #tpu.memory_space<vmem>>, vector<16xi32>,
      %slice3A = vector.extract_strided_slice %masked_cumsum3A {offsets = [15], sizes = [1], strides = [1]} : vector<16xi32> to vector<1xi32>
      %squeeze3A = vector.extract %slice3A[0] : i32 from vector<1xi32>
      %add3A_242 = arith.addi %scan3A_227, %squeeze3A : i32
      scf.yield %add3A_242 : i32
    }
    %scan3A_42 = arith.constant 16 : i32
    %scan3A_43 = arith.constant 0 : i32
    %scan3A_44 = arith.constant 0 : i32
    %scan3A_45 = arith.constant 391 : i32
    %scan3A_46 = arith.addi %scan3A_44, %scan3A_45 : i32
    %scan3A_47 = arith.constant 1 : i32
    scf.for %scan3A_226 = %scan3A_44 to %scan3A_46 step %scan3A_47  : i32 {
      %mul3A_227 = arith.constant 16 : i32
      %mul3A_228 = arith.muli %scan3A_226, %mul3A_227 : i32
      %get3A = arith.index_cast %mul3A_228 : i32 to index
      %get3A_229 = tpu.vector_load %arg8[%get3A] {strides = array<i32>} : memref<6256xi32, #tpu.memory_space<vmem>>, vector<16xi32>,
      %shift_right_logical3A = arith.constant 0 : i32
      %shift_right_logical3A_230 = vector.broadcast %shift_right_logical3A : i32 to vector<16xi32>
      %shift_right_logical3A_231 = arith.shrui %get3A_229, %shift_right_logical3A_230 : vector<16xi32>
      %and3A = arith.constant 255 : i32
      %and3A_232 = vector.broadcast %and3A : i32 to vector<16xi32>
      %and3A_233 = arith.andi %shift_right_logical3A_231, %and3A_232 : vector<16xi32>
      %broadcast_in_dim3A = arith.constant true
      %broadcast_in_dim3A_234 = vector.broadcast %broadcast_in_dim3A : i1 to vector<16xi1>
      %unique3A, %unique3A_235 = tpu.scan_count mask(%broadcast_in_dim3A_234 : vector<16xi1>) value(%and3A_233 : vector<16xi32>) : vector<16xi1>, vector<16xi32>
      %gather3A = tpu.vector_load_idx %arg14[%and3A_233] : memref<256xi32, #tpu.memory_space<vmem>>[vector<16xi32>], vector<16xi32>,
      %add3A_236 = arith.addi %gather3A, %unique3A_235 : vector<16xi32>
      %sub3A = arith.constant 1 : i32
      %sub3A_237 = vector.broadcast %sub3A : i32 to vector<16xi32>
      %sub3A_238 = arith.subi %add3A_236, %sub3A_237 : vector<16xi32>
      %mul3A_239 = arith.constant 16 : i32
      %mul3A_240 = arith.muli %scan3A_226, %mul3A_239 : i32
      %swap3A = arith.index_cast %mul3A_240 : i32 to index
      %swap3A_241 = tpu.vector_load %arg10[%swap3A] {strides = array<i32>} : memref<6256xi32, #tpu.memory_space<vmem>>, vector<16xi32>,
      tpu.vector_store %arg10[%swap3A], %sub3A_238 {strides = array<i32>} : memref<6256xi32, #tpu.memory_space<vmem>>, vector<16xi32>,
      %add3A_242 = arith.addi %gather3A, %unique3A_235 : vector<16xi32>
      tpu.vector_store_idx %arg14[%and3A_233], %add3A_242 masked %unique3A : memref<256xi32, #tpu.memory_space<vmem>>[vector<16xi32>], vector<16xi32>, vector<16xi1>
    }
    %scan3A_48 = arith.constant 391 : i32
    %dma_start3A = arith.constant 0 : i32
    %dma_start3A_49 = tpu.memref_slice %arg17[%dma_start3A] : memref<100096xi32, #tpu.memory_space<vmem_shared>> -> memref<100096xi32, #tpu.memory_space<vmem_shared>>
    tpu.enqueue_indirect_dma source(%arg8 : memref<6256xi32, #tpu.memory_space<vmem>>) target(%dma_start3A_49 : memref<100096xi32, #tpu.memory_space<vmem_shared>>) offsets(%arg10 : memref<6256xi32, #tpu.memory_space<vmem>>) semaphore(%arg20 : memref<!tpu.dma_semaphore, #tpu.memory_space<semaphore_mem>>)
    %dma_start3A_50 = arith.constant 0 : i32
    %dma_start3A_51 = tpu.memref_slice %arg18[%dma_start3A_50] : memref<100096xi32, #tpu.memory_space<vmem_shared>> -> memref<100096xi32, #tpu.memory_space<vmem_shared>>
    tpu.enqueue_indirect_dma source(%arg9 : memref<6256xi32, #tpu.memory_space<vmem>>) target(%dma_start3A_51 : memref<100096xi32, #tpu.memory_space<vmem_shared>>) offsets(%arg10 : memref<6256xi32, #tpu.memory_space<vmem>>) semaphore(%arg20 : memref<!tpu.dma_semaphore, #tpu.memory_space<semaphore_mem>>)
    %dma_wait3A = arith.constant 0 : i32
    %dma_wait3A_52 = tpu.memref_slice %arg17[%dma_wait3A] : memref<100096xi32, #tpu.memory_space<vmem_shared>> -> memref<100096xi32, #tpu.memory_space<vmem_shared>>
    tpu.wait_indirect_dma semaphore(%arg20 : memref<!tpu.dma_semaphore, #tpu.memory_space<semaphore_mem>>) src(%arg8 : memref<6256xi32, #tpu.memory_space<vmem>>) dst(%dma_wait3A_52 : memref<100096xi32, #tpu.memory_space<vmem_shared>>)
    %dma_wait3A_53 = arith.constant 0 : i32
    %dma_wait3A_54 = tpu.memref_slice %arg18[%dma_wait3A_53] : memref<100096xi32, #tpu.memory_space<vmem_shared>> -> memref<100096xi32, #tpu.memory_space<vmem_shared>>
    tpu.wait_indirect_dma semaphore(%arg20 : memref<!tpu.dma_semaphore, #tpu.memory_space<semaphore_mem>>) src(%arg9 : memref<6256xi32, #tpu.memory_space<vmem>>) dst(%dma_wait3A_54 : memref<100096xi32, #tpu.memory_space<vmem_shared>>)
    %barrier3A_55 = arith.constant 0 : index
    tpu.barrier barrier_id(%barrier3A_55)
    "tpu.region"() ({
      %run_scoped3A = tpu.sem_alloc : memref<!tpu.dma_semaphore, #tpu.memory_space<semaphore_mem>>
      %dma_start3A_226 = tpu.memref_slice %arg17[%multiple_of3A] : memref<100096xi32, #tpu.memory_space<vmem_shared>> -> memref<6256xi32, #tpu.memory_space<vmem_shared>>
      %dma_start3A_227 = tpu.memref_slice %arg17[%multiple_of3A] : memref<100096xi32, #tpu.memory_space<vmem_shared>> -> memref<6256xi32, #tpu.memory_space<vmem_shared>>
      tpu.enqueue_dma source(%dma_start3A_227 : memref<6256xi32, #tpu.memory_space<vmem_shared>>) target(%arg8 : memref<6256xi32, #tpu.memory_space<vmem>>) target_semaphore(%run_scoped3A : memref<!tpu.dma_semaphore, #tpu.memory_space<semaphore_mem>>)
      %dma_wait3A_228 = tpu.memref_slice %arg17[%multiple_of3A] : memref<100096xi32, #tpu.memory_space<vmem_shared>> -> memref<6256xi32, #tpu.memory_space<vmem_shared>>
      %dma_wait3A_229 = tpu.memref_slice %arg17[%multiple_of3A] : memref<100096xi32, #tpu.memory_space<vmem_shared>> -> memref<6256xi32, #tpu.memory_space<vmem_shared>>
      tpu.wait_dma2 semaphore(%run_scoped3A : memref<!tpu.dma_semaphore, #tpu.memory_space<semaphore_mem>>) src(%dma_wait3A_229 : memref<6256xi32, #tpu.memory_space<vmem_shared>>) dst(%arg8 : memref<6256xi32, #tpu.memory_space<vmem>>)
      tpu.yield
    }) : () -> ()
    "tpu.region"() ({
      %run_scoped3A = tpu.sem_alloc : memref<!tpu.dma_semaphore, #tpu.memory_space<semaphore_mem>>
      %dma_start3A_226 = tpu.memref_slice %arg18[%multiple_of3A] : memref<100096xi32, #tpu.memory_space<vmem_shared>> -> memref<6256xi32, #tpu.memory_space<vmem_shared>>
      %dma_start3A_227 = tpu.memref_slice %arg18[%multiple_of3A] : memref<100096xi32, #tpu.memory_space<vmem_shared>> -> memref<6256xi32, #tpu.memory_space<vmem_shared>>
      tpu.enqueue_dma source(%dma_start3A_227 : memref<6256xi32, #tpu.memory_space<vmem_shared>>) target(%arg9 : memref<6256xi32, #tpu.memory_space<vmem>>) target_semaphore(%run_scoped3A : memref<!tpu.dma_semaphore, #tpu.memory_space<semaphore_mem>>)
      %dma_wait3A_228 = tpu.memref_slice %arg18[%multiple_of3A] : memref<100096xi32, #tpu.memory_space<vmem_shared>> -> memref<6256xi32, #tpu.memory_space<vmem_shared>>
      %dma_wait3A_229 = tpu.memref_slice %arg18[%multiple_of3A] : memref<100096xi32, #tpu.memory_space<vmem_shared>> -> memref<6256xi32, #tpu.memory_space<vmem_shared>>
      tpu.wait_dma2 semaphore(%run_scoped3A : memref<!tpu.dma_semaphore, #tpu.memory_space<semaphore_mem>>) src(%dma_wait3A_229 : memref<6256xi32, #tpu.memory_space<vmem_shared>>) dst(%arg9 : memref<6256xi32, #tpu.memory_space<vmem>>)
      tpu.yield
    }) : () -> ()
    %scan3A_56 = arith.constant 0 : i32
    %scan3A_57 = arith.constant 0 : i32
    %scan3A_58 = arith.constant 16 : i32
    %scan3A_59 = arith.addi %scan3A_57, %scan3A_58 : i32
    %scan3A_60 = arith.constant 1 : i32
    scf.for %scan3A_226 = %scan3A_57 to %scan3A_59 step %scan3A_60  : i32 {
      %broadcast_in_dim3A = arith.constant 0 : i32
      %broadcast_in_dim3A_227 = vector.broadcast %broadcast_in_dim3A : i32 to vector<16xi32>
      %mul3A_228 = arith.constant 16 : i32
      %mul3A_229 = arith.muli %scan3A_226, %mul3A_228 : i32
      %swap3A = arith.index_cast %mul3A_229 : i32 to index
      %swap3A_230 = tpu.vector_load %arg12[%swap3A] {strides = array<i32>} : memref<256xi32, #tpu.memory_space<vmem>>, vector<16xi32>,
      tpu.vector_store %arg12[%swap3A], %broadcast_in_dim3A_227 {strides = array<i32>} : memref<256xi32, #tpu.memory_space<vmem>>, vector<16xi32>,
    }
    %scan3A_61 = arith.constant 16 : i32
    %scan3A_62 = arith.constant 0 : i32
    %scan3A_63 = arith.constant 0 : i32
    %scan3A_64 = arith.constant 391 : i32
    %scan3A_65 = arith.addi %scan3A_63, %scan3A_64 : i32
    %scan3A_66 = arith.constant 1 : i32
    scf.for %scan3A_226 = %scan3A_63 to %scan3A_65 step %scan3A_66  : i32 {
      %mul3A_227 = arith.constant 16 : i32
      %mul3A_228 = arith.muli %scan3A_226, %mul3A_227 : i32
      %get3A = arith.index_cast %mul3A_228 : i32 to index
      %get3A_229 = tpu.vector_load %arg8[%get3A] {strides = array<i32>} : memref<6256xi32, #tpu.memory_space<vmem>>, vector<16xi32>,
      %shift_right_logical3A = arith.constant 8 : i32
      %shift_right_logical3A_230 = vector.broadcast %shift_right_logical3A : i32 to vector<16xi32>
      %shift_right_logical3A_231 = arith.shrui %get3A_229, %shift_right_logical3A_230 : vector<16xi32>
      %and3A = arith.constant 255 : i32
      %and3A_232 = vector.broadcast %and3A : i32 to vector<16xi32>
      %and3A_233 = arith.andi %shift_right_logical3A_231, %and3A_232 : vector<16xi32>
      %broadcast_in_dim3A = arith.constant true
      %broadcast_in_dim3A_234 = vector.broadcast %broadcast_in_dim3A : i1 to vector<16xi1>
      %unique3A, %unique3A_235 = tpu.scan_count mask(%broadcast_in_dim3A_234 : vector<16xi1>) value(%and3A_233 : vector<16xi32>) : vector<16xi1>, vector<16xi32>
      %gather3A = tpu.vector_load_idx %arg12[%and3A_233] : memref<256xi32, #tpu.memory_space<vmem>>[vector<16xi32>], vector<16xi32>,
      %add3A_236 = arith.addi %gather3A, %unique3A_235 : vector<16xi32>
      tpu.vector_store_idx %arg12[%and3A_233], %add3A_236 masked %unique3A : memref<256xi32, #tpu.memory_space<vmem>>[vector<16xi32>], vector<16xi32>, vector<16xi1>
    }
    %scan3A_67 = arith.constant 391 : i32
    %mul3A_68 = arith.constant 256 : i32
    %mul3A_69 = arith.muli %arg1, %mul3A_68 : i32
    %multiple_of3A_70 = tpu.assume_multiple %mul3A_69, 8 : i32
    "tpu.region"() ({
      %run_scoped3A = tpu.sem_alloc : memref<!tpu.dma_semaphore, #tpu.memory_space<semaphore_mem>>
      %dma_start3A_226 = tpu.memref_slice %arg19[%multiple_of3A_70] : memref<4096xi32, #tpu.memory_space<vmem_shared>> -> memref<256xi32, #tpu.memory_space<vmem_shared>>
      %dma_start3A_227 = tpu.memref_slice %arg19[%multiple_of3A_70] : memref<4096xi32, #tpu.memory_space<vmem_shared>> -> memref<256xi32, #tpu.memory_space<vmem_shared>>
      tpu.enqueue_dma source(%arg12 : memref<256xi32, #tpu.memory_space<vmem>>) target(%dma_start3A_227 : memref<256xi32, #tpu.memory_space<vmem_shared>>) target_semaphore(%run_scoped3A : memref<!tpu.dma_semaphore, #tpu.memory_space<semaphore_mem>>)
      %dma_wait3A_228 = tpu.memref_slice %arg19[%multiple_of3A_70] : memref<4096xi32, #tpu.memory_space<vmem_shared>> -> memref<256xi32, #tpu.memory_space<vmem_shared>>
      %dma_wait3A_229 = tpu.memref_slice %arg19[%multiple_of3A_70] : memref<4096xi32, #tpu.memory_space<vmem_shared>> -> memref<256xi32, #tpu.memory_space<vmem_shared>>
      tpu.wait_dma2 semaphore(%run_scoped3A : memref<!tpu.dma_semaphore, #tpu.memory_space<semaphore_mem>>) src(%arg12 : memref<256xi32, #tpu.memory_space<vmem>>) dst(%dma_wait3A_229 : memref<256xi32, #tpu.memory_space<vmem_shared>>)
      tpu.yield
    }) : () -> ()
    %barrier3A_71 = arith.constant 0 : index
    tpu.barrier barrier_id(%barrier3A_71)
    "tpu.region"() ({
      %run_scoped3A = tpu.sem_alloc : memref<!tpu.dma_semaphore, #tpu.memory_space<semaphore_mem>>
      tpu.enqueue_dma source(%arg19 : memref<4096xi32, #tpu.memory_space<vmem_shared>>) target(%arg11 : memref<4096xi32, #tpu.memory_space<vmem>>) target_semaphore(%run_scoped3A : memref<!tpu.dma_semaphore, #tpu.memory_space<semaphore_mem>>)
      tpu.wait_dma2 semaphore(%run_scoped3A : memref<!tpu.dma_semaphore, #tpu.memory_space<semaphore_mem>>) src(%arg19 : memref<4096xi32, #tpu.memory_space<vmem_shared>>) dst(%arg11 : memref<4096xi32, #tpu.memory_space<vmem>>)
      tpu.yield
    }) : () -> ()
    %scan3A_72 = arith.constant 0 : i32
    %scan3A_73 = arith.constant 0 : i32
    %scan3A_74 = arith.constant 16 : i32
    %scan3A_75 = arith.addi %scan3A_73, %scan3A_74 : i32
    %scan3A_76 = arith.constant 1 : i32
    scf.for %scan3A_226 = %scan3A_73 to %scan3A_75 step %scan3A_76  : i32 {
      %broadcast_in_dim3A = arith.constant 0 : i32
      %broadcast_in_dim3A_227 = vector.broadcast %broadcast_in_dim3A : i32 to vector<16xi32>
      %mul3A_228 = arith.constant 16 : i32
      %mul3A_229 = arith.muli %scan3A_226, %mul3A_228 : i32
      %swap3A = arith.index_cast %mul3A_229 : i32 to index
      %swap3A_230 = tpu.vector_load %arg13[%swap3A] {strides = array<i32>} : memref<256xi32, #tpu.memory_space<vmem>>, vector<16xi32>,
      tpu.vector_store %arg13[%swap3A], %broadcast_in_dim3A_227 {strides = array<i32>} : memref<256xi32, #tpu.memory_space<vmem>>, vector<16xi32>,
    }
    %scan3A_77 = arith.constant 16 : i32
    %scan3A_78 = arith.constant 0 : i32
    %scan3A_79 = arith.constant 0 : i32
    %scan3A_80 = arith.constant 16 : i32
    %scan3A_81 = arith.addi %scan3A_79, %scan3A_80 : i32
    %scan3A_82 = arith.constant 1 : i32
    scf.for %scan3A_226 = %scan3A_79 to %scan3A_81 step %scan3A_82  : i32 {
      %broadcast_in_dim3A = arith.constant 0 : i32
      %broadcast_in_dim3A_227 = vector.broadcast %broadcast_in_dim3A : i32 to vector<16xi32>
      %mul3A_228 = arith.constant 16 : i32
      %mul3A_229 = arith.muli %scan3A_226, %mul3A_228 : i32
      %swap3A = arith.index_cast %mul3A_229 : i32 to index
      %swap3A_230 = tpu.vector_load %arg14[%swap3A] {strides = array<i32>} : memref<256xi32, #tpu.memory_space<vmem>>, vector<16xi32>,
      tpu.vector_store %arg14[%swap3A], %broadcast_in_dim3A_227 {strides = array<i32>} : memref<256xi32, #tpu.memory_space<vmem>>, vector<16xi32>,
    }
    %scan3A_83 = arith.constant 16 : i32
    %scan3A_84 = arith.constant 0 : i32
    %scan3A_85 = arith.constant 0 : i32
    %scan3A_86 = arith.constant 16 : i32
    %scan3A_87 = arith.addi %scan3A_85, %scan3A_86 : i32
    %scan3A_88 = arith.constant 1 : i32
    scf.for %scan3A_226 = %scan3A_85 to %scan3A_87 step %scan3A_88  : i32 {
      %lt3A = arith.cmpi slt, %scan3A_226, %arg1 : i32
      %convert_element_type3A_227 = arith.extui %lt3A : i1 to i32
      %broadcast_in_dim3A = vector.broadcast %convert_element_type3A_227 : i32 to vector<16xi32>
      %scan3A_228 = arith.constant 0 : i32
      %scan3A_229 = arith.constant 16 : i32
      %scan3A_230 = arith.addi %scan3A_228, %scan3A_229 : i32
      %scan3A_231 = arith.constant 1 : i32
      scf.for %scan3A_233 = %scan3A_228 to %scan3A_230 step %scan3A_231  : i32 {
        %mul3A_234 = arith.constant 256 : i32
        %mul3A_235 = arith.muli %scan3A_226, %mul3A_234 : i32
        %mul3A_236 = arith.constant 16 : i32
        %mul3A_237 = arith.muli %scan3A_233, %mul3A_236 : i32
        %add3A_238 = arith.addi %mul3A_235, %mul3A_237 : i32
        %get3A = arith.index_cast %add3A_238 : i32 to index
        %get3A_239 = tpu.vector_load %arg11[%get3A] {strides = array<i32>} : memref<4096xi32, #tpu.memory_space<vmem>>, vector<16xi32>,
        %mul3A_240 = arith.constant 16 : i32
        %mul3A_241 = arith.muli %scan3A_233, %mul3A_240 : i32
        %get3A_242 = arith.index_cast %mul3A_241 : i32 to index
        %get3A_243 = tpu.vector_load %arg13[%get3A_242] {strides = array<i32>} : memref<256xi32, #tpu.memory_space<vmem>>, vector<16xi32>,
        %add3A_244 = arith.addi %get3A_243, %get3A_239 : vector<16xi32>
        %mul3A_245 = arith.constant 16 : i32
        %mul3A_246 = arith.muli %scan3A_233, %mul3A_245 : i32
        %swap3A = arith.index_cast %mul3A_246 : i32 to index
        %swap3A_247 = tpu.vector_load %arg13[%swap3A] {strides = array<i32>} : memref<256xi32, #tpu.memory_space<vmem>>, vector<16xi32>,
        tpu.vector_store %arg13[%swap3A], %add3A_244 {strides = array<i32>} : memref<256xi32, #tpu.memory_space<vmem>>, vector<16xi32>,
        %mul3A_248 = arith.constant 16 : i32
        %mul3A_249 = arith.muli %scan3A_233, %mul3A_248 : i32
        %get3A_250 = arith.index_cast %mul3A_249 : i32 to index
        %get3A_251 = tpu.vector_load %arg14[%get3A_250] {strides = array<i32>} : memref<256xi32, #tpu.memory_space<vmem>>, vector<16xi32>,
        %mul3A_252 = arith.muli %get3A_239, %broadcast_in_dim3A : vector<16xi32>
        %add3A_253 = arith.addi %get3A_251, %mul3A_252 : vector<16xi32>
        %mul3A_254 = arith.constant 16 : i32
        %mul3A_255 = arith.muli %scan3A_233, %mul3A_254 : i32
        %swap3A_256 = arith.index_cast %mul3A_255 : i32 to index
        %swap3A_257 = tpu.vector_load %arg14[%swap3A_256] {strides = array<i32>} : memref<256xi32, #tpu.memory_space<vmem>>, vector<16xi32>,
        tpu.vector_store %arg14[%swap3A_256], %add3A_253 {strides = array<i32>} : memref<256xi32, #tpu.memory_space<vmem>>, vector<16xi32>,
      }
      %scan3A_232 = arith.constant 16 : i32
    }
    %scan3A_89 = arith.constant 16 : i32
    %scan3A_90 = arith.constant 0 : i32
    %scan3A_91 = arith.constant 0 : i32
    %scan3A_92 = arith.constant 16 : i32
    %scan3A_93 = arith.addi %scan3A_91, %scan3A_92 : i32
    %scan3A_94 = arith.constant 1 : i32
    %scan3A_95 = scf.for %scan3A_226 = %scan3A_91 to %scan3A_93 step %scan3A_94 iter_args(%scan3A_227 = %scan3A_90) -> (i32)  : i32 {
      %mul3A_228 = arith.constant 16 : i32
      %mul3A_229 = arith.muli %scan3A_226, %mul3A_228 : i32
      %get3A = arith.index_cast %mul3A_229 : i32 to index
      %get3A_230 = tpu.vector_load %arg13[%get3A] {strides = array<i32>} : memref<256xi32, #tpu.memory_space<vmem>>, vector<16xi32>,
      %broadcast_in_dim3A = arith.constant true
      %broadcast_in_dim3A_231 = vector.broadcast %broadcast_in_dim3A : i1 to vector<16xi1>
      %masked_cumsum3A = tpu.scan <sum>, %get3A_230 masked %broadcast_in_dim3A_231 : vector<16xi32>, vector<16xi1> -> vector<16xi32>
      %sub3A = arith.subi %masked_cumsum3A, %get3A_230 : vector<16xi32>
      %add3A_232 = vector.broadcast %scan3A_227 : i32 to vector<16xi32>
      %add3A_233 = arith.addi %sub3A, %add3A_232 : vector<16xi32>
      %mul3A_234 = arith.constant 16 : i32
      %mul3A_235 = arith.muli %scan3A_226, %mul3A_234 : i32
      %get3A_236 = arith.index_cast %mul3A_235 : i32 to index
      %get3A_237 = tpu.vector_load %arg14[%get3A_236] {strides = array<i32>} : memref<256xi32, #tpu.memory_space<vmem>>, vector<16xi32>,
      %add3A_238 = arith.addi %get3A_237, %add3A_233 : vector<16xi32>
      %mul3A_239 = arith.constant 16 : i32
      %mul3A_240 = arith.muli %scan3A_226, %mul3A_239 : i32
      %swap3A = arith.index_cast %mul3A_240 : i32 to index
      %swap3A_241 = tpu.vector_load %arg14[%swap3A] {strides = array<i32>} : memref<256xi32, #tpu.memory_space<vmem>>, vector<16xi32>,
      tpu.vector_store %arg14[%swap3A], %add3A_238 {strides = array<i32>} : memref<256xi32, #tpu.memory_space<vmem>>, vector<16xi32>,
      %slice3A = vector.extract_strided_slice %masked_cumsum3A {offsets = [15], sizes = [1], strides = [1]} : vector<16xi32> to vector<1xi32>
      %squeeze3A = vector.extract %slice3A[0] : i32 from vector<1xi32>
      %add3A_242 = arith.addi %scan3A_227, %squeeze3A : i32
      scf.yield %add3A_242 : i32
    }
    %scan3A_96 = arith.constant 16 : i32
    %scan3A_97 = arith.constant 0 : i32
    %scan3A_98 = arith.constant 0 : i32
    %scan3A_99 = arith.constant 391 : i32
    %scan3A_100 = arith.addi %scan3A_98, %scan3A_99 : i32
    %scan3A_101 = arith.constant 1 : i32
    scf.for %scan3A_226 = %scan3A_98 to %scan3A_100 step %scan3A_101  : i32 {
      %mul3A_227 = arith.constant 16 : i32
      %mul3A_228 = arith.muli %scan3A_226, %mul3A_227 : i32
      %get3A = arith.index_cast %mul3A_228 : i32 to index
      %get3A_229 = tpu.vector_load %arg8[%get3A] {strides = array<i32>} : memref<6256xi32, #tpu.memory_space<vmem>>, vector<16xi32>,
      %shift_right_logical3A = arith.constant 8 : i32
      %shift_right_logical3A_230 = vector.broadcast %shift_right_logical3A : i32 to vector<16xi32>
      %shift_right_logical3A_231 = arith.shrui %get3A_229, %shift_right_logical3A_230 : vector<16xi32>
      %and3A = arith.constant 255 : i32
      %and3A_232 = vector.broadcast %and3A : i32 to vector<16xi32>
      %and3A_233 = arith.andi %shift_right_logical3A_231, %and3A_232 : vector<16xi32>
      %broadcast_in_dim3A = arith.constant true
      %broadcast_in_dim3A_234 = vector.broadcast %broadcast_in_dim3A : i1 to vector<16xi1>
      %unique3A, %unique3A_235 = tpu.scan_count mask(%broadcast_in_dim3A_234 : vector<16xi1>) value(%and3A_233 : vector<16xi32>) : vector<16xi1>, vector<16xi32>
      %gather3A = tpu.vector_load_idx %arg14[%and3A_233] : memref<256xi32, #tpu.memory_space<vmem>>[vector<16xi32>], vector<16xi32>,
      %add3A_236 = arith.addi %gather3A, %unique3A_235 : vector<16xi32>
      %sub3A = arith.constant 1 : i32
      %sub3A_237 = vector.broadcast %sub3A : i32 to vector<16xi32>
      %sub3A_238 = arith.subi %add3A_236, %sub3A_237 : vector<16xi32>
      %mul3A_239 = arith.constant 16 : i32
      %mul3A_240 = arith.muli %scan3A_226, %mul3A_239 : i32
      %swap3A = arith.index_cast %mul3A_240 : i32 to index
      %swap3A_241 = tpu.vector_load %arg10[%swap3A] {strides = array<i32>} : memref<6256xi32, #tpu.memory_space<vmem>>, vector<16xi32>,
      tpu.vector_store %arg10[%swap3A], %sub3A_238 {strides = array<i32>} : memref<6256xi32, #tpu.memory_space<vmem>>, vector<16xi32>,
      %add3A_242 = arith.addi %gather3A, %unique3A_235 : vector<16xi32>
      tpu.vector_store_idx %arg14[%and3A_233], %add3A_242 masked %unique3A : memref<256xi32, #tpu.memory_space<vmem>>[vector<16xi32>], vector<16xi32>, vector<16xi1>
    }
    %scan3A_102 = arith.constant 391 : i32
    %dma_start3A_103 = arith.constant 0 : i32
    %dma_start3A_104 = tpu.memref_slice %arg15[%dma_start3A_103] : memref<100096xi32, #tpu.memory_space<vmem_shared>> -> memref<100096xi32, #tpu.memory_space<vmem_shared>>
    tpu.enqueue_indirect_dma source(%arg8 : memref<6256xi32, #tpu.memory_space<vmem>>) target(%dma_start3A_104 : memref<100096xi32, #tpu.memory_space<vmem_shared>>) offsets(%arg10 : memref<6256xi32, #tpu.memory_space<vmem>>) semaphore(%arg20 : memref<!tpu.dma_semaphore, #tpu.memory_space<semaphore_mem>>)
    %dma_start3A_105 = arith.constant 0 : i32
    %dma_start3A_106 = tpu.memref_slice %arg16[%dma_start3A_105] : memref<100096xi32, #tpu.memory_space<vmem_shared>> -> memref<100096xi32, #tpu.memory_space<vmem_shared>>
    tpu.enqueue_indirect_dma source(%arg9 : memref<6256xi32, #tpu.memory_space<vmem>>) target(%dma_start3A_106 : memref<100096xi32, #tpu.memory_space<vmem_shared>>) offsets(%arg10 : memref<6256xi32, #tpu.memory_space<vmem>>) semaphore(%arg20 : memref<!tpu.dma_semaphore, #tpu.memory_space<semaphore_mem>>)
    %dma_wait3A_107 = arith.constant 0 : i32
    %dma_wait3A_108 = tpu.memref_slice %arg15[%dma_wait3A_107] : memref<100096xi32, #tpu.memory_space<vmem_shared>> -> memref<100096xi32, #tpu.memory_space<vmem_shared>>
    tpu.wait_indirect_dma semaphore(%arg20 : memref<!tpu.dma_semaphore, #tpu.memory_space<semaphore_mem>>) src(%arg8 : memref<6256xi32, #tpu.memory_space<vmem>>) dst(%dma_wait3A_108 : memref<100096xi32, #tpu.memory_space<vmem_shared>>)
    %dma_wait3A_109 = arith.constant 0 : i32
    %dma_wait3A_110 = tpu.memref_slice %arg16[%dma_wait3A_109] : memref<100096xi32, #tpu.memory_space<vmem_shared>> -> memref<100096xi32, #tpu.memory_space<vmem_shared>>
    tpu.wait_indirect_dma semaphore(%arg20 : memref<!tpu.dma_semaphore, #tpu.memory_space<semaphore_mem>>) src(%arg9 : memref<6256xi32, #tpu.memory_space<vmem>>) dst(%dma_wait3A_110 : memref<100096xi32, #tpu.memory_space<vmem_shared>>)
    %barrier3A_111 = arith.constant 0 : index
    tpu.barrier barrier_id(%barrier3A_111)
    "tpu.region"() ({
      %run_scoped3A = tpu.sem_alloc : memref<!tpu.dma_semaphore, #tpu.memory_space<semaphore_mem>>
      %dma_start3A_226 = tpu.memref_slice %arg15[%multiple_of3A] : memref<100096xi32, #tpu.memory_space<vmem_shared>> -> memref<6256xi32, #tpu.memory_space<vmem_shared>>
      %dma_start3A_227 = tpu.memref_slice %arg15[%multiple_of3A] : memref<100096xi32, #tpu.memory_space<vmem_shared>> -> memref<6256xi32, #tpu.memory_space<vmem_shared>>
      tpu.enqueue_dma source(%dma_start3A_227 : memref<6256xi32, #tpu.memory_space<vmem_shared>>) target(%arg8 : memref<6256xi32, #tpu.memory_space<vmem>>) target_semaphore(%run_scoped3A : memref<!tpu.dma_semaphore, #tpu.memory_space<semaphore_mem>>)
      %dma_wait3A_228 = tpu.memref_slice %arg15[%multiple_of3A] : memref<100096xi32, #tpu.memory_space<vmem_shared>> -> memref<6256xi32, #tpu.memory_space<vmem_shared>>
      %dma_wait3A_229 = tpu.memref_slice %arg15[%multiple_of3A] : memref<100096xi32, #tpu.memory_space<vmem_shared>> -> memref<6256xi32, #tpu.memory_space<vmem_shared>>
      tpu.wait_dma2 semaphore(%run_scoped3A : memref<!tpu.dma_semaphore, #tpu.memory_space<semaphore_mem>>) src(%dma_wait3A_229 : memref<6256xi32, #tpu.memory_space<vmem_shared>>) dst(%arg8 : memref<6256xi32, #tpu.memory_space<vmem>>)
      tpu.yield
    }) : () -> ()
    "tpu.region"() ({
      %run_scoped3A = tpu.sem_alloc : memref<!tpu.dma_semaphore, #tpu.memory_space<semaphore_mem>>
      %dma_start3A_226 = tpu.memref_slice %arg16[%multiple_of3A] : memref<100096xi32, #tpu.memory_space<vmem_shared>> -> memref<6256xi32, #tpu.memory_space<vmem_shared>>
      %dma_start3A_227 = tpu.memref_slice %arg16[%multiple_of3A] : memref<100096xi32, #tpu.memory_space<vmem_shared>> -> memref<6256xi32, #tpu.memory_space<vmem_shared>>
      tpu.enqueue_dma source(%dma_start3A_227 : memref<6256xi32, #tpu.memory_space<vmem_shared>>) target(%arg9 : memref<6256xi32, #tpu.memory_space<vmem>>) target_semaphore(%run_scoped3A : memref<!tpu.dma_semaphore, #tpu.memory_space<semaphore_mem>>)
      %dma_wait3A_228 = tpu.memref_slice %arg16[%multiple_of3A] : memref<100096xi32, #tpu.memory_space<vmem_shared>> -> memref<6256xi32, #tpu.memory_space<vmem_shared>>
      %dma_wait3A_229 = tpu.memref_slice %arg16[%multiple_of3A] : memref<100096xi32, #tpu.memory_space<vmem_shared>> -> memref<6256xi32, #tpu.memory_space<vmem_shared>>
      tpu.wait_dma2 semaphore(%run_scoped3A : memref<!tpu.dma_semaphore, #tpu.memory_space<semaphore_mem>>) src(%dma_wait3A_229 : memref<6256xi32, #tpu.memory_space<vmem_shared>>) dst(%arg9 : memref<6256xi32, #tpu.memory_space<vmem>>)
      tpu.yield
    }) : () -> ()
    %scan3A_112 = arith.constant 0 : i32
    %scan3A_113 = arith.constant 0 : i32
    %scan3A_114 = arith.constant 16 : i32
    %scan3A_115 = arith.addi %scan3A_113, %scan3A_114 : i32
    %scan3A_116 = arith.constant 1 : i32
    scf.for %scan3A_226 = %scan3A_113 to %scan3A_115 step %scan3A_116  : i32 {
      %broadcast_in_dim3A = arith.constant 0 : i32
      %broadcast_in_dim3A_227 = vector.broadcast %broadcast_in_dim3A : i32 to vector<16xi32>
      %mul3A_228 = arith.constant 16 : i32
      %mul3A_229 = arith.muli %scan3A_226, %mul3A_228 : i32
      %swap3A = arith.index_cast %mul3A_229 : i32 to index
      %swap3A_230 = tpu.vector_load %arg12[%swap3A] {strides = array<i32>} : memref<256xi32, #tpu.memory_space<vmem>>, vector<16xi32>,
      tpu.vector_store %arg12[%swap3A], %broadcast_in_dim3A_227 {strides = array<i32>} : memref<256xi32, #tpu.memory_space<vmem>>, vector<16xi32>,
    }
    %scan3A_117 = arith.constant 16 : i32
    %scan3A_118 = arith.constant 0 : i32
    %scan3A_119 = arith.constant 0 : i32
    %scan3A_120 = arith.constant 391 : i32
    %scan3A_121 = arith.addi %scan3A_119, %scan3A_120 : i32
    %scan3A_122 = arith.constant 1 : i32
    scf.for %scan3A_226 = %scan3A_119 to %scan3A_121 step %scan3A_122  : i32 {
      %mul3A_227 = arith.constant 16 : i32
      %mul3A_228 = arith.muli %scan3A_226, %mul3A_227 : i32
      %get3A = arith.index_cast %mul3A_228 : i32 to index
      %get3A_229 = tpu.vector_load %arg8[%get3A] {strides = array<i32>} : memref<6256xi32, #tpu.memory_space<vmem>>, vector<16xi32>,
      %shift_right_logical3A = arith.constant 16 : i32
      %shift_right_logical3A_230 = vector.broadcast %shift_right_logical3A : i32 to vector<16xi32>
      %shift_right_logical3A_231 = arith.shrui %get3A_229, %shift_right_logical3A_230 : vector<16xi32>
      %and3A = arith.constant 255 : i32
      %and3A_232 = vector.broadcast %and3A : i32 to vector<16xi32>
      %and3A_233 = arith.andi %shift_right_logical3A_231, %and3A_232 : vector<16xi32>
      %broadcast_in_dim3A = arith.constant true
      %broadcast_in_dim3A_234 = vector.broadcast %broadcast_in_dim3A : i1 to vector<16xi1>
      %unique3A, %unique3A_235 = tpu.scan_count mask(%broadcast_in_dim3A_234 : vector<16xi1>) value(%and3A_233 : vector<16xi32>) : vector<16xi1>, vector<16xi32>
      %gather3A = tpu.vector_load_idx %arg12[%and3A_233] : memref<256xi32, #tpu.memory_space<vmem>>[vector<16xi32>], vector<16xi32>,
      %add3A_236 = arith.addi %gather3A, %unique3A_235 : vector<16xi32>
      tpu.vector_store_idx %arg12[%and3A_233], %add3A_236 masked %unique3A : memref<256xi32, #tpu.memory_space<vmem>>[vector<16xi32>], vector<16xi32>, vector<16xi1>
    }
    %scan3A_123 = arith.constant 391 : i32
    %mul3A_124 = arith.constant 256 : i32
    %mul3A_125 = arith.muli %arg1, %mul3A_124 : i32
    %multiple_of3A_126 = tpu.assume_multiple %mul3A_125, 8 : i32
    "tpu.region"() ({
      %run_scoped3A = tpu.sem_alloc : memref<!tpu.dma_semaphore, #tpu.memory_space<semaphore_mem>>
      %dma_start3A_226 = tpu.memref_slice %arg19[%multiple_of3A_126] : memref<4096xi32, #tpu.memory_space<vmem_shared>> -> memref<256xi32, #tpu.memory_space<vmem_shared>>
      %dma_start3A_227 = tpu.memref_slice %arg19[%multiple_of3A_126] : memref<4096xi32, #tpu.memory_space<vmem_shared>> -> memref<256xi32, #tpu.memory_space<vmem_shared>>
      tpu.enqueue_dma source(%arg12 : memref<256xi32, #tpu.memory_space<vmem>>) target(%dma_start3A_227 : memref<256xi32, #tpu.memory_space<vmem_shared>>) target_semaphore(%run_scoped3A : memref<!tpu.dma_semaphore, #tpu.memory_space<semaphore_mem>>)
      %dma_wait3A_228 = tpu.memref_slice %arg19[%multiple_of3A_126] : memref<4096xi32, #tpu.memory_space<vmem_shared>> -> memref<256xi32, #tpu.memory_space<vmem_shared>>
      %dma_wait3A_229 = tpu.memref_slice %arg19[%multiple_of3A_126] : memref<4096xi32, #tpu.memory_space<vmem_shared>> -> memref<256xi32, #tpu.memory_space<vmem_shared>>
      tpu.wait_dma2 semaphore(%run_scoped3A : memref<!tpu.dma_semaphore, #tpu.memory_space<semaphore_mem>>) src(%arg12 : memref<256xi32, #tpu.memory_space<vmem>>) dst(%dma_wait3A_229 : memref<256xi32, #tpu.memory_space<vmem_shared>>)
      tpu.yield
    }) : () -> ()
    %barrier3A_127 = arith.constant 0 : index
    tpu.barrier barrier_id(%barrier3A_127)
    "tpu.region"() ({
      %run_scoped3A = tpu.sem_alloc : memref<!tpu.dma_semaphore, #tpu.memory_space<semaphore_mem>>
      tpu.enqueue_dma source(%arg19 : memref<4096xi32, #tpu.memory_space<vmem_shared>>) target(%arg11 : memref<4096xi32, #tpu.memory_space<vmem>>) target_semaphore(%run_scoped3A : memref<!tpu.dma_semaphore, #tpu.memory_space<semaphore_mem>>)
      tpu.wait_dma2 semaphore(%run_scoped3A : memref<!tpu.dma_semaphore, #tpu.memory_space<semaphore_mem>>) src(%arg19 : memref<4096xi32, #tpu.memory_space<vmem_shared>>) dst(%arg11 : memref<4096xi32, #tpu.memory_space<vmem>>)
      tpu.yield
    }) : () -> ()
    %scan3A_128 = arith.constant 0 : i32
    %scan3A_129 = arith.constant 0 : i32
    %scan3A_130 = arith.constant 16 : i32
    %scan3A_131 = arith.addi %scan3A_129, %scan3A_130 : i32
    %scan3A_132 = arith.constant 1 : i32
    scf.for %scan3A_226 = %scan3A_129 to %scan3A_131 step %scan3A_132  : i32 {
      %broadcast_in_dim3A = arith.constant 0 : i32
      %broadcast_in_dim3A_227 = vector.broadcast %broadcast_in_dim3A : i32 to vector<16xi32>
      %mul3A_228 = arith.constant 16 : i32
      %mul3A_229 = arith.muli %scan3A_226, %mul3A_228 : i32
      %swap3A = arith.index_cast %mul3A_229 : i32 to index
      %swap3A_230 = tpu.vector_load %arg13[%swap3A] {strides = array<i32>} : memref<256xi32, #tpu.memory_space<vmem>>, vector<16xi32>,
      tpu.vector_store %arg13[%swap3A], %broadcast_in_dim3A_227 {strides = array<i32>} : memref<256xi32, #tpu.memory_space<vmem>>, vector<16xi32>,
    }
    %scan3A_133 = arith.constant 16 : i32
    %scan3A_134 = arith.constant 0 : i32
    %scan3A_135 = arith.constant 0 : i32
    %scan3A_136 = arith.constant 16 : i32
    %scan3A_137 = arith.addi %scan3A_135, %scan3A_136 : i32
    %scan3A_138 = arith.constant 1 : i32
    scf.for %scan3A_226 = %scan3A_135 to %scan3A_137 step %scan3A_138  : i32 {
      %broadcast_in_dim3A = arith.constant 0 : i32
      %broadcast_in_dim3A_227 = vector.broadcast %broadcast_in_dim3A : i32 to vector<16xi32>
      %mul3A_228 = arith.constant 16 : i32
      %mul3A_229 = arith.muli %scan3A_226, %mul3A_228 : i32
      %swap3A = arith.index_cast %mul3A_229 : i32 to index
      %swap3A_230 = tpu.vector_load %arg14[%swap3A] {strides = array<i32>} : memref<256xi32, #tpu.memory_space<vmem>>, vector<16xi32>,
      tpu.vector_store %arg14[%swap3A], %broadcast_in_dim3A_227 {strides = array<i32>} : memref<256xi32, #tpu.memory_space<vmem>>, vector<16xi32>,
    }
    %scan3A_139 = arith.constant 16 : i32
    %scan3A_140 = arith.constant 0 : i32
    %scan3A_141 = arith.constant 0 : i32
    %scan3A_142 = arith.constant 16 : i32
    %scan3A_143 = arith.addi %scan3A_141, %scan3A_142 : i32
    %scan3A_144 = arith.constant 1 : i32
    scf.for %scan3A_226 = %scan3A_141 to %scan3A_143 step %scan3A_144  : i32 {
      %lt3A = arith.cmpi slt, %scan3A_226, %arg1 : i32
      %convert_element_type3A_227 = arith.extui %lt3A : i1 to i32
      %broadcast_in_dim3A = vector.broadcast %convert_element_type3A_227 : i32 to vector<16xi32>
      %scan3A_228 = arith.constant 0 : i32
      %scan3A_229 = arith.constant 16 : i32
      %scan3A_230 = arith.addi %scan3A_228, %scan3A_229 : i32
      %scan3A_231 = arith.constant 1 : i32
      scf.for %scan3A_233 = %scan3A_228 to %scan3A_230 step %scan3A_231  : i32 {
        %mul3A_234 = arith.constant 256 : i32
        %mul3A_235 = arith.muli %scan3A_226, %mul3A_234 : i32
        %mul3A_236 = arith.constant 16 : i32
        %mul3A_237 = arith.muli %scan3A_233, %mul3A_236 : i32
        %add3A_238 = arith.addi %mul3A_235, %mul3A_237 : i32
        %get3A = arith.index_cast %add3A_238 : i32 to index
        %get3A_239 = tpu.vector_load %arg11[%get3A] {strides = array<i32>} : memref<4096xi32, #tpu.memory_space<vmem>>, vector<16xi32>,
        %mul3A_240 = arith.constant 16 : i32
        %mul3A_241 = arith.muli %scan3A_233, %mul3A_240 : i32
        %get3A_242 = arith.index_cast %mul3A_241 : i32 to index
        %get3A_243 = tpu.vector_load %arg13[%get3A_242] {strides = array<i32>} : memref<256xi32, #tpu.memory_space<vmem>>, vector<16xi32>,
        %add3A_244 = arith.addi %get3A_243, %get3A_239 : vector<16xi32>
        %mul3A_245 = arith.constant 16 : i32
        %mul3A_246 = arith.muli %scan3A_233, %mul3A_245 : i32
        %swap3A = arith.index_cast %mul3A_246 : i32 to index
        %swap3A_247 = tpu.vector_load %arg13[%swap3A] {strides = array<i32>} : memref<256xi32, #tpu.memory_space<vmem>>, vector<16xi32>,
        tpu.vector_store %arg13[%swap3A], %add3A_244 {strides = array<i32>} : memref<256xi32, #tpu.memory_space<vmem>>, vector<16xi32>,
        %mul3A_248 = arith.constant 16 : i32
        %mul3A_249 = arith.muli %scan3A_233, %mul3A_248 : i32
        %get3A_250 = arith.index_cast %mul3A_249 : i32 to index
        %get3A_251 = tpu.vector_load %arg14[%get3A_250] {strides = array<i32>} : memref<256xi32, #tpu.memory_space<vmem>>, vector<16xi32>,
        %mul3A_252 = arith.muli %get3A_239, %broadcast_in_dim3A : vector<16xi32>
        %add3A_253 = arith.addi %get3A_251, %mul3A_252 : vector<16xi32>
        %mul3A_254 = arith.constant 16 : i32
        %mul3A_255 = arith.muli %scan3A_233, %mul3A_254 : i32
        %swap3A_256 = arith.index_cast %mul3A_255 : i32 to index
        %swap3A_257 = tpu.vector_load %arg14[%swap3A_256] {strides = array<i32>} : memref<256xi32, #tpu.memory_space<vmem>>, vector<16xi32>,
        tpu.vector_store %arg14[%swap3A_256], %add3A_253 {strides = array<i32>} : memref<256xi32, #tpu.memory_space<vmem>>, vector<16xi32>,
      }
      %scan3A_232 = arith.constant 16 : i32
    }
    %scan3A_145 = arith.constant 16 : i32
    %scan3A_146 = arith.constant 0 : i32
    %scan3A_147 = arith.constant 0 : i32
    %scan3A_148 = arith.constant 16 : i32
    %scan3A_149 = arith.addi %scan3A_147, %scan3A_148 : i32
    %scan3A_150 = arith.constant 1 : i32
    %scan3A_151 = scf.for %scan3A_226 = %scan3A_147 to %scan3A_149 step %scan3A_150 iter_args(%scan3A_227 = %scan3A_146) -> (i32)  : i32 {
      %mul3A_228 = arith.constant 16 : i32
      %mul3A_229 = arith.muli %scan3A_226, %mul3A_228 : i32
      %get3A = arith.index_cast %mul3A_229 : i32 to index
      %get3A_230 = tpu.vector_load %arg13[%get3A] {strides = array<i32>} : memref<256xi32, #tpu.memory_space<vmem>>, vector<16xi32>,
      %broadcast_in_dim3A = arith.constant true
      %broadcast_in_dim3A_231 = vector.broadcast %broadcast_in_dim3A : i1 to vector<16xi1>
      %masked_cumsum3A = tpu.scan <sum>, %get3A_230 masked %broadcast_in_dim3A_231 : vector<16xi32>, vector<16xi1> -> vector<16xi32>
      %sub3A = arith.subi %masked_cumsum3A, %get3A_230 : vector<16xi32>
      %add3A_232 = vector.broadcast %scan3A_227 : i32 to vector<16xi32>
      %add3A_233 = arith.addi %sub3A, %add3A_232 : vector<16xi32>
      %mul3A_234 = arith.constant 16 : i32
      %mul3A_235 = arith.muli %scan3A_226, %mul3A_234 : i32
      %get3A_236 = arith.index_cast %mul3A_235 : i32 to index
      %get3A_237 = tpu.vector_load %arg14[%get3A_236] {strides = array<i32>} : memref<256xi32, #tpu.memory_space<vmem>>, vector<16xi32>,
      %add3A_238 = arith.addi %get3A_237, %add3A_233 : vector<16xi32>
      %mul3A_239 = arith.constant 16 : i32
      %mul3A_240 = arith.muli %scan3A_226, %mul3A_239 : i32
      %swap3A = arith.index_cast %mul3A_240 : i32 to index
      %swap3A_241 = tpu.vector_load %arg14[%swap3A] {strides = array<i32>} : memref<256xi32, #tpu.memory_space<vmem>>, vector<16xi32>,
      tpu.vector_store %arg14[%swap3A], %add3A_238 {strides = array<i32>} : memref<256xi32, #tpu.memory_space<vmem>>, vector<16xi32>,
      %slice3A = vector.extract_strided_slice %masked_cumsum3A {offsets = [15], sizes = [1], strides = [1]} : vector<16xi32> to vector<1xi32>
      %squeeze3A = vector.extract %slice3A[0] : i32 from vector<1xi32>
      %add3A_242 = arith.addi %scan3A_227, %squeeze3A : i32
      scf.yield %add3A_242 : i32
    }
    %scan3A_152 = arith.constant 16 : i32
    %scan3A_153 = arith.constant 0 : i32
    %scan3A_154 = arith.constant 0 : i32
    %scan3A_155 = arith.constant 391 : i32
    %scan3A_156 = arith.addi %scan3A_154, %scan3A_155 : i32
    %scan3A_157 = arith.constant 1 : i32
    scf.for %scan3A_226 = %scan3A_154 to %scan3A_156 step %scan3A_157  : i32 {
      %mul3A_227 = arith.constant 16 : i32
      %mul3A_228 = arith.muli %scan3A_226, %mul3A_227 : i32
      %get3A = arith.index_cast %mul3A_228 : i32 to index
      %get3A_229 = tpu.vector_load %arg8[%get3A] {strides = array<i32>} : memref<6256xi32, #tpu.memory_space<vmem>>, vector<16xi32>,
      %shift_right_logical3A = arith.constant 16 : i32
      %shift_right_logical3A_230 = vector.broadcast %shift_right_logical3A : i32 to vector<16xi32>
      %shift_right_logical3A_231 = arith.shrui %get3A_229, %shift_right_logical3A_230 : vector<16xi32>
      %and3A = arith.constant 255 : i32
      %and3A_232 = vector.broadcast %and3A : i32 to vector<16xi32>
      %and3A_233 = arith.andi %shift_right_logical3A_231, %and3A_232 : vector<16xi32>
      %broadcast_in_dim3A = arith.constant true
      %broadcast_in_dim3A_234 = vector.broadcast %broadcast_in_dim3A : i1 to vector<16xi1>
      %unique3A, %unique3A_235 = tpu.scan_count mask(%broadcast_in_dim3A_234 : vector<16xi1>) value(%and3A_233 : vector<16xi32>) : vector<16xi1>, vector<16xi32>
      %gather3A = tpu.vector_load_idx %arg14[%and3A_233] : memref<256xi32, #tpu.memory_space<vmem>>[vector<16xi32>], vector<16xi32>,
      %add3A_236 = arith.addi %gather3A, %unique3A_235 : vector<16xi32>
      %sub3A = arith.constant 1 : i32
      %sub3A_237 = vector.broadcast %sub3A : i32 to vector<16xi32>
      %sub3A_238 = arith.subi %add3A_236, %sub3A_237 : vector<16xi32>
      %mul3A_239 = arith.constant 16 : i32
      %mul3A_240 = arith.muli %scan3A_226, %mul3A_239 : i32
      %swap3A = arith.index_cast %mul3A_240 : i32 to index
      %swap3A_241 = tpu.vector_load %arg10[%swap3A] {strides = array<i32>} : memref<6256xi32, #tpu.memory_space<vmem>>, vector<16xi32>,
      tpu.vector_store %arg10[%swap3A], %sub3A_238 {strides = array<i32>} : memref<6256xi32, #tpu.memory_space<vmem>>, vector<16xi32>,
      %add3A_242 = arith.addi %gather3A, %unique3A_235 : vector<16xi32>
      tpu.vector_store_idx %arg14[%and3A_233], %add3A_242 masked %unique3A : memref<256xi32, #tpu.memory_space<vmem>>[vector<16xi32>], vector<16xi32>, vector<16xi1>
    }
    %scan3A_158 = arith.constant 391 : i32
    %dma_start3A_159 = arith.constant 0 : i32
    %dma_start3A_160 = tpu.memref_slice %arg17[%dma_start3A_159] : memref<100096xi32, #tpu.memory_space<vmem_shared>> -> memref<100096xi32, #tpu.memory_space<vmem_shared>>
    tpu.enqueue_indirect_dma source(%arg8 : memref<6256xi32, #tpu.memory_space<vmem>>) target(%dma_start3A_160 : memref<100096xi32, #tpu.memory_space<vmem_shared>>) offsets(%arg10 : memref<6256xi32, #tpu.memory_space<vmem>>) semaphore(%arg20 : memref<!tpu.dma_semaphore, #tpu.memory_space<semaphore_mem>>)
    %dma_start3A_161 = arith.constant 0 : i32
    %dma_start3A_162 = tpu.memref_slice %arg18[%dma_start3A_161] : memref<100096xi32, #tpu.memory_space<vmem_shared>> -> memref<100096xi32, #tpu.memory_space<vmem_shared>>
    tpu.enqueue_indirect_dma source(%arg9 : memref<6256xi32, #tpu.memory_space<vmem>>) target(%dma_start3A_162 : memref<100096xi32, #tpu.memory_space<vmem_shared>>) offsets(%arg10 : memref<6256xi32, #tpu.memory_space<vmem>>) semaphore(%arg20 : memref<!tpu.dma_semaphore, #tpu.memory_space<semaphore_mem>>)
    %dma_wait3A_163 = arith.constant 0 : i32
    %dma_wait3A_164 = tpu.memref_slice %arg17[%dma_wait3A_163] : memref<100096xi32, #tpu.memory_space<vmem_shared>> -> memref<100096xi32, #tpu.memory_space<vmem_shared>>
    tpu.wait_indirect_dma semaphore(%arg20 : memref<!tpu.dma_semaphore, #tpu.memory_space<semaphore_mem>>) src(%arg8 : memref<6256xi32, #tpu.memory_space<vmem>>) dst(%dma_wait3A_164 : memref<100096xi32, #tpu.memory_space<vmem_shared>>)
    %dma_wait3A_165 = arith.constant 0 : i32
    %dma_wait3A_166 = tpu.memref_slice %arg18[%dma_wait3A_165] : memref<100096xi32, #tpu.memory_space<vmem_shared>> -> memref<100096xi32, #tpu.memory_space<vmem_shared>>
    tpu.wait_indirect_dma semaphore(%arg20 : memref<!tpu.dma_semaphore, #tpu.memory_space<semaphore_mem>>) src(%arg9 : memref<6256xi32, #tpu.memory_space<vmem>>) dst(%dma_wait3A_166 : memref<100096xi32, #tpu.memory_space<vmem_shared>>)
    %barrier3A_167 = arith.constant 0 : index
    tpu.barrier barrier_id(%barrier3A_167)
    "tpu.region"() ({
      %run_scoped3A = tpu.sem_alloc : memref<!tpu.dma_semaphore, #tpu.memory_space<semaphore_mem>>
      %dma_start3A_226 = tpu.memref_slice %arg17[%multiple_of3A] : memref<100096xi32, #tpu.memory_space<vmem_shared>> -> memref<6256xi32, #tpu.memory_space<vmem_shared>>
      %dma_start3A_227 = tpu.memref_slice %arg17[%multiple_of3A] : memref<100096xi32, #tpu.memory_space<vmem_shared>> -> memref<6256xi32, #tpu.memory_space<vmem_shared>>
      tpu.enqueue_dma source(%dma_start3A_227 : memref<6256xi32, #tpu.memory_space<vmem_shared>>) target(%arg8 : memref<6256xi32, #tpu.memory_space<vmem>>) target_semaphore(%run_scoped3A : memref<!tpu.dma_semaphore, #tpu.memory_space<semaphore_mem>>)
      %dma_wait3A_228 = tpu.memref_slice %arg17[%multiple_of3A] : memref<100096xi32, #tpu.memory_space<vmem_shared>> -> memref<6256xi32, #tpu.memory_space<vmem_shared>>
      %dma_wait3A_229 = tpu.memref_slice %arg17[%multiple_of3A] : memref<100096xi32, #tpu.memory_space<vmem_shared>> -> memref<6256xi32, #tpu.memory_space<vmem_shared>>
      tpu.wait_dma2 semaphore(%run_scoped3A : memref<!tpu.dma_semaphore, #tpu.memory_space<semaphore_mem>>) src(%dma_wait3A_229 : memref<6256xi32, #tpu.memory_space<vmem_shared>>) dst(%arg8 : memref<6256xi32, #tpu.memory_space<vmem>>)
      tpu.yield
    }) : () -> ()
    "tpu.region"() ({
      %run_scoped3A = tpu.sem_alloc : memref<!tpu.dma_semaphore, #tpu.memory_space<semaphore_mem>>
      %dma_start3A_226 = tpu.memref_slice %arg18[%multiple_of3A] : memref<100096xi32, #tpu.memory_space<vmem_shared>> -> memref<6256xi32, #tpu.memory_space<vmem_shared>>
      %dma_start3A_227 = tpu.memref_slice %arg18[%multiple_of3A] : memref<100096xi32, #tpu.memory_space<vmem_shared>> -> memref<6256xi32, #tpu.memory_space<vmem_shared>>
      tpu.enqueue_dma source(%dma_start3A_227 : memref<6256xi32, #tpu.memory_space<vmem_shared>>) target(%arg9 : memref<6256xi32, #tpu.memory_space<vmem>>) target_semaphore(%run_scoped3A : memref<!tpu.dma_semaphore, #tpu.memory_space<semaphore_mem>>)
      %dma_wait3A_228 = tpu.memref_slice %arg18[%multiple_of3A] : memref<100096xi32, #tpu.memory_space<vmem_shared>> -> memref<6256xi32, #tpu.memory_space<vmem_shared>>
      %dma_wait3A_229 = tpu.memref_slice %arg18[%multiple_of3A] : memref<100096xi32, #tpu.memory_space<vmem_shared>> -> memref<6256xi32, #tpu.memory_space<vmem_shared>>
      tpu.wait_dma2 semaphore(%run_scoped3A : memref<!tpu.dma_semaphore, #tpu.memory_space<semaphore_mem>>) src(%dma_wait3A_229 : memref<6256xi32, #tpu.memory_space<vmem_shared>>) dst(%arg9 : memref<6256xi32, #tpu.memory_space<vmem>>)
      tpu.yield
    }) : () -> ()
    %scan3A_168 = arith.constant 0 : i32
    %scan3A_169 = arith.constant 0 : i32
    %scan3A_170 = arith.constant 16 : i32
    %scan3A_171 = arith.addi %scan3A_169, %scan3A_170 : i32
    %scan3A_172 = arith.constant 1 : i32
    scf.for %scan3A_226 = %scan3A_169 to %scan3A_171 step %scan3A_172  : i32 {
      %broadcast_in_dim3A = arith.constant 0 : i32
      %broadcast_in_dim3A_227 = vector.broadcast %broadcast_in_dim3A : i32 to vector<16xi32>
      %mul3A_228 = arith.constant 16 : i32
      %mul3A_229 = arith.muli %scan3A_226, %mul3A_228 : i32
      %swap3A = arith.index_cast %mul3A_229 : i32 to index
      %swap3A_230 = tpu.vector_load %arg12[%swap3A] {strides = array<i32>} : memref<256xi32, #tpu.memory_space<vmem>>, vector<16xi32>,
      tpu.vector_store %arg12[%swap3A], %broadcast_in_dim3A_227 {strides = array<i32>} : memref<256xi32, #tpu.memory_space<vmem>>, vector<16xi32>,
    }
    %scan3A_173 = arith.constant 16 : i32
    %scan3A_174 = arith.constant 0 : i32
    %scan3A_175 = arith.constant 0 : i32
    %scan3A_176 = arith.constant 391 : i32
    %scan3A_177 = arith.addi %scan3A_175, %scan3A_176 : i32
    %scan3A_178 = arith.constant 1 : i32
    scf.for %scan3A_226 = %scan3A_175 to %scan3A_177 step %scan3A_178  : i32 {
      %mul3A_227 = arith.constant 16 : i32
      %mul3A_228 = arith.muli %scan3A_226, %mul3A_227 : i32
      %get3A = arith.index_cast %mul3A_228 : i32 to index
      %get3A_229 = tpu.vector_load %arg8[%get3A] {strides = array<i32>} : memref<6256xi32, #tpu.memory_space<vmem>>, vector<16xi32>,
      %shift_right_logical3A = arith.constant 24 : i32
      %shift_right_logical3A_230 = vector.broadcast %shift_right_logical3A : i32 to vector<16xi32>
      %shift_right_logical3A_231 = arith.shrui %get3A_229, %shift_right_logical3A_230 : vector<16xi32>
      %and3A = arith.constant 255 : i32
      %and3A_232 = vector.broadcast %and3A : i32 to vector<16xi32>
      %and3A_233 = arith.andi %shift_right_logical3A_231, %and3A_232 : vector<16xi32>
      %broadcast_in_dim3A = arith.constant true
      %broadcast_in_dim3A_234 = vector.broadcast %broadcast_in_dim3A : i1 to vector<16xi1>
      %unique3A, %unique3A_235 = tpu.scan_count mask(%broadcast_in_dim3A_234 : vector<16xi1>) value(%and3A_233 : vector<16xi32>) : vector<16xi1>, vector<16xi32>
      %gather3A = tpu.vector_load_idx %arg12[%and3A_233] : memref<256xi32, #tpu.memory_space<vmem>>[vector<16xi32>], vector<16xi32>,
      %add3A_236 = arith.addi %gather3A, %unique3A_235 : vector<16xi32>
      tpu.vector_store_idx %arg12[%and3A_233], %add3A_236 masked %unique3A : memref<256xi32, #tpu.memory_space<vmem>>[vector<16xi32>], vector<16xi32>, vector<16xi1>
    }
    %scan3A_179 = arith.constant 391 : i32
    %mul3A_180 = arith.constant 256 : i32
    %mul3A_181 = arith.muli %arg1, %mul3A_180 : i32
    %multiple_of3A_182 = tpu.assume_multiple %mul3A_181, 8 : i32
    "tpu.region"() ({
      %run_scoped3A = tpu.sem_alloc : memref<!tpu.dma_semaphore, #tpu.memory_space<semaphore_mem>>
      %dma_start3A_226 = tpu.memref_slice %arg19[%multiple_of3A_182] : memref<4096xi32, #tpu.memory_space<vmem_shared>> -> memref<256xi32, #tpu.memory_space<vmem_shared>>
      %dma_start3A_227 = tpu.memref_slice %arg19[%multiple_of3A_182] : memref<4096xi32, #tpu.memory_space<vmem_shared>> -> memref<256xi32, #tpu.memory_space<vmem_shared>>
      tpu.enqueue_dma source(%arg12 : memref<256xi32, #tpu.memory_space<vmem>>) target(%dma_start3A_227 : memref<256xi32, #tpu.memory_space<vmem_shared>>) target_semaphore(%run_scoped3A : memref<!tpu.dma_semaphore, #tpu.memory_space<semaphore_mem>>)
      %dma_wait3A_228 = tpu.memref_slice %arg19[%multiple_of3A_182] : memref<4096xi32, #tpu.memory_space<vmem_shared>> -> memref<256xi32, #tpu.memory_space<vmem_shared>>
      %dma_wait3A_229 = tpu.memref_slice %arg19[%multiple_of3A_182] : memref<4096xi32, #tpu.memory_space<vmem_shared>> -> memref<256xi32, #tpu.memory_space<vmem_shared>>
      tpu.wait_dma2 semaphore(%run_scoped3A : memref<!tpu.dma_semaphore, #tpu.memory_space<semaphore_mem>>) src(%arg12 : memref<256xi32, #tpu.memory_space<vmem>>) dst(%dma_wait3A_229 : memref<256xi32, #tpu.memory_space<vmem_shared>>)
      tpu.yield
    }) : () -> ()
    %barrier3A_183 = arith.constant 0 : index
    tpu.barrier barrier_id(%barrier3A_183)
    "tpu.region"() ({
      %run_scoped3A = tpu.sem_alloc : memref<!tpu.dma_semaphore, #tpu.memory_space<semaphore_mem>>
      tpu.enqueue_dma source(%arg19 : memref<4096xi32, #tpu.memory_space<vmem_shared>>) target(%arg11 : memref<4096xi32, #tpu.memory_space<vmem>>) target_semaphore(%run_scoped3A : memref<!tpu.dma_semaphore, #tpu.memory_space<semaphore_mem>>)
      tpu.wait_dma2 semaphore(%run_scoped3A : memref<!tpu.dma_semaphore, #tpu.memory_space<semaphore_mem>>) src(%arg19 : memref<4096xi32, #tpu.memory_space<vmem_shared>>) dst(%arg11 : memref<4096xi32, #tpu.memory_space<vmem>>)
      tpu.yield
    }) : () -> ()
    %scan3A_184 = arith.constant 0 : i32
    %scan3A_185 = arith.constant 0 : i32
    %scan3A_186 = arith.constant 16 : i32
    %scan3A_187 = arith.addi %scan3A_185, %scan3A_186 : i32
    %scan3A_188 = arith.constant 1 : i32
    scf.for %scan3A_226 = %scan3A_185 to %scan3A_187 step %scan3A_188  : i32 {
      %broadcast_in_dim3A = arith.constant 0 : i32
      %broadcast_in_dim3A_227 = vector.broadcast %broadcast_in_dim3A : i32 to vector<16xi32>
      %mul3A_228 = arith.constant 16 : i32
      %mul3A_229 = arith.muli %scan3A_226, %mul3A_228 : i32
      %swap3A = arith.index_cast %mul3A_229 : i32 to index
      %swap3A_230 = tpu.vector_load %arg13[%swap3A] {strides = array<i32>} : memref<256xi32, #tpu.memory_space<vmem>>, vector<16xi32>,
      tpu.vector_store %arg13[%swap3A], %broadcast_in_dim3A_227 {strides = array<i32>} : memref<256xi32, #tpu.memory_space<vmem>>, vector<16xi32>,
    }
    %scan3A_189 = arith.constant 16 : i32
    %scan3A_190 = arith.constant 0 : i32
    %scan3A_191 = arith.constant 0 : i32
    %scan3A_192 = arith.constant 16 : i32
    %scan3A_193 = arith.addi %scan3A_191, %scan3A_192 : i32
    %scan3A_194 = arith.constant 1 : i32
    scf.for %scan3A_226 = %scan3A_191 to %scan3A_193 step %scan3A_194  : i32 {
      %broadcast_in_dim3A = arith.constant 0 : i32
      %broadcast_in_dim3A_227 = vector.broadcast %broadcast_in_dim3A : i32 to vector<16xi32>
      %mul3A_228 = arith.constant 16 : i32
      %mul3A_229 = arith.muli %scan3A_226, %mul3A_228 : i32
      %swap3A = arith.index_cast %mul3A_229 : i32 to index
      %swap3A_230 = tpu.vector_load %arg14[%swap3A] {strides = array<i32>} : memref<256xi32, #tpu.memory_space<vmem>>, vector<16xi32>,
      tpu.vector_store %arg14[%swap3A], %broadcast_in_dim3A_227 {strides = array<i32>} : memref<256xi32, #tpu.memory_space<vmem>>, vector<16xi32>,
    }
    %scan3A_195 = arith.constant 16 : i32
    %scan3A_196 = arith.constant 0 : i32
    %scan3A_197 = arith.constant 0 : i32
    %scan3A_198 = arith.constant 16 : i32
    %scan3A_199 = arith.addi %scan3A_197, %scan3A_198 : i32
    %scan3A_200 = arith.constant 1 : i32
    scf.for %scan3A_226 = %scan3A_197 to %scan3A_199 step %scan3A_200  : i32 {
      %lt3A = arith.cmpi slt, %scan3A_226, %arg1 : i32
      %convert_element_type3A_227 = arith.extui %lt3A : i1 to i32
      %broadcast_in_dim3A = vector.broadcast %convert_element_type3A_227 : i32 to vector<16xi32>
      %scan3A_228 = arith.constant 0 : i32
      %scan3A_229 = arith.constant 16 : i32
      %scan3A_230 = arith.addi %scan3A_228, %scan3A_229 : i32
      %scan3A_231 = arith.constant 1 : i32
      scf.for %scan3A_233 = %scan3A_228 to %scan3A_230 step %scan3A_231  : i32 {
        %mul3A_234 = arith.constant 256 : i32
        %mul3A_235 = arith.muli %scan3A_226, %mul3A_234 : i32
        %mul3A_236 = arith.constant 16 : i32
        %mul3A_237 = arith.muli %scan3A_233, %mul3A_236 : i32
        %add3A_238 = arith.addi %mul3A_235, %mul3A_237 : i32
        %get3A = arith.index_cast %add3A_238 : i32 to index
        %get3A_239 = tpu.vector_load %arg11[%get3A] {strides = array<i32>} : memref<4096xi32, #tpu.memory_space<vmem>>, vector<16xi32>,
        %mul3A_240 = arith.constant 16 : i32
        %mul3A_241 = arith.muli %scan3A_233, %mul3A_240 : i32
        %get3A_242 = arith.index_cast %mul3A_241 : i32 to index
        %get3A_243 = tpu.vector_load %arg13[%get3A_242] {strides = array<i32>} : memref<256xi32, #tpu.memory_space<vmem>>, vector<16xi32>,
        %add3A_244 = arith.addi %get3A_243, %get3A_239 : vector<16xi32>
        %mul3A_245 = arith.constant 16 : i32
        %mul3A_246 = arith.muli %scan3A_233, %mul3A_245 : i32
        %swap3A = arith.index_cast %mul3A_246 : i32 to index
        %swap3A_247 = tpu.vector_load %arg13[%swap3A] {strides = array<i32>} : memref<256xi32, #tpu.memory_space<vmem>>, vector<16xi32>,
        tpu.vector_store %arg13[%swap3A], %add3A_244 {strides = array<i32>} : memref<256xi32, #tpu.memory_space<vmem>>, vector<16xi32>,
        %mul3A_248 = arith.constant 16 : i32
        %mul3A_249 = arith.muli %scan3A_233, %mul3A_248 : i32
        %get3A_250 = arith.index_cast %mul3A_249 : i32 to index
        %get3A_251 = tpu.vector_load %arg14[%get3A_250] {strides = array<i32>} : memref<256xi32, #tpu.memory_space<vmem>>, vector<16xi32>,
        %mul3A_252 = arith.muli %get3A_239, %broadcast_in_dim3A : vector<16xi32>
        %add3A_253 = arith.addi %get3A_251, %mul3A_252 : vector<16xi32>
        %mul3A_254 = arith.constant 16 : i32
        %mul3A_255 = arith.muli %scan3A_233, %mul3A_254 : i32
        %swap3A_256 = arith.index_cast %mul3A_255 : i32 to index
        %swap3A_257 = tpu.vector_load %arg14[%swap3A_256] {strides = array<i32>} : memref<256xi32, #tpu.memory_space<vmem>>, vector<16xi32>,
        tpu.vector_store %arg14[%swap3A_256], %add3A_253 {strides = array<i32>} : memref<256xi32, #tpu.memory_space<vmem>>, vector<16xi32>,
      }
      %scan3A_232 = arith.constant 16 : i32
    }
    %scan3A_201 = arith.constant 16 : i32
    %scan3A_202 = arith.constant 0 : i32
    %scan3A_203 = arith.constant 0 : i32
    %scan3A_204 = arith.constant 16 : i32
    %scan3A_205 = arith.addi %scan3A_203, %scan3A_204 : i32
    %scan3A_206 = arith.constant 1 : i32
    %scan3A_207 = scf.for %scan3A_226 = %scan3A_203 to %scan3A_205 step %scan3A_206 iter_args(%scan3A_227 = %scan3A_202) -> (i32)  : i32 {
      %mul3A_228 = arith.constant 16 : i32
      %mul3A_229 = arith.muli %scan3A_226, %mul3A_228 : i32
      %get3A = arith.index_cast %mul3A_229 : i32 to index
      %get3A_230 = tpu.vector_load %arg13[%get3A] {strides = array<i32>} : memref<256xi32, #tpu.memory_space<vmem>>, vector<16xi32>,
      %broadcast_in_dim3A = arith.constant true
      %broadcast_in_dim3A_231 = vector.broadcast %broadcast_in_dim3A : i1 to vector<16xi1>
      %masked_cumsum3A = tpu.scan <sum>, %get3A_230 masked %broadcast_in_dim3A_231 : vector<16xi32>, vector<16xi1> -> vector<16xi32>
      %sub3A = arith.subi %masked_cumsum3A, %get3A_230 : vector<16xi32>
      %add3A_232 = vector.broadcast %scan3A_227 : i32 to vector<16xi32>
      %add3A_233 = arith.addi %sub3A, %add3A_232 : vector<16xi32>
      %mul3A_234 = arith.constant 16 : i32
      %mul3A_235 = arith.muli %scan3A_226, %mul3A_234 : i32
      %get3A_236 = arith.index_cast %mul3A_235 : i32 to index
      %get3A_237 = tpu.vector_load %arg14[%get3A_236] {strides = array<i32>} : memref<256xi32, #tpu.memory_space<vmem>>, vector<16xi32>,
      %add3A_238 = arith.addi %get3A_237, %add3A_233 : vector<16xi32>
      %mul3A_239 = arith.constant 16 : i32
      %mul3A_240 = arith.muli %scan3A_226, %mul3A_239 : i32
      %swap3A = arith.index_cast %mul3A_240 : i32 to index
      %swap3A_241 = tpu.vector_load %arg14[%swap3A] {strides = array<i32>} : memref<256xi32, #tpu.memory_space<vmem>>, vector<16xi32>,
      tpu.vector_store %arg14[%swap3A], %add3A_238 {strides = array<i32>} : memref<256xi32, #tpu.memory_space<vmem>>, vector<16xi32>,
      %slice3A = vector.extract_strided_slice %masked_cumsum3A {offsets = [15], sizes = [1], strides = [1]} : vector<16xi32> to vector<1xi32>
      %squeeze3A = vector.extract %slice3A[0] : i32 from vector<1xi32>
      %add3A_242 = arith.addi %scan3A_227, %squeeze3A : i32
      scf.yield %add3A_242 : i32
    }
    %scan3A_208 = arith.constant 16 : i32
    %scan3A_209 = arith.constant 0 : i32
    %scan3A_210 = arith.constant 0 : i32
    %scan3A_211 = arith.constant 391 : i32
    %scan3A_212 = arith.addi %scan3A_210, %scan3A_211 : i32
    %scan3A_213 = arith.constant 1 : i32
    scf.for %scan3A_226 = %scan3A_210 to %scan3A_212 step %scan3A_213  : i32 {
      %mul3A_227 = arith.constant 16 : i32
      %mul3A_228 = arith.muli %scan3A_226, %mul3A_227 : i32
      %get3A = arith.index_cast %mul3A_228 : i32 to index
      %get3A_229 = tpu.vector_load %arg8[%get3A] {strides = array<i32>} : memref<6256xi32, #tpu.memory_space<vmem>>, vector<16xi32>,
      %shift_right_logical3A = arith.constant 24 : i32
      %shift_right_logical3A_230 = vector.broadcast %shift_right_logical3A : i32 to vector<16xi32>
      %shift_right_logical3A_231 = arith.shrui %get3A_229, %shift_right_logical3A_230 : vector<16xi32>
      %and3A = arith.constant 255 : i32
      %and3A_232 = vector.broadcast %and3A : i32 to vector<16xi32>
      %and3A_233 = arith.andi %shift_right_logical3A_231, %and3A_232 : vector<16xi32>
      %broadcast_in_dim3A = arith.constant true
      %broadcast_in_dim3A_234 = vector.broadcast %broadcast_in_dim3A : i1 to vector<16xi1>
      %unique3A, %unique3A_235 = tpu.scan_count mask(%broadcast_in_dim3A_234 : vector<16xi1>) value(%and3A_233 : vector<16xi32>) : vector<16xi1>, vector<16xi32>
      %gather3A = tpu.vector_load_idx %arg14[%and3A_233] : memref<256xi32, #tpu.memory_space<vmem>>[vector<16xi32>], vector<16xi32>,
      %add3A_236 = arith.addi %gather3A, %unique3A_235 : vector<16xi32>
      %sub3A = arith.constant 1 : i32
      %sub3A_237 = vector.broadcast %sub3A : i32 to vector<16xi32>
      %sub3A_238 = arith.subi %add3A_236, %sub3A_237 : vector<16xi32>
      %mul3A_239 = arith.constant 16 : i32
      %mul3A_240 = arith.muli %scan3A_226, %mul3A_239 : i32
      %swap3A = arith.index_cast %mul3A_240 : i32 to index
      %swap3A_241 = tpu.vector_load %arg10[%swap3A] {strides = array<i32>} : memref<6256xi32, #tpu.memory_space<vmem>>, vector<16xi32>,
      tpu.vector_store %arg10[%swap3A], %sub3A_238 {strides = array<i32>} : memref<6256xi32, #tpu.memory_space<vmem>>, vector<16xi32>,
      %add3A_242 = arith.addi %gather3A, %unique3A_235 : vector<16xi32>
      tpu.vector_store_idx %arg14[%and3A_233], %add3A_242 masked %unique3A : memref<256xi32, #tpu.memory_space<vmem>>[vector<16xi32>], vector<16xi32>, vector<16xi1>
    }
    %scan3A_214 = arith.constant 391 : i32
    %dma_start3A_215 = arith.constant 0 : i32
    %dma_start3A_216 = tpu.memref_slice %arg15[%dma_start3A_215] : memref<100096xi32, #tpu.memory_space<vmem_shared>> -> memref<100096xi32, #tpu.memory_space<vmem_shared>>
    tpu.enqueue_indirect_dma source(%arg8 : memref<6256xi32, #tpu.memory_space<vmem>>) target(%dma_start3A_216 : memref<100096xi32, #tpu.memory_space<vmem_shared>>) offsets(%arg10 : memref<6256xi32, #tpu.memory_space<vmem>>) semaphore(%arg20 : memref<!tpu.dma_semaphore, #tpu.memory_space<semaphore_mem>>)
    %dma_start3A_217 = arith.constant 0 : i32
    %dma_start3A_218 = tpu.memref_slice %arg16[%dma_start3A_217] : memref<100096xi32, #tpu.memory_space<vmem_shared>> -> memref<100096xi32, #tpu.memory_space<vmem_shared>>
    tpu.enqueue_indirect_dma source(%arg9 : memref<6256xi32, #tpu.memory_space<vmem>>) target(%dma_start3A_218 : memref<100096xi32, #tpu.memory_space<vmem_shared>>) offsets(%arg10 : memref<6256xi32, #tpu.memory_space<vmem>>) semaphore(%arg20 : memref<!tpu.dma_semaphore, #tpu.memory_space<semaphore_mem>>)
    %dma_wait3A_219 = arith.constant 0 : i32
    %dma_wait3A_220 = tpu.memref_slice %arg15[%dma_wait3A_219] : memref<100096xi32, #tpu.memory_space<vmem_shared>> -> memref<100096xi32, #tpu.memory_space<vmem_shared>>
    tpu.wait_indirect_dma semaphore(%arg20 : memref<!tpu.dma_semaphore, #tpu.memory_space<semaphore_mem>>) src(%arg8 : memref<6256xi32, #tpu.memory_space<vmem>>) dst(%dma_wait3A_220 : memref<100096xi32, #tpu.memory_space<vmem_shared>>)
    %dma_wait3A_221 = arith.constant 0 : i32
    %dma_wait3A_222 = tpu.memref_slice %arg16[%dma_wait3A_221] : memref<100096xi32, #tpu.memory_space<vmem_shared>> -> memref<100096xi32, #tpu.memory_space<vmem_shared>>
    tpu.wait_indirect_dma semaphore(%arg20 : memref<!tpu.dma_semaphore, #tpu.memory_space<semaphore_mem>>) src(%arg9 : memref<6256xi32, #tpu.memory_space<vmem>>) dst(%dma_wait3A_222 : memref<100096xi32, #tpu.memory_space<vmem_shared>>)
    %barrier3A_223 = arith.constant 0 : index
    tpu.barrier barrier_id(%barrier3A_223)
    %eq3A = arith.constant 0 : i32
    %eq3A_224 = arith.cmpi eq, %arg1, %eq3A : i32
    %convert_element_type3A = arith.extui %eq3A_224 : i1 to i32
    %cond3A = arith.constant 0 : i32
    %cond3A_225 = arith.cmpi ne, %convert_element_type3A, %cond3A : i32
    scf.if %cond3A_225 {
      %scan3A_226 = arith.constant 0 : i32
      %scan3A_227 = arith.constant 0 : i32
      %scan3A_228 = arith.constant 3137 : i32
      %scan3A_229 = arith.addi %scan3A_227, %scan3A_228 : i32
      %scan3A_230 = arith.constant 1 : i32
      scf.for %scan3A_244 = %scan3A_227 to %scan3A_229 step %scan3A_230  : i32 {
        %broadcast_in_dim3A = arith.constant -1 : i32
        %broadcast_in_dim3A_245 = vector.broadcast %broadcast_in_dim3A : i32 to vector<16xi32>
        %mul3A_246 = arith.constant 16 : i32
        %mul3A_247 = arith.muli %scan3A_244, %mul3A_246 : i32
        %swap3A = arith.index_cast %mul3A_247 : i32 to index
        %swap3A_248 = tpu.vector_load %arg5[%swap3A] {strides = array<i32>} : memref<50192xi32, #tpu.memory_space<vmem>>, vector<16xi32>,
        tpu.vector_store %arg5[%swap3A], %broadcast_in_dim3A_245 {strides = array<i32>} : memref<50192xi32, #tpu.memory_space<vmem>>, vector<16xi32>,
      }
      %scan3A_231 = arith.constant 3137 : i32
      %scan3A_232 = arith.constant 0 : i32
      %scan3A_233 = arith.constant 0 : i32
      %scan3A_234 = arith.constant 32 : i32
      %scan3A_235 = arith.addi %scan3A_233, %scan3A_234 : i32
      %scan3A_236 = arith.constant 1 : i32
      %scan3A_237 = scf.for %scan3A_244 = %scan3A_233 to %scan3A_235 step %scan3A_236 iter_args(%scan3A_245 = %scan3A_232) -> (i32)  : i32 {
        %mul3A_246 = arith.constant 3128 : i32
        %mul3A_247 = arith.muli %scan3A_244, %mul3A_246 : i32
        %multiple_of3A_248 = tpu.assume_multiple %mul3A_247, 8 : i32
        "tpu.region"() ({
          %run_scoped3A = tpu.sem_alloc : memref<!tpu.dma_semaphore, #tpu.memory_space<semaphore_mem>>
          %dma_start3A_255 = arith.constant 0 : i32
          %dma_start3A_256 = tpu.memref_slice %arg7[%dma_start3A_255] : memref<3144xi32, #tpu.memory_space<vmem>> -> memref<3128xi32, #tpu.memory_space<vmem>>
          %dma_start3A_257 = tpu.memref_slice %arg16[%multiple_of3A_248] : memref<100096xi32, #tpu.memory_space<vmem_shared>> -> memref<3128xi32, #tpu.memory_space<vmem_shared>>
          %dma_start3A_258 = arith.constant 0 : i32
          %dma_start3A_259 = tpu.memref_slice %arg7[%dma_start3A_258] : memref<3144xi32, #tpu.memory_space<vmem>> -> memref<3128xi32, #tpu.memory_space<vmem>>
          %dma_start3A_260 = tpu.memref_slice %arg16[%multiple_of3A_248] : memref<100096xi32, #tpu.memory_space<vmem_shared>> -> memref<3128xi32, #tpu.memory_space<vmem_shared>>
          tpu.enqueue_dma source(%dma_start3A_260 : memref<3128xi32, #tpu.memory_space<vmem_shared>>) target(%dma_start3A_259 : memref<3128xi32, #tpu.memory_space<vmem>>) target_semaphore(%run_scoped3A : memref<!tpu.dma_semaphore, #tpu.memory_space<semaphore_mem>>)
          %dma_wait3A_261 = arith.constant 0 : i32
          %dma_wait3A_262 = tpu.memref_slice %arg7[%dma_wait3A_261] : memref<3144xi32, #tpu.memory_space<vmem>> -> memref<3128xi32, #tpu.memory_space<vmem>>
          %dma_wait3A_263 = tpu.memref_slice %arg16[%multiple_of3A_248] : memref<100096xi32, #tpu.memory_space<vmem_shared>> -> memref<3128xi32, #tpu.memory_space<vmem_shared>>
          %dma_wait3A_264 = arith.constant 0 : i32
          %dma_wait3A_265 = tpu.memref_slice %arg7[%dma_wait3A_264] : memref<3144xi32, #tpu.memory_space<vmem>> -> memref<3128xi32, #tpu.memory_space<vmem>>
          %dma_wait3A_266 = tpu.memref_slice %arg16[%multiple_of3A_248] : memref<100096xi32, #tpu.memory_space<vmem_shared>> -> memref<3128xi32, #tpu.memory_space<vmem_shared>>
          tpu.wait_dma2 semaphore(%run_scoped3A : memref<!tpu.dma_semaphore, #tpu.memory_space<semaphore_mem>>) src(%dma_wait3A_266 : memref<3128xi32, #tpu.memory_space<vmem_shared>>) dst(%dma_wait3A_265 : memref<3128xi32, #tpu.memory_space<vmem>>)
          tpu.yield
        }) : () -> ()
        %scan3A_249 = arith.constant 0 : i32
        %scan3A_250 = arith.constant 3128 : i32
        %scan3A_251 = arith.addi %scan3A_249, %scan3A_250 : i32
        %scan3A_252 = arith.constant 1 : i32
        %scan3A_253 = scf.for %scan3A_255 = %scan3A_249 to %scan3A_251 step %scan3A_252 iter_args(%scan3A_256 = %scan3A_245) -> (i32)  : i32 {
          %lt3A = arith.constant 50175 : i32
          %lt3A_257 = arith.cmpi slt, %scan3A_256, %lt3A : i32
          %convert_element_type3A_258 = arith.extui %lt3A_257 : i1 to i32
          %cond3A_259 = arith.constant 0 : i32
          %cond3A_260 = arith.cmpi ne, %convert_element_type3A_258, %cond3A_259 : i32
          %cond3A_261 = scf.if %cond3A_260 -> (i32) {
            %get3A = arith.index_cast %scan3A_255 : i32 to index
            %get3A_262 = tpu.vector_load %arg7[%get3A] {strides = array<i32>} : memref<3144xi32, #tpu.memory_space<vmem>>, vector<16xi32>,
            %slice3A = vector.extract_strided_slice %get3A_262 {offsets = [0], sizes = [1], strides = [1]} : vector<16xi32> to vector<1xi32>
            %squeeze3A = vector.extract %slice3A[0] : i32 from vector<1xi32>
            %shift_right_arithmetic3A = arith.constant 1 : i32
            %shift_right_arithmetic3A_263 = arith.shrsi %squeeze3A, %shift_right_arithmetic3A : i32
            %and3A = arith.constant 1 : i32
            %and3A_264 = arith.andi %squeeze3A, %and3A : i32
            %eq3A_265 = arith.constant 1 : i32
            %eq3A_266 = arith.cmpi eq, %and3A_264, %eq3A_265 : i32
            %jit3A = arith.constant 1 : i32
            %jit3A_267 = arith.constant 224 : i32
            %select_n3A = arith.select %eq3A_266, %jit3A, %jit3A_267 : i32
            %add3A_268 = arith.addi %shift_right_arithmetic3A_263, %select_n3A : i32
            %get3A_269 = arith.index_cast %shift_right_arithmetic3A_263 : i32 to index
            %get3A_270 = tpu.vector_load %arg5[%get3A_269] {strides = array<i32>} : memref<50192xi32, #tpu.memory_space<vmem>>, vector<16xi32>,
            %slice3A_271 = vector.extract_strided_slice %get3A_270 {offsets = [0], sizes = [1], strides = [1]} : vector<16xi32> to vector<1xi32>
            %squeeze3A_272 = vector.extract %slice3A_271[0] : i32 from vector<1xi32>
            %lt3A_273 = arith.constant 0 : i32
            %lt3A_274 = arith.cmpi slt, %squeeze3A_272, %lt3A_273 : i32
            %convert_element_type3A_275 = arith.extui %lt3A_274 : i1 to i32
            %cond3A_276 = arith.constant 0 : i32
            %cond3A_277 = arith.cmpi ne, %convert_element_type3A_275, %cond3A_276 : i32
            %cond3A_278 = scf.if %cond3A_277 -> (i32) {
              scf.yield %shift_right_arithmetic3A_263 : i32
            } else {
              %get3A_293 = arith.index_cast %squeeze3A_272 : i32 to index
              %get3A_294 = tpu.vector_load %arg5[%get3A_293] {strides = array<i32>} : memref<50192xi32, #tpu.memory_space<vmem>>, vector<16xi32>,
              %slice3A_295 = vector.extract_strided_slice %get3A_294 {offsets = [0], sizes = [1], strides = [1]} : vector<16xi32> to vector<1xi32>
              %squeeze3A_296 = vector.extract %slice3A_295[0] : i32 from vector<1xi32>
              %lt3A_297 = arith.constant 0 : i32
              %lt3A_298 = arith.cmpi slt, %squeeze3A_296, %lt3A_297 : i32
              %convert_element_type3A_299 = arith.extui %lt3A_298 : i1 to i32
              %cond3A_300 = arith.constant 0 : i32
              %cond3A_301 = arith.cmpi ne, %convert_element_type3A_299, %cond3A_300 : i32
              %cond3A_302 = scf.if %cond3A_301 -> (i32) {
                scf.yield %squeeze3A_272 : i32
              } else {
                %get3A_303 = arith.index_cast %shift_right_arithmetic3A_263 : i32 to index
                %get3A_304 = tpu.vector_load %arg5[%get3A_303] {strides = array<i32>} : memref<50192xi32, #tpu.memory_space<vmem>>, vector<16xi32>,
                %iota3A = tpu.iota {dimensions = array<i32: 0>} : vector<16xi32>
                %eq3A_305 = arith.constant 0 : i32
                %eq3A_306 = vector.broadcast %eq3A_305 : i32 to vector<16xi32>
                %eq3A_307 = arith.cmpi eq, %iota3A, %eq3A_306 : vector<16xi32>
                %broadcast_in_dim3A = vector.broadcast %squeeze3A_296 : i32 to vector<16xi32>
                %select_n3A_308 = arith.select %eq3A_307, %broadcast_in_dim3A, %get3A_304 : vector<16xi1>, vector<16xi32>
                %swap3A = arith.index_cast %shift_right_arithmetic3A_263 : i32 to index
                %swap3A_309 = tpu.vector_load %arg5[%swap3A] {strides = array<i32>} : memref<50192xi32, #tpu.memory_space<vmem>>, vector<16xi32>,
                tpu.vector_store %arg5[%swap3A], %select_n3A_308 {strides = array<i32>} : memref<50192xi32, #tpu.memory_space<vmem>>, vector<16xi32>,
                %get3A_310 = arith.index_cast %squeeze3A_296 : i32 to index
                %get3A_311 = tpu.vector_load %arg5[%get3A_310] {strides = array<i32>} : memref<50192xi32, #tpu.memory_space<vmem>>, vector<16xi32>,
                %slice3A_312 = vector.extract_strided_slice %get3A_311 {offsets = [0], sizes = [1], strides = [1]} : vector<16xi32> to vector<1xi32>
                %squeeze3A_313 = vector.extract %slice3A_312[0] : i32 from vector<1xi32>
                %lt3A_314 = arith.constant 0 : i32
                %lt3A_315 = arith.cmpi slt, %squeeze3A_313, %lt3A_314 : i32
                %convert_element_type3A_316 = arith.extui %lt3A_315 : i1 to i32
                %cond3A_317 = arith.constant 0 : i32
                %cond3A_318 = arith.cmpi ne, %convert_element_type3A_316, %cond3A_317 : i32
                %cond3A_319 = scf.if %cond3A_318 -> (i32) {
                  scf.yield %squeeze3A_296 : i32
                } else {
                  %get3A_320 = arith.index_cast %squeeze3A_272 : i32 to index
                  %get3A_321 = tpu.vector_load %arg5[%get3A_320] {strides = array<i32>} : memref<50192xi32, #tpu.memory_space<vmem>>, vector<16xi32>,
                  %iota3A_322 = tpu.iota {dimensions = array<i32: 0>} : vector<16xi32>
                  %eq3A_323 = arith.constant 0 : i32
                  %eq3A_324 = vector.broadcast %eq3A_323 : i32 to vector<16xi32>
                  %eq3A_325 = arith.cmpi eq, %iota3A_322, %eq3A_324 : vector<16xi32>
                  %broadcast_in_dim3A_326 = vector.broadcast %squeeze3A_313 : i32 to vector<16xi32>
                  %select_n3A_327 = arith.select %eq3A_325, %broadcast_in_dim3A_326, %get3A_321 : vector<16xi1>, vector<16xi32>
                  %swap3A_328 = arith.index_cast %squeeze3A_272 : i32 to index
                  %swap3A_329 = tpu.vector_load %arg5[%swap3A_328] {strides = array<i32>} : memref<50192xi32, #tpu.memory_space<vmem>>, vector<16xi32>,
                  tpu.vector_store %arg5[%swap3A_328], %select_n3A_327 {strides = array<i32>} : memref<50192xi32, #tpu.memory_space<vmem>>, vector<16xi32>,
                  %get3A_330 = arith.index_cast %squeeze3A_313 : i32 to index
                  %get3A_331 = tpu.vector_load %arg5[%get3A_330] {strides = array<i32>} : memref<50192xi32, #tpu.memory_space<vmem>>, vector<16xi32>,
                  %slice3A_332 = vector.extract_strided_slice %get3A_331 {offsets = [0], sizes = [1], strides = [1]} : vector<16xi32> to vector<1xi32>
                  %squeeze3A_333 = vector.extract %slice3A_332[0] : i32 from vector<1xi32>
                  %lt3A_334 = arith.constant 0 : i32
                  %lt3A_335 = arith.cmpi slt, %squeeze3A_333, %lt3A_334 : i32
                  %convert_element_type3A_336 = arith.extui %lt3A_335 : i1 to i32
                  %cond3A_337 = arith.constant 0 : i32
                  %cond3A_338 = arith.cmpi ne, %convert_element_type3A_336, %cond3A_337 : i32
                  %cond3A_339 = scf.if %cond3A_338 -> (i32) {
                    scf.yield %squeeze3A_313 : i32
                  } else {
                    %get3A_340 = arith.index_cast %squeeze3A_296 : i32 to index
                    %get3A_341 = tpu.vector_load %arg5[%get3A_340] {strides = array<i32>} : memref<50192xi32, #tpu.memory_space<vmem>>, vector<16xi32>,
                    %iota3A_342 = tpu.iota {dimensions = array<i32: 0>} : vector<16xi32>
                    %eq3A_343 = arith.constant 0 : i32
                    %eq3A_344 = vector.broadcast %eq3A_343 : i32 to vector<16xi32>
                    %eq3A_345 = arith.cmpi eq, %iota3A_342, %eq3A_344 : vector<16xi32>
                    %broadcast_in_dim3A_346 = vector.broadcast %squeeze3A_333 : i32 to vector<16xi32>
                    %select_n3A_347 = arith.select %eq3A_345, %broadcast_in_dim3A_346, %get3A_341 : vector<16xi1>, vector<16xi32>
                    %swap3A_348 = arith.index_cast %squeeze3A_296 : i32 to index
                    %swap3A_349 = tpu.vector_load %arg5[%swap3A_348] {strides = array<i32>} : memref<50192xi32, #tpu.memory_space<vmem>>, vector<16xi32>,
                    tpu.vector_store %arg5[%swap3A_348], %select_n3A_347 {strides = array<i32>} : memref<50192xi32, #tpu.memory_space<vmem>>, vector<16xi32>,
                    %get3A_350 = arith.index_cast %squeeze3A_333 : i32 to index
                    %get3A_351 = tpu.vector_load %arg5[%get3A_350] {strides = array<i32>} : memref<50192xi32, #tpu.memory_space<vmem>>, vector<16xi32>,
                    %slice3A_352 = vector.extract_strided_slice %get3A_351 {offsets = [0], sizes = [1], strides = [1]} : vector<16xi32> to vector<1xi32>
                    %squeeze3A_353 = vector.extract %slice3A_352[0] : i32 from vector<1xi32>
                    %lt3A_354 = arith.constant 0 : i32
                    %lt3A_355 = arith.cmpi slt, %squeeze3A_353, %lt3A_354 : i32
                    %convert_element_type3A_356 = arith.extui %lt3A_355 : i1 to i32
                    %cond3A_357 = arith.constant 0 : i32
                    %cond3A_358 = arith.cmpi ne, %convert_element_type3A_356, %cond3A_357 : i32
                    %cond3A_359 = scf.if %cond3A_358 -> (i32) {
                      scf.yield %squeeze3A_333 : i32
                    } else {
                      %get3A_360 = arith.index_cast %squeeze3A_313 : i32 to index
                      %get3A_361 = tpu.vector_load %arg5[%get3A_360] {strides = array<i32>} : memref<50192xi32, #tpu.memory_space<vmem>>, vector<16xi32>,
                      %iota3A_362 = tpu.iota {dimensions = array<i32: 0>} : vector<16xi32>
                      %eq3A_363 = arith.constant 0 : i32
                      %eq3A_364 = vector.broadcast %eq3A_363 : i32 to vector<16xi32>
                      %eq3A_365 = arith.cmpi eq, %iota3A_362, %eq3A_364 : vector<16xi32>
                      %broadcast_in_dim3A_366 = vector.broadcast %squeeze3A_353 : i32 to vector<16xi32>
                      %select_n3A_367 = arith.select %eq3A_365, %broadcast_in_dim3A_366, %get3A_361 : vector<16xi1>, vector<16xi32>
                      %swap3A_368 = arith.index_cast %squeeze3A_313 : i32 to index
                      %swap3A_369 = tpu.vector_load %arg5[%swap3A_368] {strides = array<i32>} : memref<50192xi32, #tpu.memory_space<vmem>>, vector<16xi32>,
                      tpu.vector_store %arg5[%swap3A_368], %select_n3A_367 {strides = array<i32>} : memref<50192xi32, #tpu.memory_space<vmem>>, vector<16xi32>,
                      %get3A_370 = arith.index_cast %squeeze3A_353 : i32 to index
                      %get3A_371 = tpu.vector_load %arg5[%get3A_370] {strides = array<i32>} : memref<50192xi32, #tpu.memory_space<vmem>>, vector<16xi32>,
                      %slice3A_372 = vector.extract_strided_slice %get3A_371 {offsets = [0], sizes = [1], strides = [1]} : vector<16xi32> to vector<1xi32>
                      %squeeze3A_373 = vector.extract %slice3A_372[0] : i32 from vector<1xi32>
                      %lt3A_374 = arith.constant 0 : i32
                      %lt3A_375 = arith.cmpi slt, %squeeze3A_373, %lt3A_374 : i32
                      %convert_element_type3A_376 = arith.extui %lt3A_375 : i1 to i32
                      %cond3A_377 = arith.constant 0 : i32
                      %cond3A_378 = arith.cmpi ne, %convert_element_type3A_376, %cond3A_377 : i32
                      %cond3A_379 = scf.if %cond3A_378 -> (i32) {
                        scf.yield %squeeze3A_353 : i32
                      } else {
                        %get3A_380 = arith.index_cast %squeeze3A_333 : i32 to index
                        %get3A_381 = tpu.vector_load %arg5[%get3A_380] {strides = array<i32>} : memref<50192xi32, #tpu.memory_space<vmem>>, vector<16xi32>,
                        %iota3A_382 = tpu.iota {dimensions = array<i32: 0>} : vector<16xi32>
                        %eq3A_383 = arith.constant 0 : i32
                        %eq3A_384 = vector.broadcast %eq3A_383 : i32 to vector<16xi32>
                        %eq3A_385 = arith.cmpi eq, %iota3A_382, %eq3A_384 : vector<16xi32>
                        %broadcast_in_dim3A_386 = vector.broadcast %squeeze3A_373 : i32 to vector<16xi32>
                        %select_n3A_387 = arith.select %eq3A_385, %broadcast_in_dim3A_386, %get3A_381 : vector<16xi1>, vector<16xi32>
                        %swap3A_388 = arith.index_cast %squeeze3A_333 : i32 to index
                        %swap3A_389 = tpu.vector_load %arg5[%swap3A_388] {strides = array<i32>} : memref<50192xi32, #tpu.memory_space<vmem>>, vector<16xi32>,
                        tpu.vector_store %arg5[%swap3A_388], %select_n3A_387 {strides = array<i32>} : memref<50192xi32, #tpu.memory_space<vmem>>, vector<16xi32>,
                        %get3A_390 = arith.index_cast %squeeze3A_373 : i32 to index
                        %get3A_391 = tpu.vector_load %arg5[%get3A_390] {strides = array<i32>} : memref<50192xi32, #tpu.memory_space<vmem>>, vector<16xi32>,
                        %slice3A_392 = vector.extract_strided_slice %get3A_391 {offsets = [0], sizes = [1], strides = [1]} : vector<16xi32> to vector<1xi32>
                        %squeeze3A_393 = vector.extract %slice3A_392[0] : i32 from vector<1xi32>
                        %lt3A_394 = arith.constant 0 : i32
                        %lt3A_395 = arith.cmpi slt, %squeeze3A_393, %lt3A_394 : i32
                        %convert_element_type3A_396 = arith.extui %lt3A_395 : i1 to i32
                        %cond3A_397 = arith.constant 0 : i32
                        %cond3A_398 = arith.cmpi ne, %convert_element_type3A_396, %cond3A_397 : i32
                        %cond3A_399 = scf.if %cond3A_398 -> (i32) {
                          scf.yield %squeeze3A_373 : i32
                        } else {
                          %get3A_400 = arith.index_cast %squeeze3A_353 : i32 to index
                          %get3A_401 = tpu.vector_load %arg5[%get3A_400] {strides = array<i32>} : memref<50192xi32, #tpu.memory_space<vmem>>, vector<16xi32>,
                          %iota3A_402 = tpu.iota {dimensions = array<i32: 0>} : vector<16xi32>
                          %eq3A_403 = arith.constant 0 : i32
                          %eq3A_404 = vector.broadcast %eq3A_403 : i32 to vector<16xi32>
                          %eq3A_405 = arith.cmpi eq, %iota3A_402, %eq3A_404 : vector<16xi32>
                          %broadcast_in_dim3A_406 = vector.broadcast %squeeze3A_393 : i32 to vector<16xi32>
                          %select_n3A_407 = arith.select %eq3A_405, %broadcast_in_dim3A_406, %get3A_401 : vector<16xi1>, vector<16xi32>
                          %swap3A_408 = arith.index_cast %squeeze3A_353 : i32 to index
                          %swap3A_409 = tpu.vector_load %arg5[%swap3A_408] {strides = array<i32>} : memref<50192xi32, #tpu.memory_space<vmem>>, vector<16xi32>,
                          tpu.vector_store %arg5[%swap3A_408], %select_n3A_407 {strides = array<i32>} : memref<50192xi32, #tpu.memory_space<vmem>>, vector<16xi32>,
                          %get3A_410 = arith.index_cast %squeeze3A_393 : i32 to index
                          %get3A_411 = tpu.vector_load %arg5[%get3A_410] {strides = array<i32>} : memref<50192xi32, #tpu.memory_space<vmem>>, vector<16xi32>,
                          %slice3A_412 = vector.extract_strided_slice %get3A_411 {offsets = [0], sizes = [1], strides = [1]} : vector<16xi32> to vector<1xi32>
                          %squeeze3A_413 = vector.extract %slice3A_412[0] : i32 from vector<1xi32>
                          %lt3A_414 = arith.constant 0 : i32
                          %lt3A_415 = arith.cmpi slt, %squeeze3A_413, %lt3A_414 : i32
                          %convert_element_type3A_416 = arith.extui %lt3A_415 : i1 to i32
                          %cond3A_417 = arith.constant 0 : i32
                          %cond3A_418 = arith.cmpi ne, %convert_element_type3A_416, %cond3A_417 : i32
                          %cond3A_419 = scf.if %cond3A_418 -> (i32) {
                            scf.yield %squeeze3A_393 : i32
                          } else {
                            %get3A_420 = arith.index_cast %squeeze3A_373 : i32 to index
                            %get3A_421 = tpu.vector_load %arg5[%get3A_420] {strides = array<i32>} : memref<50192xi32, #tpu.memory_space<vmem>>, vector<16xi32>,
                            %iota3A_422 = tpu.iota {dimensions = array<i32: 0>} : vector<16xi32>
                            %eq3A_423 = arith.constant 0 : i32
                            %eq3A_424 = vector.broadcast %eq3A_423 : i32 to vector<16xi32>
                            %eq3A_425 = arith.cmpi eq, %iota3A_422, %eq3A_424 : vector<16xi32>
                            %broadcast_in_dim3A_426 = vector.broadcast %squeeze3A_413 : i32 to vector<16xi32>
                            %select_n3A_427 = arith.select %eq3A_425, %broadcast_in_dim3A_426, %get3A_421 : vector<16xi1>, vector<16xi32>
                            %swap3A_428 = arith.index_cast %squeeze3A_373 : i32 to index
                            %swap3A_429 = tpu.vector_load %arg5[%swap3A_428] {strides = array<i32>} : memref<50192xi32, #tpu.memory_space<vmem>>, vector<16xi32>,
                            tpu.vector_store %arg5[%swap3A_428], %select_n3A_427 {strides = array<i32>} : memref<50192xi32, #tpu.memory_space<vmem>>, vector<16xi32>,
                            %get3A_430 = arith.index_cast %squeeze3A_413 : i32 to index
                            %get3A_431 = tpu.vector_load %arg5[%get3A_430] {strides = array<i32>} : memref<50192xi32, #tpu.memory_space<vmem>>, vector<16xi32>,
                            %slice3A_432 = vector.extract_strided_slice %get3A_431 {offsets = [0], sizes = [1], strides = [1]} : vector<16xi32> to vector<1xi32>
                            %squeeze3A_433 = vector.extract %slice3A_432[0] : i32 from vector<1xi32>
                            %lt3A_434 = arith.constant 0 : i32
                            %lt3A_435 = arith.cmpi slt, %squeeze3A_433, %lt3A_434 : i32
                            %convert_element_type3A_436 = arith.extui %lt3A_435 : i1 to i32
                            %cond3A_437 = arith.constant 0 : i32
                            %cond3A_438 = arith.cmpi ne, %convert_element_type3A_436, %cond3A_437 : i32
                            %cond3A_439 = scf.if %cond3A_438 -> (i32) {
                              scf.yield %squeeze3A_413 : i32
                            } else {
                              %get3A_440 = arith.index_cast %squeeze3A_393 : i32 to index
                              %get3A_441 = tpu.vector_load %arg5[%get3A_440] {strides = array<i32>} : memref<50192xi32, #tpu.memory_space<vmem>>, vector<16xi32>,
                              %iota3A_442 = tpu.iota {dimensions = array<i32: 0>} : vector<16xi32>
                              %eq3A_443 = arith.constant 0 : i32
                              %eq3A_444 = vector.broadcast %eq3A_443 : i32 to vector<16xi32>
                              %eq3A_445 = arith.cmpi eq, %iota3A_442, %eq3A_444 : vector<16xi32>
                              %broadcast_in_dim3A_446 = vector.broadcast %squeeze3A_433 : i32 to vector<16xi32>
                              %select_n3A_447 = arith.select %eq3A_445, %broadcast_in_dim3A_446, %get3A_441 : vector<16xi1>, vector<16xi32>
                              %swap3A_448 = arith.index_cast %squeeze3A_393 : i32 to index
                              %swap3A_449 = tpu.vector_load %arg5[%swap3A_448] {strides = array<i32>} : memref<50192xi32, #tpu.memory_space<vmem>>, vector<16xi32>,
                              tpu.vector_store %arg5[%swap3A_448], %select_n3A_447 {strides = array<i32>} : memref<50192xi32, #tpu.memory_space<vmem>>, vector<16xi32>,
                              %get3A_450 = arith.index_cast %squeeze3A_433 : i32 to index
                              %get3A_451 = tpu.vector_load %arg5[%get3A_450] {strides = array<i32>} : memref<50192xi32, #tpu.memory_space<vmem>>, vector<16xi32>,
                              %slice3A_452 = vector.extract_strided_slice %get3A_451 {offsets = [0], sizes = [1], strides = [1]} : vector<16xi32> to vector<1xi32>
                              %squeeze3A_453 = vector.extract %slice3A_452[0] : i32 from vector<1xi32>
                              %lt3A_454 = arith.constant 0 : i32
                              %lt3A_455 = arith.cmpi slt, %squeeze3A_453, %lt3A_454 : i32
                              %convert_element_type3A_456 = arith.extui %lt3A_455 : i1 to i32
                              %cond3A_457 = arith.constant 0 : i32
                              %cond3A_458 = arith.cmpi ne, %convert_element_type3A_456, %cond3A_457 : i32
                              %cond3A_459 = scf.if %cond3A_458 -> (i32) {
                                scf.yield %squeeze3A_433 : i32
                              } else {
                                %get3A_460 = arith.index_cast %squeeze3A_413 : i32 to index
                                %get3A_461 = tpu.vector_load %arg5[%get3A_460] {strides = array<i32>} : memref<50192xi32, #tpu.memory_space<vmem>>, vector<16xi32>,
                                %iota3A_462 = tpu.iota {dimensions = array<i32: 0>} : vector<16xi32>
                                %eq3A_463 = arith.constant 0 : i32
                                %eq3A_464 = vector.broadcast %eq3A_463 : i32 to vector<16xi32>
                                %eq3A_465 = arith.cmpi eq, %iota3A_462, %eq3A_464 : vector<16xi32>
                                %broadcast_in_dim3A_466 = vector.broadcast %squeeze3A_453 : i32 to vector<16xi32>
                                %select_n3A_467 = arith.select %eq3A_465, %broadcast_in_dim3A_466, %get3A_461 : vector<16xi1>, vector<16xi32>
                                %swap3A_468 = arith.index_cast %squeeze3A_413 : i32 to index
                                %swap3A_469 = tpu.vector_load %arg5[%swap3A_468] {strides = array<i32>} : memref<50192xi32, #tpu.memory_space<vmem>>, vector<16xi32>,
                                tpu.vector_store %arg5[%swap3A_468], %select_n3A_467 {strides = array<i32>} : memref<50192xi32, #tpu.memory_space<vmem>>, vector<16xi32>,
                                %get3A_470 = arith.index_cast %squeeze3A_453 : i32 to index
                                %get3A_471 = tpu.vector_load %arg5[%get3A_470] {strides = array<i32>} : memref<50192xi32, #tpu.memory_space<vmem>>, vector<16xi32>,
                                %slice3A_472 = vector.extract_strided_slice %get3A_471 {offsets = [0], sizes = [1], strides = [1]} : vector<16xi32> to vector<1xi32>
                                %squeeze3A_473 = vector.extract %slice3A_472[0] : i32 from vector<1xi32>
                                %lt3A_474 = arith.constant 0 : i32
                                %lt3A_475 = arith.cmpi slt, %squeeze3A_473, %lt3A_474 : i32
                                %convert_element_type3A_476 = arith.extui %lt3A_475 : i1 to i32
                                %cond3A_477 = arith.constant 0 : i32
                                %cond3A_478 = arith.cmpi ne, %convert_element_type3A_476, %cond3A_477 : i32
                                %cond3A_479 = scf.if %cond3A_478 -> (i32) {
                                  scf.yield %squeeze3A_453 : i32
                                } else {
                                  %get3A_480 = arith.index_cast %squeeze3A_433 : i32 to index
                                  %get3A_481 = tpu.vector_load %arg5[%get3A_480] {strides = array<i32>} : memref<50192xi32, #tpu.memory_space<vmem>>, vector<16xi32>,
                                  %iota3A_482 = tpu.iota {dimensions = array<i32: 0>} : vector<16xi32>
                                  %eq3A_483 = arith.constant 0 : i32
                                  %eq3A_484 = vector.broadcast %eq3A_483 : i32 to vector<16xi32>
                                  %eq3A_485 = arith.cmpi eq, %iota3A_482, %eq3A_484 : vector<16xi32>
                                  %broadcast_in_dim3A_486 = vector.broadcast %squeeze3A_473 : i32 to vector<16xi32>
                                  %select_n3A_487 = arith.select %eq3A_485, %broadcast_in_dim3A_486, %get3A_481 : vector<16xi1>, vector<16xi32>
                                  %swap3A_488 = arith.index_cast %squeeze3A_433 : i32 to index
                                  %swap3A_489 = tpu.vector_load %arg5[%swap3A_488] {strides = array<i32>} : memref<50192xi32, #tpu.memory_space<vmem>>, vector<16xi32>,
                                  tpu.vector_store %arg5[%swap3A_488], %select_n3A_487 {strides = array<i32>} : memref<50192xi32, #tpu.memory_space<vmem>>, vector<16xi32>,
                                  %get3A_490 = arith.index_cast %squeeze3A_473 : i32 to index
                                  %get3A_491 = tpu.vector_load %arg5[%get3A_490] {strides = array<i32>} : memref<50192xi32, #tpu.memory_space<vmem>>, vector<16xi32>,
                                  %slice3A_492 = vector.extract_strided_slice %get3A_491 {offsets = [0], sizes = [1], strides = [1]} : vector<16xi32> to vector<1xi32>
                                  %squeeze3A_493 = vector.extract %slice3A_492[0] : i32 from vector<1xi32>
                                  %lt3A_494 = arith.constant 0 : i32
                                  %lt3A_495 = arith.cmpi slt, %squeeze3A_493, %lt3A_494 : i32
                                  %convert_element_type3A_496 = arith.extui %lt3A_495 : i1 to i32
                                  %cond3A_497 = arith.constant 0 : i32
                                  %cond3A_498 = arith.cmpi ne, %convert_element_type3A_496, %cond3A_497 : i32
                                  %cond3A_499 = scf.if %cond3A_498 -> (i32) {
                                    scf.yield %squeeze3A_473 : i32
                                  } else {
                                    %get3A_500 = arith.index_cast %squeeze3A_453 : i32 to index
                                    %get3A_501 = tpu.vector_load %arg5[%get3A_500] {strides = array<i32>} : memref<50192xi32, #tpu.memory_space<vmem>>, vector<16xi32>,
                                    %iota3A_502 = tpu.iota {dimensions = array<i32: 0>} : vector<16xi32>
                                    %eq3A_503 = arith.constant 0 : i32
                                    %eq3A_504 = vector.broadcast %eq3A_503 : i32 to vector<16xi32>
                                    %eq3A_505 = arith.cmpi eq, %iota3A_502, %eq3A_504 : vector<16xi32>
                                    %broadcast_in_dim3A_506 = vector.broadcast %squeeze3A_493 : i32 to vector<16xi32>
                                    %select_n3A_507 = arith.select %eq3A_505, %broadcast_in_dim3A_506, %get3A_501 : vector<16xi1>, vector<16xi32>
                                    %swap3A_508 = arith.index_cast %squeeze3A_453 : i32 to index
                                    %swap3A_509 = tpu.vector_load %arg5[%swap3A_508] {strides = array<i32>} : memref<50192xi32, #tpu.memory_space<vmem>>, vector<16xi32>,
                                    tpu.vector_store %arg5[%swap3A_508], %select_n3A_507 {strides = array<i32>} : memref<50192xi32, #tpu.memory_space<vmem>>, vector<16xi32>,
                                    %get3A_510 = arith.index_cast %squeeze3A_493 : i32 to index
                                    %get3A_511 = tpu.vector_load %arg5[%get3A_510] {strides = array<i32>} : memref<50192xi32, #tpu.memory_space<vmem>>, vector<16xi32>,
                                    %slice3A_512 = vector.extract_strided_slice %get3A_511 {offsets = [0], sizes = [1], strides = [1]} : vector<16xi32> to vector<1xi32>
                                    %squeeze3A_513 = vector.extract %slice3A_512[0] : i32 from vector<1xi32>
                                    %lt3A_514 = arith.constant 0 : i32
                                    %lt3A_515 = arith.cmpi slt, %squeeze3A_513, %lt3A_514 : i32
                                    %convert_element_type3A_516 = arith.extui %lt3A_515 : i1 to i32
                                    %cond3A_517 = arith.constant 0 : i32
                                    %cond3A_518 = arith.cmpi ne, %convert_element_type3A_516, %cond3A_517 : i32
                                    %cond3A_519 = scf.if %cond3A_518 -> (i32) {
                                      scf.yield %squeeze3A_493 : i32
                                    } else {
                                      %get3A_520 = arith.index_cast %squeeze3A_473 : i32 to index
                                      %get3A_521 = tpu.vector_load %arg5[%get3A_520] {strides = array<i32>} : memref<50192xi32, #tpu.memory_space<vmem>>, vector<16xi32>,
                                      %iota3A_522 = tpu.iota {dimensions = array<i32: 0>} : vector<16xi32>
                                      %eq3A_523 = arith.constant 0 : i32
                                      %eq3A_524 = vector.broadcast %eq3A_523 : i32 to vector<16xi32>
                                      %eq3A_525 = arith.cmpi eq, %iota3A_522, %eq3A_524 : vector<16xi32>
                                      %broadcast_in_dim3A_526 = vector.broadcast %squeeze3A_513 : i32 to vector<16xi32>
                                      %select_n3A_527 = arith.select %eq3A_525, %broadcast_in_dim3A_526, %get3A_521 : vector<16xi1>, vector<16xi32>
                                      %swap3A_528 = arith.index_cast %squeeze3A_473 : i32 to index
                                      %swap3A_529 = tpu.vector_load %arg5[%swap3A_528] {strides = array<i32>} : memref<50192xi32, #tpu.memory_space<vmem>>, vector<16xi32>,
                                      tpu.vector_store %arg5[%swap3A_528], %select_n3A_527 {strides = array<i32>} : memref<50192xi32, #tpu.memory_space<vmem>>, vector<16xi32>,
                                      %get3A_530 = arith.index_cast %squeeze3A_513 : i32 to index
                                      %get3A_531 = tpu.vector_load %arg5[%get3A_530] {strides = array<i32>} : memref<50192xi32, #tpu.memory_space<vmem>>, vector<16xi32>,
                                      %slice3A_532 = vector.extract_strided_slice %get3A_531 {offsets = [0], sizes = [1], strides = [1]} : vector<16xi32> to vector<1xi32>
                                      %squeeze3A_533 = vector.extract %slice3A_532[0] : i32 from vector<1xi32>
                                      %lt3A_534 = arith.constant 0 : i32
                                      %lt3A_535 = arith.cmpi slt, %squeeze3A_533, %lt3A_534 : i32
                                      %convert_element_type3A_536 = arith.extui %lt3A_535 : i1 to i32
                                      %cond3A_537 = arith.constant 0 : i32
                                      %cond3A_538 = arith.cmpi ne, %convert_element_type3A_536, %cond3A_537 : i32
                                      %cond3A_539 = scf.if %cond3A_538 -> (i32) {
                                        scf.yield %squeeze3A_513 : i32
                                      } else {
                                        %get3A_540 = arith.index_cast %squeeze3A_493 : i32 to index
                                        %get3A_541 = tpu.vector_load %arg5[%get3A_540] {strides = array<i32>} : memref<50192xi32, #tpu.memory_space<vmem>>, vector<16xi32>,
                                        %iota3A_542 = tpu.iota {dimensions = array<i32: 0>} : vector<16xi32>
                                        %eq3A_543 = arith.constant 0 : i32
                                        %eq3A_544 = vector.broadcast %eq3A_543 : i32 to vector<16xi32>
                                        %eq3A_545 = arith.cmpi eq, %iota3A_542, %eq3A_544 : vector<16xi32>
                                        %broadcast_in_dim3A_546 = vector.broadcast %squeeze3A_533 : i32 to vector<16xi32>
                                        %select_n3A_547 = arith.select %eq3A_545, %broadcast_in_dim3A_546, %get3A_541 : vector<16xi1>, vector<16xi32>
                                        %swap3A_548 = arith.index_cast %squeeze3A_493 : i32 to index
                                        %swap3A_549 = tpu.vector_load %arg5[%swap3A_548] {strides = array<i32>} : memref<50192xi32, #tpu.memory_space<vmem>>, vector<16xi32>,
                                        tpu.vector_store %arg5[%swap3A_548], %select_n3A_547 {strides = array<i32>} : memref<50192xi32, #tpu.memory_space<vmem>>, vector<16xi32>,
                                        %get3A_550 = arith.index_cast %squeeze3A_533 : i32 to index
                                        %get3A_551 = tpu.vector_load %arg5[%get3A_550] {strides = array<i32>} : memref<50192xi32, #tpu.memory_space<vmem>>, vector<16xi32>,
                                        %slice3A_552 = vector.extract_strided_slice %get3A_551 {offsets = [0], sizes = [1], strides = [1]} : vector<16xi32> to vector<1xi32>
                                        %squeeze3A_553 = vector.extract %slice3A_552[0] : i32 from vector<1xi32>
                                        %lt3A_554 = arith.constant 0 : i32
                                        %lt3A_555 = arith.cmpi slt, %squeeze3A_553, %lt3A_554 : i32
                                        %convert_element_type3A_556 = arith.extui %lt3A_555 : i1 to i32
                                        %cond3A_557 = arith.constant 0 : i32
                                        %cond3A_558 = arith.cmpi ne, %convert_element_type3A_556, %cond3A_557 : i32
                                        %cond3A_559 = scf.if %cond3A_558 -> (i32) {
                                          scf.yield %squeeze3A_533 : i32
                                        } else {
                                          %get3A_560 = arith.index_cast %squeeze3A_513 : i32 to index
                                          %get3A_561 = tpu.vector_load %arg5[%get3A_560] {strides = array<i32>} : memref<50192xi32, #tpu.memory_space<vmem>>, vector<16xi32>,
                                          %iota3A_562 = tpu.iota {dimensions = array<i32: 0>} : vector<16xi32>
                                          %eq3A_563 = arith.constant 0 : i32
                                          %eq3A_564 = vector.broadcast %eq3A_563 : i32 to vector<16xi32>
                                          %eq3A_565 = arith.cmpi eq, %iota3A_562, %eq3A_564 : vector<16xi32>
                                          %broadcast_in_dim3A_566 = vector.broadcast %squeeze3A_553 : i32 to vector<16xi32>
                                          %select_n3A_567 = arith.select %eq3A_565, %broadcast_in_dim3A_566, %get3A_561 : vector<16xi1>, vector<16xi32>
                                          %swap3A_568 = arith.index_cast %squeeze3A_513 : i32 to index
                                          %swap3A_569 = tpu.vector_load %arg5[%swap3A_568] {strides = array<i32>} : memref<50192xi32, #tpu.memory_space<vmem>>, vector<16xi32>,
                                          tpu.vector_store %arg5[%swap3A_568], %select_n3A_567 {strides = array<i32>} : memref<50192xi32, #tpu.memory_space<vmem>>, vector<16xi32>,
                                          %get3A_570 = arith.index_cast %squeeze3A_553 : i32 to index
                                          %get3A_571 = tpu.vector_load %arg5[%get3A_570] {strides = array<i32>} : memref<50192xi32, #tpu.memory_space<vmem>>, vector<16xi32>,
                                          %slice3A_572 = vector.extract_strided_slice %get3A_571 {offsets = [0], sizes = [1], strides = [1]} : vector<16xi32> to vector<1xi32>
                                          %squeeze3A_573 = vector.extract %slice3A_572[0] : i32 from vector<1xi32>
                                          %lt3A_574 = arith.constant 0 : i32
                                          %lt3A_575 = arith.cmpi slt, %squeeze3A_573, %lt3A_574 : i32
                                          %convert_element_type3A_576 = arith.extui %lt3A_575 : i1 to i32
                                          %cond3A_577 = arith.constant 0 : i32
                                          %cond3A_578 = arith.cmpi ne, %convert_element_type3A_576, %cond3A_577 : i32
                                          %cond3A_579 = scf.if %cond3A_578 -> (i32) {
                                            scf.yield %squeeze3A_553 : i32
                                          } else {
                                            %get3A_580 = arith.index_cast %squeeze3A_533 : i32 to index
                                            %get3A_581 = tpu.vector_load %arg5[%get3A_580] {strides = array<i32>} : memref<50192xi32, #tpu.memory_space<vmem>>, vector<16xi32>,
                                            %iota3A_582 = tpu.iota {dimensions = array<i32: 0>} : vector<16xi32>
                                            %eq3A_583 = arith.constant 0 : i32
                                            %eq3A_584 = vector.broadcast %eq3A_583 : i32 to vector<16xi32>
                                            %eq3A_585 = arith.cmpi eq, %iota3A_582, %eq3A_584 : vector<16xi32>
                                            %broadcast_in_dim3A_586 = vector.broadcast %squeeze3A_573 : i32 to vector<16xi32>
                                            %select_n3A_587 = arith.select %eq3A_585, %broadcast_in_dim3A_586, %get3A_581 : vector<16xi1>, vector<16xi32>
                                            %swap3A_588 = arith.index_cast %squeeze3A_533 : i32 to index
                                            %swap3A_589 = tpu.vector_load %arg5[%swap3A_588] {strides = array<i32>} : memref<50192xi32, #tpu.memory_space<vmem>>, vector<16xi32>,
                                            tpu.vector_store %arg5[%swap3A_588], %select_n3A_587 {strides = array<i32>} : memref<50192xi32, #tpu.memory_space<vmem>>, vector<16xi32>,
                                            %get3A_590 = arith.index_cast %squeeze3A_573 : i32 to index
                                            %get3A_591 = tpu.vector_load %arg5[%get3A_590] {strides = array<i32>} : memref<50192xi32, #tpu.memory_space<vmem>>, vector<16xi32>,
                                            %slice3A_592 = vector.extract_strided_slice %get3A_591 {offsets = [0], sizes = [1], strides = [1]} : vector<16xi32> to vector<1xi32>
                                            %squeeze3A_593 = vector.extract %slice3A_592[0] : i32 from vector<1xi32>
                                            %lt3A_594 = arith.constant 0 : i32
                                            %lt3A_595 = arith.cmpi slt, %squeeze3A_593, %lt3A_594 : i32
                                            %convert_element_type3A_596 = arith.extui %lt3A_595 : i1 to i32
                                            %cond3A_597 = arith.constant 0 : i32
                                            %cond3A_598 = arith.cmpi ne, %convert_element_type3A_596, %cond3A_597 : i32
                                            %cond3A_599 = scf.if %cond3A_598 -> (i32) {
                                              scf.yield %squeeze3A_573 : i32
                                            } else {
                                              %get3A_600 = arith.index_cast %squeeze3A_553 : i32 to index
                                              %get3A_601 = tpu.vector_load %arg5[%get3A_600] {strides = array<i32>} : memref<50192xi32, #tpu.memory_space<vmem>>, vector<16xi32>,
                                              %iota3A_602 = tpu.iota {dimensions = array<i32: 0>} : vector<16xi32>
                                              %eq3A_603 = arith.constant 0 : i32
                                              %eq3A_604 = vector.broadcast %eq3A_603 : i32 to vector<16xi32>
                                              %eq3A_605 = arith.cmpi eq, %iota3A_602, %eq3A_604 : vector<16xi32>
                                              %broadcast_in_dim3A_606 = vector.broadcast %squeeze3A_593 : i32 to vector<16xi32>
                                              %select_n3A_607 = arith.select %eq3A_605, %broadcast_in_dim3A_606, %get3A_601 : vector<16xi1>, vector<16xi32>
                                              %swap3A_608 = arith.index_cast %squeeze3A_553 : i32 to index
                                              %swap3A_609 = tpu.vector_load %arg5[%swap3A_608] {strides = array<i32>} : memref<50192xi32, #tpu.memory_space<vmem>>, vector<16xi32>,
                                              tpu.vector_store %arg5[%swap3A_608], %select_n3A_607 {strides = array<i32>} : memref<50192xi32, #tpu.memory_space<vmem>>, vector<16xi32>,
                                              %get3A_610 = arith.index_cast %squeeze3A_593 : i32 to index
                                              %get3A_611 = tpu.vector_load %arg5[%get3A_610] {strides = array<i32>} : memref<50192xi32, #tpu.memory_space<vmem>>, vector<16xi32>,
                                              %slice3A_612 = vector.extract_strided_slice %get3A_611 {offsets = [0], sizes = [1], strides = [1]} : vector<16xi32> to vector<1xi32>
                                              %squeeze3A_613 = vector.extract %slice3A_612[0] : i32 from vector<1xi32>
                                              scf.yield %squeeze3A_593 : i32
                                            }
                                            scf.yield %cond3A_599 : i32
                                          }
                                          scf.yield %cond3A_579 : i32
                                        }
                                        scf.yield %cond3A_559 : i32
                                      }
                                      scf.yield %cond3A_539 : i32
                                    }
                                    scf.yield %cond3A_519 : i32
                                  }
                                  scf.yield %cond3A_499 : i32
                                }
                                scf.yield %cond3A_479 : i32
                              }
                              scf.yield %cond3A_459 : i32
                            }
                            scf.yield %cond3A_439 : i32
                          }
                          scf.yield %cond3A_419 : i32
                        }
                        scf.yield %cond3A_399 : i32
                      }
                      scf.yield %cond3A_379 : i32
                    }
                    scf.yield %cond3A_359 : i32
                  }
                  scf.yield %cond3A_339 : i32
                }
                scf.yield %cond3A_319 : i32
              }
              scf.yield %cond3A_302 : i32
            }
            %get3A_279 = arith.index_cast %add3A_268 : i32 to index
            %get3A_280 = tpu.vector_load %arg5[%get3A_279] {strides = array<i32>} : memref<50192xi32, #tpu.memory_space<vmem>>, vector<16xi32>,
            %slice3A_281 = vector.extract_strided_slice %get3A_280 {offsets = [0], sizes = [1], strides = [1]} : vector<16xi32> to vector<1xi32>
            %squeeze3A_282 = vector.extract %slice3A_281[0] : i32 from vector<1xi32>
            %lt3A_283 = arith.constant 0 : i32
            %lt3A_284 = arith.cmpi slt, %squeeze3A_282, %lt3A_283 : i32
            %convert_element_type3A_285 = arith.extui %lt3A_284 : i1 to i32
            %cond3A_286 = arith.constant 0 : i32
            %cond3A_287 = arith.cmpi ne, %convert_element_type3A_285, %cond3A_286 : i32
            %cond3A_288 = scf.if %cond3A_287 -> (i32) {
              scf.yield %add3A_268 : i32
            } else {
              %get3A_293 = arith.index_cast %squeeze3A_282 : i32 to index
              %get3A_294 = tpu.vector_load %arg5[%get3A_293] {strides = array<i32>} : memref<50192xi32, #tpu.memory_space<vmem>>, vector<16xi32>,
              %slice3A_295 = vector.extract_strided_slice %get3A_294 {offsets = [0], sizes = [1], strides = [1]} : vector<16xi32> to vector<1xi32>
              %squeeze3A_296 = vector.extract %slice3A_295[0] : i32 from vector<1xi32>
              %lt3A_297 = arith.constant 0 : i32
              %lt3A_298 = arith.cmpi slt, %squeeze3A_296, %lt3A_297 : i32
              %convert_element_type3A_299 = arith.extui %lt3A_298 : i1 to i32
              %cond3A_300 = arith.constant 0 : i32
              %cond3A_301 = arith.cmpi ne, %convert_element_type3A_299, %cond3A_300 : i32
              %cond3A_302 = scf.if %cond3A_301 -> (i32) {
                scf.yield %squeeze3A_282 : i32
              } else {
                %get3A_303 = arith.index_cast %add3A_268 : i32 to index
                %get3A_304 = tpu.vector_load %arg5[%get3A_303] {strides = array<i32>} : memref<50192xi32, #tpu.memory_space<vmem>>, vector<16xi32>,
                %iota3A = tpu.iota {dimensions = array<i32: 0>} : vector<16xi32>
                %eq3A_305 = arith.constant 0 : i32
                %eq3A_306 = vector.broadcast %eq3A_305 : i32 to vector<16xi32>
                %eq3A_307 = arith.cmpi eq, %iota3A, %eq3A_306 : vector<16xi32>
                %broadcast_in_dim3A = vector.broadcast %squeeze3A_296 : i32 to vector<16xi32>
                %select_n3A_308 = arith.select %eq3A_307, %broadcast_in_dim3A, %get3A_304 : vector<16xi1>, vector<16xi32>
                %swap3A = arith.index_cast %add3A_268 : i32 to index
                %swap3A_309 = tpu.vector_load %arg5[%swap3A] {strides = array<i32>} : memref<50192xi32, #tpu.memory_space<vmem>>, vector<16xi32>,
                tpu.vector_store %arg5[%swap3A], %select_n3A_308 {strides = array<i32>} : memref<50192xi32, #tpu.memory_space<vmem>>, vector<16xi32>,
                %get3A_310 = arith.index_cast %squeeze3A_296 : i32 to index
                %get3A_311 = tpu.vector_load %arg5[%get3A_310] {strides = array<i32>} : memref<50192xi32, #tpu.memory_space<vmem>>, vector<16xi32>,
                %slice3A_312 = vector.extract_strided_slice %get3A_311 {offsets = [0], sizes = [1], strides = [1]} : vector<16xi32> to vector<1xi32>
                %squeeze3A_313 = vector.extract %slice3A_312[0] : i32 from vector<1xi32>
                %lt3A_314 = arith.constant 0 : i32
                %lt3A_315 = arith.cmpi slt, %squeeze3A_313, %lt3A_314 : i32
                %convert_element_type3A_316 = arith.extui %lt3A_315 : i1 to i32
                %cond3A_317 = arith.constant 0 : i32
                %cond3A_318 = arith.cmpi ne, %convert_element_type3A_316, %cond3A_317 : i32
                %cond3A_319 = scf.if %cond3A_318 -> (i32) {
                  scf.yield %squeeze3A_296 : i32
                } else {
                  %get3A_320 = arith.index_cast %squeeze3A_282 : i32 to index
                  %get3A_321 = tpu.vector_load %arg5[%get3A_320] {strides = array<i32>} : memref<50192xi32, #tpu.memory_space<vmem>>, vector<16xi32>,
                  %iota3A_322 = tpu.iota {dimensions = array<i32: 0>} : vector<16xi32>
                  %eq3A_323 = arith.constant 0 : i32
                  %eq3A_324 = vector.broadcast %eq3A_323 : i32 to vector<16xi32>
                  %eq3A_325 = arith.cmpi eq, %iota3A_322, %eq3A_324 : vector<16xi32>
                  %broadcast_in_dim3A_326 = vector.broadcast %squeeze3A_313 : i32 to vector<16xi32>
                  %select_n3A_327 = arith.select %eq3A_325, %broadcast_in_dim3A_326, %get3A_321 : vector<16xi1>, vector<16xi32>
                  %swap3A_328 = arith.index_cast %squeeze3A_282 : i32 to index
                  %swap3A_329 = tpu.vector_load %arg5[%swap3A_328] {strides = array<i32>} : memref<50192xi32, #tpu.memory_space<vmem>>, vector<16xi32>,
                  tpu.vector_store %arg5[%swap3A_328], %select_n3A_327 {strides = array<i32>} : memref<50192xi32, #tpu.memory_space<vmem>>, vector<16xi32>,
                  %get3A_330 = arith.index_cast %squeeze3A_313 : i32 to index
                  %get3A_331 = tpu.vector_load %arg5[%get3A_330] {strides = array<i32>} : memref<50192xi32, #tpu.memory_space<vmem>>, vector<16xi32>,
                  %slice3A_332 = vector.extract_strided_slice %get3A_331 {offsets = [0], sizes = [1], strides = [1]} : vector<16xi32> to vector<1xi32>
                  %squeeze3A_333 = vector.extract %slice3A_332[0] : i32 from vector<1xi32>
                  %lt3A_334 = arith.constant 0 : i32
                  %lt3A_335 = arith.cmpi slt, %squeeze3A_333, %lt3A_334 : i32
                  %convert_element_type3A_336 = arith.extui %lt3A_335 : i1 to i32
                  %cond3A_337 = arith.constant 0 : i32
                  %cond3A_338 = arith.cmpi ne, %convert_element_type3A_336, %cond3A_337 : i32
                  %cond3A_339 = scf.if %cond3A_338 -> (i32) {
                    scf.yield %squeeze3A_313 : i32
                  } else {
                    %get3A_340 = arith.index_cast %squeeze3A_296 : i32 to index
                    %get3A_341 = tpu.vector_load %arg5[%get3A_340] {strides = array<i32>} : memref<50192xi32, #tpu.memory_space<vmem>>, vector<16xi32>,
                    %iota3A_342 = tpu.iota {dimensions = array<i32: 0>} : vector<16xi32>
                    %eq3A_343 = arith.constant 0 : i32
                    %eq3A_344 = vector.broadcast %eq3A_343 : i32 to vector<16xi32>
                    %eq3A_345 = arith.cmpi eq, %iota3A_342, %eq3A_344 : vector<16xi32>
                    %broadcast_in_dim3A_346 = vector.broadcast %squeeze3A_333 : i32 to vector<16xi32>
                    %select_n3A_347 = arith.select %eq3A_345, %broadcast_in_dim3A_346, %get3A_341 : vector<16xi1>, vector<16xi32>
                    %swap3A_348 = arith.index_cast %squeeze3A_296 : i32 to index
                    %swap3A_349 = tpu.vector_load %arg5[%swap3A_348] {strides = array<i32>} : memref<50192xi32, #tpu.memory_space<vmem>>, vector<16xi32>,
                    tpu.vector_store %arg5[%swap3A_348], %select_n3A_347 {strides = array<i32>} : memref<50192xi32, #tpu.memory_space<vmem>>, vector<16xi32>,
                    %get3A_350 = arith.index_cast %squeeze3A_333 : i32 to index
                    %get3A_351 = tpu.vector_load %arg5[%get3A_350] {strides = array<i32>} : memref<50192xi32, #tpu.memory_space<vmem>>, vector<16xi32>,
                    %slice3A_352 = vector.extract_strided_slice %get3A_351 {offsets = [0], sizes = [1], strides = [1]} : vector<16xi32> to vector<1xi32>
                    %squeeze3A_353 = vector.extract %slice3A_352[0] : i32 from vector<1xi32>
                    %lt3A_354 = arith.constant 0 : i32
                    %lt3A_355 = arith.cmpi slt, %squeeze3A_353, %lt3A_354 : i32
                    %convert_element_type3A_356 = arith.extui %lt3A_355 : i1 to i32
                    %cond3A_357 = arith.constant 0 : i32
                    %cond3A_358 = arith.cmpi ne, %convert_element_type3A_356, %cond3A_357 : i32
                    %cond3A_359 = scf.if %cond3A_358 -> (i32) {
                      scf.yield %squeeze3A_333 : i32
                    } else {
                      %get3A_360 = arith.index_cast %squeeze3A_313 : i32 to index
                      %get3A_361 = tpu.vector_load %arg5[%get3A_360] {strides = array<i32>} : memref<50192xi32, #tpu.memory_space<vmem>>, vector<16xi32>,
                      %iota3A_362 = tpu.iota {dimensions = array<i32: 0>} : vector<16xi32>
                      %eq3A_363 = arith.constant 0 : i32
                      %eq3A_364 = vector.broadcast %eq3A_363 : i32 to vector<16xi32>
                      %eq3A_365 = arith.cmpi eq, %iota3A_362, %eq3A_364 : vector<16xi32>
                      %broadcast_in_dim3A_366 = vector.broadcast %squeeze3A_353 : i32 to vector<16xi32>
                      %select_n3A_367 = arith.select %eq3A_365, %broadcast_in_dim3A_366, %get3A_361 : vector<16xi1>, vector<16xi32>
                      %swap3A_368 = arith.index_cast %squeeze3A_313 : i32 to index
                      %swap3A_369 = tpu.vector_load %arg5[%swap3A_368] {strides = array<i32>} : memref<50192xi32, #tpu.memory_space<vmem>>, vector<16xi32>,
                      tpu.vector_store %arg5[%swap3A_368], %select_n3A_367 {strides = array<i32>} : memref<50192xi32, #tpu.memory_space<vmem>>, vector<16xi32>,
                      %get3A_370 = arith.index_cast %squeeze3A_353 : i32 to index
                      %get3A_371 = tpu.vector_load %arg5[%get3A_370] {strides = array<i32>} : memref<50192xi32, #tpu.memory_space<vmem>>, vector<16xi32>,
                      %slice3A_372 = vector.extract_strided_slice %get3A_371 {offsets = [0], sizes = [1], strides = [1]} : vector<16xi32> to vector<1xi32>
                      %squeeze3A_373 = vector.extract %slice3A_372[0] : i32 from vector<1xi32>
                      %lt3A_374 = arith.constant 0 : i32
                      %lt3A_375 = arith.cmpi slt, %squeeze3A_373, %lt3A_374 : i32
                      %convert_element_type3A_376 = arith.extui %lt3A_375 : i1 to i32
                      %cond3A_377 = arith.constant 0 : i32
                      %cond3A_378 = arith.cmpi ne, %convert_element_type3A_376, %cond3A_377 : i32
                      %cond3A_379 = scf.if %cond3A_378 -> (i32) {
                        scf.yield %squeeze3A_353 : i32
                      } else {
                        %get3A_380 = arith.index_cast %squeeze3A_333 : i32 to index
                        %get3A_381 = tpu.vector_load %arg5[%get3A_380] {strides = array<i32>} : memref<50192xi32, #tpu.memory_space<vmem>>, vector<16xi32>,
                        %iota3A_382 = tpu.iota {dimensions = array<i32: 0>} : vector<16xi32>
                        %eq3A_383 = arith.constant 0 : i32
                        %eq3A_384 = vector.broadcast %eq3A_383 : i32 to vector<16xi32>
                        %eq3A_385 = arith.cmpi eq, %iota3A_382, %eq3A_384 : vector<16xi32>
                        %broadcast_in_dim3A_386 = vector.broadcast %squeeze3A_373 : i32 to vector<16xi32>
                        %select_n3A_387 = arith.select %eq3A_385, %broadcast_in_dim3A_386, %get3A_381 : vector<16xi1>, vector<16xi32>
                        %swap3A_388 = arith.index_cast %squeeze3A_333 : i32 to index
                        %swap3A_389 = tpu.vector_load %arg5[%swap3A_388] {strides = array<i32>} : memref<50192xi32, #tpu.memory_space<vmem>>, vector<16xi32>,
                        tpu.vector_store %arg5[%swap3A_388], %select_n3A_387 {strides = array<i32>} : memref<50192xi32, #tpu.memory_space<vmem>>, vector<16xi32>,
                        %get3A_390 = arith.index_cast %squeeze3A_373 : i32 to index
                        %get3A_391 = tpu.vector_load %arg5[%get3A_390] {strides = array<i32>} : memref<50192xi32, #tpu.memory_space<vmem>>, vector<16xi32>,
                        %slice3A_392 = vector.extract_strided_slice %get3A_391 {offsets = [0], sizes = [1], strides = [1]} : vector<16xi32> to vector<1xi32>
                        %squeeze3A_393 = vector.extract %slice3A_392[0] : i32 from vector<1xi32>
                        %lt3A_394 = arith.constant 0 : i32
                        %lt3A_395 = arith.cmpi slt, %squeeze3A_393, %lt3A_394 : i32
                        %convert_element_type3A_396 = arith.extui %lt3A_395 : i1 to i32
                        %cond3A_397 = arith.constant 0 : i32
                        %cond3A_398 = arith.cmpi ne, %convert_element_type3A_396, %cond3A_397 : i32
                        %cond3A_399 = scf.if %cond3A_398 -> (i32) {
                          scf.yield %squeeze3A_373 : i32
                        } else {
                          %get3A_400 = arith.index_cast %squeeze3A_353 : i32 to index
                          %get3A_401 = tpu.vector_load %arg5[%get3A_400] {strides = array<i32>} : memref<50192xi32, #tpu.memory_space<vmem>>, vector<16xi32>,
                          %iota3A_402 = tpu.iota {dimensions = array<i32: 0>} : vector<16xi32>
                          %eq3A_403 = arith.constant 0 : i32
                          %eq3A_404 = vector.broadcast %eq3A_403 : i32 to vector<16xi32>
                          %eq3A_405 = arith.cmpi eq, %iota3A_402, %eq3A_404 : vector<16xi32>
                          %broadcast_in_dim3A_406 = vector.broadcast %squeeze3A_393 : i32 to vector<16xi32>
                          %select_n3A_407 = arith.select %eq3A_405, %broadcast_in_dim3A_406, %get3A_401 : vector<16xi1>, vector<16xi32>
                          %swap3A_408 = arith.index_cast %squeeze3A_353 : i32 to index
                          %swap3A_409 = tpu.vector_load %arg5[%swap3A_408] {strides = array<i32>} : memref<50192xi32, #tpu.memory_space<vmem>>, vector<16xi32>,
                          tpu.vector_store %arg5[%swap3A_408], %select_n3A_407 {strides = array<i32>} : memref<50192xi32, #tpu.memory_space<vmem>>, vector<16xi32>,
                          %get3A_410 = arith.index_cast %squeeze3A_393 : i32 to index
                          %get3A_411 = tpu.vector_load %arg5[%get3A_410] {strides = array<i32>} : memref<50192xi32, #tpu.memory_space<vmem>>, vector<16xi32>,
                          %slice3A_412 = vector.extract_strided_slice %get3A_411 {offsets = [0], sizes = [1], strides = [1]} : vector<16xi32> to vector<1xi32>
                          %squeeze3A_413 = vector.extract %slice3A_412[0] : i32 from vector<1xi32>
                          %lt3A_414 = arith.constant 0 : i32
                          %lt3A_415 = arith.cmpi slt, %squeeze3A_413, %lt3A_414 : i32
                          %convert_element_type3A_416 = arith.extui %lt3A_415 : i1 to i32
                          %cond3A_417 = arith.constant 0 : i32
                          %cond3A_418 = arith.cmpi ne, %convert_element_type3A_416, %cond3A_417 : i32
                          %cond3A_419 = scf.if %cond3A_418 -> (i32) {
                            scf.yield %squeeze3A_393 : i32
                          } else {
                            %get3A_420 = arith.index_cast %squeeze3A_373 : i32 to index
                            %get3A_421 = tpu.vector_load %arg5[%get3A_420] {strides = array<i32>} : memref<50192xi32, #tpu.memory_space<vmem>>, vector<16xi32>,
                            %iota3A_422 = tpu.iota {dimensions = array<i32: 0>} : vector<16xi32>
                            %eq3A_423 = arith.constant 0 : i32
                            %eq3A_424 = vector.broadcast %eq3A_423 : i32 to vector<16xi32>
                            %eq3A_425 = arith.cmpi eq, %iota3A_422, %eq3A_424 : vector<16xi32>
                            %broadcast_in_dim3A_426 = vector.broadcast %squeeze3A_413 : i32 to vector<16xi32>
                            %select_n3A_427 = arith.select %eq3A_425, %broadcast_in_dim3A_426, %get3A_421 : vector<16xi1>, vector<16xi32>
                            %swap3A_428 = arith.index_cast %squeeze3A_373 : i32 to index
                            %swap3A_429 = tpu.vector_load %arg5[%swap3A_428] {strides = array<i32>} : memref<50192xi32, #tpu.memory_space<vmem>>, vector<16xi32>,
                            tpu.vector_store %arg5[%swap3A_428], %select_n3A_427 {strides = array<i32>} : memref<50192xi32, #tpu.memory_space<vmem>>, vector<16xi32>,
                            %get3A_430 = arith.index_cast %squeeze3A_413 : i32 to index
                            %get3A_431 = tpu.vector_load %arg5[%get3A_430] {strides = array<i32>} : memref<50192xi32, #tpu.memory_space<vmem>>, vector<16xi32>,
                            %slice3A_432 = vector.extract_strided_slice %get3A_431 {offsets = [0], sizes = [1], strides = [1]} : vector<16xi32> to vector<1xi32>
                            %squeeze3A_433 = vector.extract %slice3A_432[0] : i32 from vector<1xi32>
                            %lt3A_434 = arith.constant 0 : i32
                            %lt3A_435 = arith.cmpi slt, %squeeze3A_433, %lt3A_434 : i32
                            %convert_element_type3A_436 = arith.extui %lt3A_435 : i1 to i32
                            %cond3A_437 = arith.constant 0 : i32
                            %cond3A_438 = arith.cmpi ne, %convert_element_type3A_436, %cond3A_437 : i32
                            %cond3A_439 = scf.if %cond3A_438 -> (i32) {
                              scf.yield %squeeze3A_413 : i32
                            } else {
                              %get3A_440 = arith.index_cast %squeeze3A_393 : i32 to index
                              %get3A_441 = tpu.vector_load %arg5[%get3A_440] {strides = array<i32>} : memref<50192xi32, #tpu.memory_space<vmem>>, vector<16xi32>,
                              %iota3A_442 = tpu.iota {dimensions = array<i32: 0>} : vector<16xi32>
                              %eq3A_443 = arith.constant 0 : i32
                              %eq3A_444 = vector.broadcast %eq3A_443 : i32 to vector<16xi32>
                              %eq3A_445 = arith.cmpi eq, %iota3A_442, %eq3A_444 : vector<16xi32>
                              %broadcast_in_dim3A_446 = vector.broadcast %squeeze3A_433 : i32 to vector<16xi32>
                              %select_n3A_447 = arith.select %eq3A_445, %broadcast_in_dim3A_446, %get3A_441 : vector<16xi1>, vector<16xi32>
                              %swap3A_448 = arith.index_cast %squeeze3A_393 : i32 to index
                              %swap3A_449 = tpu.vector_load %arg5[%swap3A_448] {strides = array<i32>} : memref<50192xi32, #tpu.memory_space<vmem>>, vector<16xi32>,
                              tpu.vector_store %arg5[%swap3A_448], %select_n3A_447 {strides = array<i32>} : memref<50192xi32, #tpu.memory_space<vmem>>, vector<16xi32>,
                              %get3A_450 = arith.index_cast %squeeze3A_433 : i32 to index
                              %get3A_451 = tpu.vector_load %arg5[%get3A_450] {strides = array<i32>} : memref<50192xi32, #tpu.memory_space<vmem>>, vector<16xi32>,
                              %slice3A_452 = vector.extract_strided_slice %get3A_451 {offsets = [0], sizes = [1], strides = [1]} : vector<16xi32> to vector<1xi32>
                              %squeeze3A_453 = vector.extract %slice3A_452[0] : i32 from vector<1xi32>
                              %lt3A_454 = arith.constant 0 : i32
                              %lt3A_455 = arith.cmpi slt, %squeeze3A_453, %lt3A_454 : i32
                              %convert_element_type3A_456 = arith.extui %lt3A_455 : i1 to i32
                              %cond3A_457 = arith.constant 0 : i32
                              %cond3A_458 = arith.cmpi ne, %convert_element_type3A_456, %cond3A_457 : i32
                              %cond3A_459 = scf.if %cond3A_458 -> (i32) {
                                scf.yield %squeeze3A_433 : i32
                              } else {
                                %get3A_460 = arith.index_cast %squeeze3A_413 : i32 to index
                                %get3A_461 = tpu.vector_load %arg5[%get3A_460] {strides = array<i32>} : memref<50192xi32, #tpu.memory_space<vmem>>, vector<16xi32>,
                                %iota3A_462 = tpu.iota {dimensions = array<i32: 0>} : vector<16xi32>
                                %eq3A_463 = arith.constant 0 : i32
                                %eq3A_464 = vector.broadcast %eq3A_463 : i32 to vector<16xi32>
                                %eq3A_465 = arith.cmpi eq, %iota3A_462, %eq3A_464 : vector<16xi32>
                                %broadcast_in_dim3A_466 = vector.broadcast %squeeze3A_453 : i32 to vector<16xi32>
                                %select_n3A_467 = arith.select %eq3A_465, %broadcast_in_dim3A_466, %get3A_461 : vector<16xi1>, vector<16xi32>
                                %swap3A_468 = arith.index_cast %squeeze3A_413 : i32 to index
                                %swap3A_469 = tpu.vector_load %arg5[%swap3A_468] {strides = array<i32>} : memref<50192xi32, #tpu.memory_space<vmem>>, vector<16xi32>,
                                tpu.vector_store %arg5[%swap3A_468], %select_n3A_467 {strides = array<i32>} : memref<50192xi32, #tpu.memory_space<vmem>>, vector<16xi32>,
                                %get3A_470 = arith.index_cast %squeeze3A_453 : i32 to index
                                %get3A_471 = tpu.vector_load %arg5[%get3A_470] {strides = array<i32>} : memref<50192xi32, #tpu.memory_space<vmem>>, vector<16xi32>,
                                %slice3A_472 = vector.extract_strided_slice %get3A_471 {offsets = [0], sizes = [1], strides = [1]} : vector<16xi32> to vector<1xi32>
                                %squeeze3A_473 = vector.extract %slice3A_472[0] : i32 from vector<1xi32>
                                %lt3A_474 = arith.constant 0 : i32
                                %lt3A_475 = arith.cmpi slt, %squeeze3A_473, %lt3A_474 : i32
                                %convert_element_type3A_476 = arith.extui %lt3A_475 : i1 to i32
                                %cond3A_477 = arith.constant 0 : i32
                                %cond3A_478 = arith.cmpi ne, %convert_element_type3A_476, %cond3A_477 : i32
                                %cond3A_479 = scf.if %cond3A_478 -> (i32) {
                                  scf.yield %squeeze3A_453 : i32
                                } else {
                                  %get3A_480 = arith.index_cast %squeeze3A_433 : i32 to index
                                  %get3A_481 = tpu.vector_load %arg5[%get3A_480] {strides = array<i32>} : memref<50192xi32, #tpu.memory_space<vmem>>, vector<16xi32>,
                                  %iota3A_482 = tpu.iota {dimensions = array<i32: 0>} : vector<16xi32>
                                  %eq3A_483 = arith.constant 0 : i32
                                  %eq3A_484 = vector.broadcast %eq3A_483 : i32 to vector<16xi32>
                                  %eq3A_485 = arith.cmpi eq, %iota3A_482, %eq3A_484 : vector<16xi32>
                                  %broadcast_in_dim3A_486 = vector.broadcast %squeeze3A_473 : i32 to vector<16xi32>
                                  %select_n3A_487 = arith.select %eq3A_485, %broadcast_in_dim3A_486, %get3A_481 : vector<16xi1>, vector<16xi32>
                                  %swap3A_488 = arith.index_cast %squeeze3A_433 : i32 to index
                                  %swap3A_489 = tpu.vector_load %arg5[%swap3A_488] {strides = array<i32>} : memref<50192xi32, #tpu.memory_space<vmem>>, vector<16xi32>,
                                  tpu.vector_store %arg5[%swap3A_488], %select_n3A_487 {strides = array<i32>} : memref<50192xi32, #tpu.memory_space<vmem>>, vector<16xi32>,
                                  %get3A_490 = arith.index_cast %squeeze3A_473 : i32 to index
                                  %get3A_491 = tpu.vector_load %arg5[%get3A_490] {strides = array<i32>} : memref<50192xi32, #tpu.memory_space<vmem>>, vector<16xi32>,
                                  %slice3A_492 = vector.extract_strided_slice %get3A_491 {offsets = [0], sizes = [1], strides = [1]} : vector<16xi32> to vector<1xi32>
                                  %squeeze3A_493 = vector.extract %slice3A_492[0] : i32 from vector<1xi32>
                                  %lt3A_494 = arith.constant 0 : i32
                                  %lt3A_495 = arith.cmpi slt, %squeeze3A_493, %lt3A_494 : i32
                                  %convert_element_type3A_496 = arith.extui %lt3A_495 : i1 to i32
                                  %cond3A_497 = arith.constant 0 : i32
                                  %cond3A_498 = arith.cmpi ne, %convert_element_type3A_496, %cond3A_497 : i32
                                  %cond3A_499 = scf.if %cond3A_498 -> (i32) {
                                    scf.yield %squeeze3A_473 : i32
                                  } else {
                                    %get3A_500 = arith.index_cast %squeeze3A_453 : i32 to index
                                    %get3A_501 = tpu.vector_load %arg5[%get3A_500] {strides = array<i32>} : memref<50192xi32, #tpu.memory_space<vmem>>, vector<16xi32>,
                                    %iota3A_502 = tpu.iota {dimensions = array<i32: 0>} : vector<16xi32>
                                    %eq3A_503 = arith.constant 0 : i32
                                    %eq3A_504 = vector.broadcast %eq3A_503 : i32 to vector<16xi32>
                                    %eq3A_505 = arith.cmpi eq, %iota3A_502, %eq3A_504 : vector<16xi32>
                                    %broadcast_in_dim3A_506 = vector.broadcast %squeeze3A_493 : i32 to vector<16xi32>
                                    %select_n3A_507 = arith.select %eq3A_505, %broadcast_in_dim3A_506, %get3A_501 : vector<16xi1>, vector<16xi32>
                                    %swap3A_508 = arith.index_cast %squeeze3A_453 : i32 to index
                                    %swap3A_509 = tpu.vector_load %arg5[%swap3A_508] {strides = array<i32>} : memref<50192xi32, #tpu.memory_space<vmem>>, vector<16xi32>,
                                    tpu.vector_store %arg5[%swap3A_508], %select_n3A_507 {strides = array<i32>} : memref<50192xi32, #tpu.memory_space<vmem>>, vector<16xi32>,
                                    %get3A_510 = arith.index_cast %squeeze3A_493 : i32 to index
                                    %get3A_511 = tpu.vector_load %arg5[%get3A_510] {strides = array<i32>} : memref<50192xi32, #tpu.memory_space<vmem>>, vector<16xi32>,
                                    %slice3A_512 = vector.extract_strided_slice %get3A_511 {offsets = [0], sizes = [1], strides = [1]} : vector<16xi32> to vector<1xi32>
                                    %squeeze3A_513 = vector.extract %slice3A_512[0] : i32 from vector<1xi32>
                                    %lt3A_514 = arith.constant 0 : i32
                                    %lt3A_515 = arith.cmpi slt, %squeeze3A_513, %lt3A_514 : i32
                                    %convert_element_type3A_516 = arith.extui %lt3A_515 : i1 to i32
                                    %cond3A_517 = arith.constant 0 : i32
                                    %cond3A_518 = arith.cmpi ne, %convert_element_type3A_516, %cond3A_517 : i32
                                    %cond3A_519 = scf.if %cond3A_518 -> (i32) {
                                      scf.yield %squeeze3A_493 : i32
                                    } else {
                                      %get3A_520 = arith.index_cast %squeeze3A_473 : i32 to index
                                      %get3A_521 = tpu.vector_load %arg5[%get3A_520] {strides = array<i32>} : memref<50192xi32, #tpu.memory_space<vmem>>, vector<16xi32>,
                                      %iota3A_522 = tpu.iota {dimensions = array<i32: 0>} : vector<16xi32>
                                      %eq3A_523 = arith.constant 0 : i32
                                      %eq3A_524 = vector.broadcast %eq3A_523 : i32 to vector<16xi32>
                                      %eq3A_525 = arith.cmpi eq, %iota3A_522, %eq3A_524 : vector<16xi32>
                                      %broadcast_in_dim3A_526 = vector.broadcast %squeeze3A_513 : i32 to vector<16xi32>
                                      %select_n3A_527 = arith.select %eq3A_525, %broadcast_in_dim3A_526, %get3A_521 : vector<16xi1>, vector<16xi32>
                                      %swap3A_528 = arith.index_cast %squeeze3A_473 : i32 to index
                                      %swap3A_529 = tpu.vector_load %arg5[%swap3A_528] {strides = array<i32>} : memref<50192xi32, #tpu.memory_space<vmem>>, vector<16xi32>,
                                      tpu.vector_store %arg5[%swap3A_528], %select_n3A_527 {strides = array<i32>} : memref<50192xi32, #tpu.memory_space<vmem>>, vector<16xi32>,
                                      %get3A_530 = arith.index_cast %squeeze3A_513 : i32 to index
                                      %get3A_531 = tpu.vector_load %arg5[%get3A_530] {strides = array<i32>} : memref<50192xi32, #tpu.memory_space<vmem>>, vector<16xi32>,
                                      %slice3A_532 = vector.extract_strided_slice %get3A_531 {offsets = [0], sizes = [1], strides = [1]} : vector<16xi32> to vector<1xi32>
                                      %squeeze3A_533 = vector.extract %slice3A_532[0] : i32 from vector<1xi32>
                                      %lt3A_534 = arith.constant 0 : i32
                                      %lt3A_535 = arith.cmpi slt, %squeeze3A_533, %lt3A_534 : i32
                                      %convert_element_type3A_536 = arith.extui %lt3A_535 : i1 to i32
                                      %cond3A_537 = arith.constant 0 : i32
                                      %cond3A_538 = arith.cmpi ne, %convert_element_type3A_536, %cond3A_537 : i32
                                      %cond3A_539 = scf.if %cond3A_538 -> (i32) {
                                        scf.yield %squeeze3A_513 : i32
                                      } else {
                                        %get3A_540 = arith.index_cast %squeeze3A_493 : i32 to index
                                        %get3A_541 = tpu.vector_load %arg5[%get3A_540] {strides = array<i32>} : memref<50192xi32, #tpu.memory_space<vmem>>, vector<16xi32>,
                                        %iota3A_542 = tpu.iota {dimensions = array<i32: 0>} : vector<16xi32>
                                        %eq3A_543 = arith.constant 0 : i32
                                        %eq3A_544 = vector.broadcast %eq3A_543 : i32 to vector<16xi32>
                                        %eq3A_545 = arith.cmpi eq, %iota3A_542, %eq3A_544 : vector<16xi32>
                                        %broadcast_in_dim3A_546 = vector.broadcast %squeeze3A_533 : i32 to vector<16xi32>
                                        %select_n3A_547 = arith.select %eq3A_545, %broadcast_in_dim3A_546, %get3A_541 : vector<16xi1>, vector<16xi32>
                                        %swap3A_548 = arith.index_cast %squeeze3A_493 : i32 to index
                                        %swap3A_549 = tpu.vector_load %arg5[%swap3A_548] {strides = array<i32>} : memref<50192xi32, #tpu.memory_space<vmem>>, vector<16xi32>,
                                        tpu.vector_store %arg5[%swap3A_548], %select_n3A_547 {strides = array<i32>} : memref<50192xi32, #tpu.memory_space<vmem>>, vector<16xi32>,
                                        %get3A_550 = arith.index_cast %squeeze3A_533 : i32 to index
                                        %get3A_551 = tpu.vector_load %arg5[%get3A_550] {strides = array<i32>} : memref<50192xi32, #tpu.memory_space<vmem>>, vector<16xi32>,
                                        %slice3A_552 = vector.extract_strided_slice %get3A_551 {offsets = [0], sizes = [1], strides = [1]} : vector<16xi32> to vector<1xi32>
                                        %squeeze3A_553 = vector.extract %slice3A_552[0] : i32 from vector<1xi32>
                                        %lt3A_554 = arith.constant 0 : i32
                                        %lt3A_555 = arith.cmpi slt, %squeeze3A_553, %lt3A_554 : i32
                                        %convert_element_type3A_556 = arith.extui %lt3A_555 : i1 to i32
                                        %cond3A_557 = arith.constant 0 : i32
                                        %cond3A_558 = arith.cmpi ne, %convert_element_type3A_556, %cond3A_557 : i32
                                        %cond3A_559 = scf.if %cond3A_558 -> (i32) {
                                          scf.yield %squeeze3A_533 : i32
                                        } else {
                                          %get3A_560 = arith.index_cast %squeeze3A_513 : i32 to index
                                          %get3A_561 = tpu.vector_load %arg5[%get3A_560] {strides = array<i32>} : memref<50192xi32, #tpu.memory_space<vmem>>, vector<16xi32>,
                                          %iota3A_562 = tpu.iota {dimensions = array<i32: 0>} : vector<16xi32>
                                          %eq3A_563 = arith.constant 0 : i32
                                          %eq3A_564 = vector.broadcast %eq3A_563 : i32 to vector<16xi32>
                                          %eq3A_565 = arith.cmpi eq, %iota3A_562, %eq3A_564 : vector<16xi32>
                                          %broadcast_in_dim3A_566 = vector.broadcast %squeeze3A_553 : i32 to vector<16xi32>
                                          %select_n3A_567 = arith.select %eq3A_565, %broadcast_in_dim3A_566, %get3A_561 : vector<16xi1>, vector<16xi32>
                                          %swap3A_568 = arith.index_cast %squeeze3A_513 : i32 to index
                                          %swap3A_569 = tpu.vector_load %arg5[%swap3A_568] {strides = array<i32>} : memref<50192xi32, #tpu.memory_space<vmem>>, vector<16xi32>,
                                          tpu.vector_store %arg5[%swap3A_568], %select_n3A_567 {strides = array<i32>} : memref<50192xi32, #tpu.memory_space<vmem>>, vector<16xi32>,
                                          %get3A_570 = arith.index_cast %squeeze3A_553 : i32 to index
                                          %get3A_571 = tpu.vector_load %arg5[%get3A_570] {strides = array<i32>} : memref<50192xi32, #tpu.memory_space<vmem>>, vector<16xi32>,
                                          %slice3A_572 = vector.extract_strided_slice %get3A_571 {offsets = [0], sizes = [1], strides = [1]} : vector<16xi32> to vector<1xi32>
                                          %squeeze3A_573 = vector.extract %slice3A_572[0] : i32 from vector<1xi32>
                                          %lt3A_574 = arith.constant 0 : i32
                                          %lt3A_575 = arith.cmpi slt, %squeeze3A_573, %lt3A_574 : i32
                                          %convert_element_type3A_576 = arith.extui %lt3A_575 : i1 to i32
                                          %cond3A_577 = arith.constant 0 : i32
                                          %cond3A_578 = arith.cmpi ne, %convert_element_type3A_576, %cond3A_577 : i32
                                          %cond3A_579 = scf.if %cond3A_578 -> (i32) {
                                            scf.yield %squeeze3A_553 : i32
                                          } else {
                                            %get3A_580 = arith.index_cast %squeeze3A_533 : i32 to index
                                            %get3A_581 = tpu.vector_load %arg5[%get3A_580] {strides = array<i32>} : memref<50192xi32, #tpu.memory_space<vmem>>, vector<16xi32>,
                                            %iota3A_582 = tpu.iota {dimensions = array<i32: 0>} : vector<16xi32>
                                            %eq3A_583 = arith.constant 0 : i32
                                            %eq3A_584 = vector.broadcast %eq3A_583 : i32 to vector<16xi32>
                                            %eq3A_585 = arith.cmpi eq, %iota3A_582, %eq3A_584 : vector<16xi32>
                                            %broadcast_in_dim3A_586 = vector.broadcast %squeeze3A_573 : i32 to vector<16xi32>
                                            %select_n3A_587 = arith.select %eq3A_585, %broadcast_in_dim3A_586, %get3A_581 : vector<16xi1>, vector<16xi32>
                                            %swap3A_588 = arith.index_cast %squeeze3A_533 : i32 to index
                                            %swap3A_589 = tpu.vector_load %arg5[%swap3A_588] {strides = array<i32>} : memref<50192xi32, #tpu.memory_space<vmem>>, vector<16xi32>,
                                            tpu.vector_store %arg5[%swap3A_588], %select_n3A_587 {strides = array<i32>} : memref<50192xi32, #tpu.memory_space<vmem>>, vector<16xi32>,
                                            %get3A_590 = arith.index_cast %squeeze3A_573 : i32 to index
                                            %get3A_591 = tpu.vector_load %arg5[%get3A_590] {strides = array<i32>} : memref<50192xi32, #tpu.memory_space<vmem>>, vector<16xi32>,
                                            %slice3A_592 = vector.extract_strided_slice %get3A_591 {offsets = [0], sizes = [1], strides = [1]} : vector<16xi32> to vector<1xi32>
                                            %squeeze3A_593 = vector.extract %slice3A_592[0] : i32 from vector<1xi32>
                                            %lt3A_594 = arith.constant 0 : i32
                                            %lt3A_595 = arith.cmpi slt, %squeeze3A_593, %lt3A_594 : i32
                                            %convert_element_type3A_596 = arith.extui %lt3A_595 : i1 to i32
                                            %cond3A_597 = arith.constant 0 : i32
                                            %cond3A_598 = arith.cmpi ne, %convert_element_type3A_596, %cond3A_597 : i32
                                            %cond3A_599 = scf.if %cond3A_598 -> (i32) {
                                              scf.yield %squeeze3A_573 : i32
                                            } else {
                                              %get3A_600 = arith.index_cast %squeeze3A_553 : i32 to index
                                              %get3A_601 = tpu.vector_load %arg5[%get3A_600] {strides = array<i32>} : memref<50192xi32, #tpu.memory_space<vmem>>, vector<16xi32>,
                                              %iota3A_602 = tpu.iota {dimensions = array<i32: 0>} : vector<16xi32>
                                              %eq3A_603 = arith.constant 0 : i32
                                              %eq3A_604 = vector.broadcast %eq3A_603 : i32 to vector<16xi32>
                                              %eq3A_605 = arith.cmpi eq, %iota3A_602, %eq3A_604 : vector<16xi32>
                                              %broadcast_in_dim3A_606 = vector.broadcast %squeeze3A_593 : i32 to vector<16xi32>
                                              %select_n3A_607 = arith.select %eq3A_605, %broadcast_in_dim3A_606, %get3A_601 : vector<16xi1>, vector<16xi32>
                                              %swap3A_608 = arith.index_cast %squeeze3A_553 : i32 to index
                                              %swap3A_609 = tpu.vector_load %arg5[%swap3A_608] {strides = array<i32>} : memref<50192xi32, #tpu.memory_space<vmem>>, vector<16xi32>,
                                              tpu.vector_store %arg5[%swap3A_608], %select_n3A_607 {strides = array<i32>} : memref<50192xi32, #tpu.memory_space<vmem>>, vector<16xi32>,
                                              %get3A_610 = arith.index_cast %squeeze3A_593 : i32 to index
                                              %get3A_611 = tpu.vector_load %arg5[%get3A_610] {strides = array<i32>} : memref<50192xi32, #tpu.memory_space<vmem>>, vector<16xi32>,
                                              %slice3A_612 = vector.extract_strided_slice %get3A_611 {offsets = [0], sizes = [1], strides = [1]} : vector<16xi32> to vector<1xi32>
                                              %squeeze3A_613 = vector.extract %slice3A_612[0] : i32 from vector<1xi32>
                                              scf.yield %squeeze3A_593 : i32
                                            }
                                            scf.yield %cond3A_599 : i32
                                          }
                                          scf.yield %cond3A_579 : i32
                                        }
                                        scf.yield %cond3A_559 : i32
                                      }
                                      scf.yield %cond3A_539 : i32
                                    }
                                    scf.yield %cond3A_519 : i32
                                  }
                                  scf.yield %cond3A_499 : i32
                                }
                                scf.yield %cond3A_479 : i32
                              }
                              scf.yield %cond3A_459 : i32
                            }
                            scf.yield %cond3A_439 : i32
                          }
                          scf.yield %cond3A_419 : i32
                        }
                        scf.yield %cond3A_399 : i32
                      }
                      scf.yield %cond3A_379 : i32
                    }
                    scf.yield %cond3A_359 : i32
                  }
                  scf.yield %cond3A_339 : i32
                }
                scf.yield %cond3A_319 : i32
              }
              scf.yield %cond3A_302 : i32
            }
            %ne3A = arith.cmpi ne, %cond3A_278, %cond3A_288 : i32
            %convert_element_type3A_289 = arith.extui %ne3A : i1 to i32
            %cond3A_290 = arith.constant 0 : i32
            %cond3A_291 = arith.cmpi ne, %convert_element_type3A_289, %cond3A_290 : i32
            %cond3A_292 = scf.if %cond3A_291 -> (i32) {
              %get3A_293 = arith.index_cast %cond3A_278 : i32 to index
              %get3A_294 = tpu.vector_load %arg5[%get3A_293] {strides = array<i32>} : memref<50192xi32, #tpu.memory_space<vmem>>, vector<16xi32>,
              %slice3A_295 = vector.extract_strided_slice %get3A_294 {offsets = [0], sizes = [1], strides = [1]} : vector<16xi32> to vector<1xi32>
              %squeeze3A_296 = vector.extract %slice3A_295[0] : i32 from vector<1xi32>
              %get3A_297 = arith.index_cast %cond3A_288 : i32 to index
              %get3A_298 = tpu.vector_load %arg5[%get3A_297] {strides = array<i32>} : memref<50192xi32, #tpu.memory_space<vmem>>, vector<16xi32>,
              %slice3A_299 = vector.extract_strided_slice %get3A_298 {offsets = [0], sizes = [1], strides = [1]} : vector<16xi32> to vector<1xi32>
              %squeeze3A_300 = vector.extract %slice3A_299[0] : i32 from vector<1xi32>
              %le3A = arith.cmpi sle, %squeeze3A_296, %squeeze3A_300 : i32
              %select_n3A_301 = arith.select %le3A, %cond3A_278, %cond3A_288 : i32
              %select_n3A_302 = arith.select %le3A, %cond3A_288, %cond3A_278 : i32
              %get3A_303 = arith.index_cast %select_n3A_302 : i32 to index
              %get3A_304 = tpu.vector_load %arg5[%get3A_303] {strides = array<i32>} : memref<50192xi32, #tpu.memory_space<vmem>>, vector<16xi32>,
              %iota3A = tpu.iota {dimensions = array<i32: 0>} : vector<16xi32>
              %eq3A_305 = arith.constant 0 : i32
              %eq3A_306 = vector.broadcast %eq3A_305 : i32 to vector<16xi32>
              %eq3A_307 = arith.cmpi eq, %iota3A, %eq3A_306 : vector<16xi32>
              %broadcast_in_dim3A = vector.broadcast %select_n3A_301 : i32 to vector<16xi32>
              %select_n3A_308 = arith.select %eq3A_307, %broadcast_in_dim3A, %get3A_304 : vector<16xi1>, vector<16xi32>
              %swap3A = arith.index_cast %select_n3A_302 : i32 to index
              %swap3A_309 = tpu.vector_load %arg5[%swap3A] {strides = array<i32>} : memref<50192xi32, #tpu.memory_space<vmem>>, vector<16xi32>,
              tpu.vector_store %arg5[%swap3A], %select_n3A_308 {strides = array<i32>} : memref<50192xi32, #tpu.memory_space<vmem>>, vector<16xi32>,
              %add3A_310 = arith.addi %squeeze3A_296, %squeeze3A_300 : i32
              %get3A_311 = arith.index_cast %select_n3A_301 : i32 to index
              %get3A_312 = tpu.vector_load %arg5[%get3A_311] {strides = array<i32>} : memref<50192xi32, #tpu.memory_space<vmem>>, vector<16xi32>,
              %iota3A_313 = tpu.iota {dimensions = array<i32: 0>} : vector<16xi32>
              %eq3A_314 = arith.constant 0 : i32
              %eq3A_315 = vector.broadcast %eq3A_314 : i32 to vector<16xi32>
              %eq3A_316 = arith.cmpi eq, %iota3A_313, %eq3A_315 : vector<16xi32>
              %broadcast_in_dim3A_317 = vector.broadcast %add3A_310 : i32 to vector<16xi32>
              %select_n3A_318 = arith.select %eq3A_316, %broadcast_in_dim3A_317, %get3A_312 : vector<16xi1>, vector<16xi32>
              %swap3A_319 = arith.index_cast %select_n3A_301 : i32 to index
              %swap3A_320 = tpu.vector_load %arg5[%swap3A_319] {strides = array<i32>} : memref<50192xi32, #tpu.memory_space<vmem>>, vector<16xi32>,
              tpu.vector_store %arg5[%swap3A_319], %select_n3A_318 {strides = array<i32>} : memref<50192xi32, #tpu.memory_space<vmem>>, vector<16xi32>,
              %and3A_321 = arith.constant 4095 : i32
              %and3A_322 = arith.andi %scan3A_256, %and3A_321 : i32
              %get3A_323 = arith.index_cast %and3A_322 : i32 to index
              %get3A_324 = tpu.vector_load %arg6[%get3A_323] {strides = array<i32>} : memref<4112xi32, #tpu.memory_space<vmem>>, vector<16xi32>,
              %iota3A_325 = tpu.iota {dimensions = array<i32: 0>} : vector<16xi32>
              %eq3A_326 = arith.constant 0 : i32
              %eq3A_327 = vector.broadcast %eq3A_326 : i32 to vector<16xi32>
              %eq3A_328 = arith.cmpi eq, %iota3A_325, %eq3A_327 : vector<16xi32>
              %broadcast_in_dim3A_329 = vector.broadcast %squeeze3A : i32 to vector<16xi32>
              %select_n3A_330 = arith.select %eq3A_328, %broadcast_in_dim3A_329, %get3A_324 : vector<16xi1>, vector<16xi32>
              %swap3A_331 = arith.index_cast %and3A_322 : i32 to index
              %swap3A_332 = tpu.vector_load %arg6[%swap3A_331] {strides = array<i32>} : memref<4112xi32, #tpu.memory_space<vmem>>, vector<16xi32>,
              tpu.vector_store %arg6[%swap3A_331], %select_n3A_330 {strides = array<i32>} : memref<4112xi32, #tpu.memory_space<vmem>>, vector<16xi32>,
              %eq3A_333 = arith.constant 4095 : i32
              %eq3A_334 = arith.cmpi eq, %and3A_322, %eq3A_333 : i32
              %convert_element_type3A_335 = arith.extui %eq3A_334 : i1 to i32
              %cond3A_336 = arith.constant 0 : i32
              %cond3A_337 = arith.cmpi ne, %convert_element_type3A_335, %cond3A_336 : i32
              scf.if %cond3A_337 {
                %mul3A_340 = arith.constant 50176 : i32
                %mul3A_341 = arith.muli %arg0, %mul3A_340 : i32
                %add3A_342 = arith.addi %mul3A_341, %scan3A_256 : i32
                %sub3A = arith.constant 4095 : i32
                %sub3A_343 = arith.subi %add3A_342, %sub3A : i32
                %multiple_of3A_344 = tpu.assume_multiple %sub3A_343, 8 : i32
                "tpu.region"() ({
                  %run_scoped3A = tpu.sem_alloc : memref<!tpu.dma_semaphore, #tpu.memory_space<semaphore_mem>>
                  %dma_start3A_345 = arith.constant 0 : i32
                  %dma_start3A_346 = tpu.memref_slice %arg6[%dma_start3A_345] : memref<4112xi32, #tpu.memory_space<vmem>> -> memref<4096xi32, #tpu.memory_space<vmem>>
                  %dma_start3A_347 = tpu.memref_slice %arg4[%multiple_of3A_344] : memref<100352xi32, #tpu.memory_space<hbm>> -> memref<4096xi32, #tpu.memory_space<hbm>>
                  %dma_start3A_348 = tpu.memref_slice %arg4[%multiple_of3A_344] : memref<100352xi32, #tpu.memory_space<hbm>> -> memref<4096xi32, #tpu.memory_space<hbm>>
                  %dma_start3A_349 = arith.constant 0 : i32
                  %dma_start3A_350 = tpu.memref_slice %arg6[%dma_start3A_349] : memref<4112xi32, #tpu.memory_space<vmem>> -> memref<4096xi32, #tpu.memory_space<vmem>>
                  tpu.enqueue_dma source(%dma_start3A_350 : memref<4096xi32, #tpu.memory_space<vmem>>) target(%dma_start3A_348 : memref<4096xi32, #tpu.memory_space<hbm>>) target_semaphore(%run_scoped3A : memref<!tpu.dma_semaphore, #tpu.memory_space<semaphore_mem>>)
                  %dma_wait3A_351 = arith.constant 0 : i32
                  %dma_wait3A_352 = tpu.memref_slice %arg6[%dma_wait3A_351] : memref<4112xi32, #tpu.memory_space<vmem>> -> memref<4096xi32, #tpu.memory_space<vmem>>
                  %dma_wait3A_353 = tpu.memref_slice %arg4[%multiple_of3A_344] : memref<100352xi32, #tpu.memory_space<hbm>> -> memref<4096xi32, #tpu.memory_space<hbm>>
                  %dma_wait3A_354 = tpu.memref_slice %arg4[%multiple_of3A_344] : memref<100352xi32, #tpu.memory_space<hbm>> -> memref<4096xi32, #tpu.memory_space<hbm>>
                  %dma_wait3A_355 = arith.constant 0 : i32
                  %dma_wait3A_356 = tpu.memref_slice %arg6[%dma_wait3A_355] : memref<4112xi32, #tpu.memory_space<vmem>> -> memref<4096xi32, #tpu.memory_space<vmem>>
                  tpu.wait_dma2 semaphore(%run_scoped3A : memref<!tpu.dma_semaphore, #tpu.memory_space<semaphore_mem>>) src(%dma_wait3A_356 : memref<4096xi32, #tpu.memory_space<vmem>>) dst(%dma_wait3A_354 : memref<4096xi32, #tpu.memory_space<hbm>>)
                  tpu.yield
                }) : () -> ()
              } else {
              }
              %add3A_338 = arith.constant 1 : i32
              %add3A_339 = arith.addi %scan3A_256, %add3A_338 : i32
              scf.yield %add3A_339 : i32
            } else {
              scf.yield %scan3A_256 : i32
            }
            scf.yield %cond3A_292 : i32
          } else {
            scf.yield %scan3A_256 : i32
          }
          scf.yield %cond3A_261 : i32
        }
        %scan3A_254 = arith.constant 3128 : i32
        scf.yield %scan3A_253 : i32
      }
      %scan3A_238 = arith.constant 32 : i32
      %mul3A_239 = arith.constant 50176 : i32
      %mul3A_240 = arith.muli %arg0, %mul3A_239 : i32
      %add3A_241 = arith.constant 49152 : i32
      %add3A_242 = arith.addi %mul3A_240, %add3A_241 : i32
      %multiple_of3A_243 = tpu.assume_multiple %add3A_242, 8 : i32
      "tpu.region"() ({
        %run_scoped3A = tpu.sem_alloc : memref<!tpu.dma_semaphore, #tpu.memory_space<semaphore_mem>>
        %dma_start3A_244 = arith.constant 0 : i32
        %dma_start3A_245 = tpu.memref_slice %arg6[%dma_start3A_244] : memref<4112xi32, #tpu.memory_space<vmem>> -> memref<1024xi32, #tpu.memory_space<vmem>>
        %dma_start3A_246 = tpu.memref_slice %arg4[%multiple_of3A_243] : memref<100352xi32, #tpu.memory_space<hbm>> -> memref<1024xi32, #tpu.memory_space<hbm>>
        %dma_start3A_247 = tpu.memref_slice %arg4[%multiple_of3A_243] : memref<100352xi32, #tpu.memory_space<hbm>> -> memref<1024xi32, #tpu.memory_space<hbm>>
        %dma_start3A_248 = arith.constant 0 : i32
        %dma_start3A_249 = tpu.memref_slice %arg6[%dma_start3A_248] : memref<4112xi32, #tpu.memory_space<vmem>> -> memref<1024xi32, #tpu.memory_space<vmem>>
        tpu.enqueue_dma source(%dma_start3A_249 : memref<1024xi32, #tpu.memory_space<vmem>>) target(%dma_start3A_247 : memref<1024xi32, #tpu.memory_space<hbm>>) target_semaphore(%run_scoped3A : memref<!tpu.dma_semaphore, #tpu.memory_space<semaphore_mem>>)
        %dma_wait3A_250 = arith.constant 0 : i32
        %dma_wait3A_251 = tpu.memref_slice %arg6[%dma_wait3A_250] : memref<4112xi32, #tpu.memory_space<vmem>> -> memref<1024xi32, #tpu.memory_space<vmem>>
        %dma_wait3A_252 = tpu.memref_slice %arg4[%multiple_of3A_243] : memref<100352xi32, #tpu.memory_space<hbm>> -> memref<1024xi32, #tpu.memory_space<hbm>>
        %dma_wait3A_253 = tpu.memref_slice %arg4[%multiple_of3A_243] : memref<100352xi32, #tpu.memory_space<hbm>> -> memref<1024xi32, #tpu.memory_space<hbm>>
        %dma_wait3A_254 = arith.constant 0 : i32
        %dma_wait3A_255 = tpu.memref_slice %arg6[%dma_wait3A_254] : memref<4112xi32, #tpu.memory_space<vmem>> -> memref<1024xi32, #tpu.memory_space<vmem>>
        tpu.wait_dma2 semaphore(%run_scoped3A : memref<!tpu.dma_semaphore, #tpu.memory_space<semaphore_mem>>) src(%dma_wait3A_255 : memref<1024xi32, #tpu.memory_space<vmem>>) dst(%dma_wait3A_253 : memref<1024xi32, #tpu.memory_space<hbm>>)
        tpu.yield
      }) : () -> ()
    } else {
    }
    return
  }
}

</mosaic_0001>

<sc_bundles>
// kernel: _run_mst.3.cloned.1.call-start
scs
__scs_entry_jumppad:
0x0: {  	(pc) =	sbr.rel $0x88, $3  }
0x1: {  	(tag) =	ssettag $0x0;
	lr =	simm.s32 $0x1  }
0x2: {  	[smem:$0x3F9F] =	sst lr;
	_ =	strace $0xD0000000  }
0x3: {  	_ = 	snop  }
0x4: {  	_ = 	snop  }
0x5: {  	_ = 	snop  }
0x6: {  	_ = 	snop  }
0x7: {  	_ = 	snop  }
__scs_overlays_trampoline_lowered:
0x8: {  	[smem:$0x3FAE] =	sst s0  }
0x9: {  	[smem:$0x3FAF] =	sst s1  }
0xa: {  	[smem:$0x3FB0] =	sst s2  }
0xb: {  	[smem:$0x3FB1] =	sst s3  }
0xc: {  	[smem:$0x3FB2] =	sst s4  }
0xd: {  	[smem:$0x3FB3] =	sst s5  }
0xe: {  	[smem:$0x3FB4] =	sst s6  }
0xf: {  	[smem:$0x3FB5] =	sst s7  }
0x10: {  	[smem:$0x3FB6] =	sst s8  }
0x11: {  	[smem:$0x3FB7] =	sst s9;
	s0 =	simm.s32 @!p0 $0x0  }
0x12: {  	s1 =	sld [smem:$0x3F9D];
	s0 =	simm.s32 @p0 $0x1  }
0x13: {  	[smem:$0x3FB8] =	sst s0;
	s0 =	simm.s32 @!p1 $0x0  }
0x14: {  	s2 =	sld [smem:$0x3F9C];
	s0 =	simm.s32 @p1 $0x1  }
0x15: {  	[smem:$0x3FB9] =	sst s0;
	s0 =	simm.s32 @!p2 $0x0  }
0x16: {  	s3 =	sld [smem:$0x3FDB];
	s0 =	simm.s32 @p2 $0x1  }
0x17: {  	s4 =	simm.s32 $0x1BF5;
	[smem:$0x3FBB] =	sst s0  }
0x18: {  	s0 =	sld [smem:$0x3F9E];
	_ =	swait.ge [sflag:s4], $0x0  }
0x19: {  	s7 =	sld [smem:$0x3F9F]  }
0x1a: {  	s8 =	sadd.s32 $0xFFFFE003, lr  }
0x1b: {  	s9 =	sadd.s32 $0xFFFFFEF7, lr;
	s5 =	simm.s32 $0xFFFFFFFF;
	p2 =	slt.u32 s8, $0xFFFFF086  }
0x1c: {  	p1 =	slt.u32 s9, $0xF7A;
	s5 =	simm.s32 @!p2 $0x0  }
0x1d: {  	s5 =	simm.s32 @p1 $0x1;
	p0 =	seq.s32 s7, s2  }
0x1e: {  	s7 =	smul.u32 @!p0 $0xF7A, s2;
	p2 =	seq.s32 @!p0 s5, $0x0  }
0x1f: {  	s9 =	smul.u32 $0xF7A, s1;
	s8 =	simm.s32 @!p0 $0x1BF5;
	p2 =	por !p2, p0  }
0x20: {  	[sflag:s8] =	ssyncset.s32 @!p0 $0xFFFFF086;
	s6 =	sadd.s32 @!p0 s3, s7;
	s7 =	simm.s32 @!p0 $0x108  }
0x21: {  	s3 =	sadd.s32 s3, s9;
	s6 =	sadd.s32 @!p0 $0x88, s6;
	s7 =	simm.s32 @p2 $0x1082  }
0x22: {  	[simem:s7], [sflag:s8] =	dma.local @!p0 [hbm:s6], $0xF7A  }
0x23: {  	s9 =	sor.u32 $0xD0000000, s2;
	s6 =	simm.s32 $0x108;
	_ =	swait.ge @!p0 [sflag:s8], $0x0  }
0x24: {  	s3 =	sadd.s32 $0x88, s3;
	s6 =	simm.s32 @!p1 $0x1082;
	[sflag:s4] =	ssyncset.s32 $0xFFFFF086  }
0x25: {  	[simem:s6], [sflag:s4] =	dma.local [hbm:s3], $0xF7A  }
0x26: {  	[smem:$0x3F9F] =	sst s1;
	(tag) =	ssettag s2;
	_ =	strace s9  }
0x27: {  	s1 =	sld [smem:$0x3FAF]  }
0x28: {  	s2 =	sld [smem:$0x3FB0]  }
0x29: {  	s4 =	sld [smem:$0x3FB2]  }
0x2a: {  	p0 =	seq.s32 s5, $0x0;
	s5 =	sld [smem:$0x3FB3]  }
0x2b: {  	s6 =	sld [smem:$0x3FB4]  }
0x2c: {  	s7 =	sld [smem:$0x3FB5]  }
0x2d: {  	s3 =	simm.s32 $0x108;
	s8 =	sld [smem:$0x3FB6]  }
0x2e: {  	s3 =	simm.s32 @!p0 $0x1082;
	s9 =	sld [smem:$0x3FB7]  }
0x2f: {  	lr =	sadd.s32 s0, s3;
	s0 =	sld [smem:$0x3FAE]  }
0x30: {  	s3 =	sld [smem:$0x3FB1]  }
0x31: {  	[smem:$0x3FBA] =	sst s10  }
0x32: {  	s10 =	sld [smem:$0x3FB8];
	_ =	sdelay $0x3  }
0x33: {  	p0 =	seq.s32 s10, $0x1;
	s10 =	sld [smem:$0x3FBA];
	_ =	sdelay $0x3  }
0x34: {  	[smem:$0x3FBA] =	sst s10  }
0x35: {  	s10 =	sld [smem:$0x3FB9];
	_ =	sdelay $0x3  }
0x36: {  	p1 =	seq.s32 s10, $0x1;
	s10 =	sld [smem:$0x3FBA];
	_ =	sdelay $0x3  }
0x37: {  	[smem:$0x3FBA] =	sst s10  }
0x38: {  	s10 =	sld [smem:$0x3FBB]  }
0x39: {  	_ = 	snop;
	(pc) =	sbr.ind lr, $3  }
0x3a: {  	_ = 	snop  }
0x3b: {  	_ = 	snop  }
0x3c: {  	p2 =	seq.s32 s10, $0x1;
	s10 =	sld [smem:$0x3FBA]  }
0x3d: {  	_ =	shalt  }
0x3e: {  	_ =	shalt  }
0x3f: {  	_ =	shalt  }
0x40: {  	_ =	shalt  }
0x41: {  	_ =	shalt  }
0x42: {  	_ =	shalt  }
0x43: {  	_ =	shalt  }
0x44: {  	_ =	shalt  }
0x45: {  	_ =	shalt  }
0x46: {  	_ =	shalt  }
0x47: {  	_ =	shalt  }
0x48: {  	_ =	shalt  }
0x49: {  	_ =	shalt  }
0x4a: {  	_ =	shalt  }
0x4b: {  	_ =	shalt  }
0x4c: {  	_ =	shalt  }
0x4d: {  	_ =	shalt  }
0x4e: {  	_ =	shalt  }
0x4f: {  	_ =	shalt  }
0x50: {  	_ =	shalt  }
0x51: {  	_ =	shalt  }
0x52: {  	_ =	shalt  }
0x53: {  	_ =	shalt  }
0x54: {  	_ =	shalt  }
0x55: {  	_ =	shalt  }
0x56: {  	_ =	shalt  }
0x57: {  	_ =	shalt  }
0x58: {  	_ =	shalt  }
0x59: {  	_ =	shalt  }
0x5a: {  	_ =	shalt  }
0x5b: {  	_ =	shalt  }
0x5c: {  	_ =	shalt  }
0x5d: {  	_ =	shalt  }
0x5e: {  	_ =	shalt  }
0x5f: {  	_ =	shalt  }
0x60: {  	_ =	shalt  }
0x61: {  	_ =	shalt  }
0x62: {  	_ =	shalt  }
0x63: {  	_ =	shalt  }
0x64: {  	_ =	shalt  }
0x65: {  	_ =	shalt  }
0x66: {  	_ =	shalt  }
0x67: {  	_ =	shalt  }
0x68: {  	_ =	shalt  }
0x69: {  	_ =	shalt  }
0x6a: {  	_ =	shalt  }
0x6b: {  	_ =	shalt  }
0x6c: {  	_ =	shalt  }
0x6d: {  	_ =	shalt  }
0x6e: {  	_ =	shalt  }
0x6f: {  	_ =	shalt  }
0x70: {  	_ =	shalt  }
0x71: {  	_ =	shalt  }
0x72: {  	_ =	shalt  }
0x73: {  	_ =	shalt  }
0x74: {  	_ =	shalt  }
0x75: {  	_ =	shalt  }
0x76: {  	_ =	shalt  }
0x77: {  	_ =	shalt  }
0x78: {  	_ =	shalt  }
0x79: {  	_ =	shalt  }
0x7a: {  	_ =	shalt  }
0x7b: {  	_ =	shalt  }
0x7c: {  	_ =	shalt  }
0x7d: {  	_ =	shalt  }
0x7e: {  	_ =	shalt  }
0x7f: {  	_ =	shalt  }
0x80: {  	_ =	shalt  }
0x81: {  	_ =	shalt  }
0x82: {  	_ =	shalt  }
0x83: {  	_ =	shalt  }
0x84: {  	_ =	shalt  }
0x85: {  	_ =	shalt  }
0x86: {  	_ =	shalt  }
0x87: {  	_ =	shalt  }
.Lfunc_end0:
.L_simem_size_0:
called_computation_lowered:
.L_overlay_start_0:
0x88: {  	s2 =	sld [smem:$0x3FD9]  }
0x89: {  	s3 =	sld [smem:$0x3FFE];
	_ =	sdelay $0x1  }
0x8a: {  	s1 =	srdreg.scid  }
0x8b: {  	s0 =	sand.u32 $0x1, s1  }
0x8c: {  	s18 =	sshll.u32 s0, $0xA;
	s2 =	sadd.s32 s3, s2  }
0x8d: {  	s2 =	sadd.s32 s2, s18  }
0x8e: {  	[smem:$0x3FC6] =	sst s2  }
0x8f: {  	_ = 	snop  }
0x90: {  	s2 =	sld [smem:$0x3FC9]  }
0x91: {  	s19 =	sld [smem:$0x3FC8]  }
0x92: {  	s4 =	sld [smem:$0x3FD0];
	(tm) =	ssettm $0x1  }
0x93: {  	s5 =	sld [smem:$0x3FFB];
	_ =	sdelay $0x3  }
0x94: {  	_ =	strace s5  }
0x95: {  	s5 =	sld [smem:$0x3FFC];
	_ =	sdelay $0x3  }
0x96: {  	_ =	strace s5  }
0x97: {  	s5 =	sld [smem:$0x3FFD];
	_ =	sdelay $0x3  }
0x98: {  	_ =	strace s5  }
0x99: {  	_ =	strace $0x8FFFFFFF  }
0x9a: {  	s20 =	sld [smem:$0x3FDB];
	_ =	sdelay $0x1  }
0x9b: {  	s6 =	simm.s32 $_scs_section_size  }
0x9c: {  	s7 =	simm.s32 $_size__tile_overlayer_lowered;
	s8 =	simm.s32 $_tile_overlayer_lowered  }
0x9d: {  	s23 =	simm.s32 $0x1BFF;
	s22 =	sshll.u32 s8, $0x1;
	s5 =	sadd.s32 s6, s20  }
0x9e: {  	s9 =	simm.s32 $0x0;
	s21 =	sshll.u32 s7, $0x1;
	s7 =	sadd.s32 s22, s5  }
0x9f: {  	[timem:s9], [sflag:s23] =	dma.local [hbm:s7], s21  }
0xa0: {  	_ =	swait.ge [sflag:s23], s21  }
0xa1: {  	s6 =	ssub.s32 $0x0, s21;
	[sflag:s23] =	ssyncset.done $0x0  }
0xa2: {  	[sflag:s23] =	ssyncadd.s32 s6;
	_ =	sdelay $0x1  }
0xa3: {  	s24 =	simm.s32 $0x1B8B  }
0xa4: {  	_ =	swait.ge [sflag:s24], $0x1  }
0xa5: {  	[sflag:s24] =	ssyncset.done $0x0  }
0xa6: {  	s25 =	simm.s32 $0x1B8E;
	[sflag:s24] =	ssyncadd.s32 $0xFFFFFFFF  }
0xa7: {  	s26 =	simm.s32 $execute0_lowered;
	[smem:$0x3FD2] =	sst s25  }
0xa8: {  	s6 =	sshll.u32 s26, $0x1;
	_ =	strace $0x80000046;
	[dreg:$0x1] =	wrdreg $0xFFFFFFFF  }
0xa9: {  	s28 =	simm.s32 $_size_execute0_lowered;
	s5 =	sadd.s32 s5, s6;
	[dreg:$0x0] =	wrdreg $0x0  }
0xaa: {  	s6 =	sshll.u32 s28, $0x1;
	[dreg:$0x2] =	wrdreg s5  }
0xab: {  	[dreg:$0x3] =	wrdreg s6  }
0xac: {  	[dreg:$0x4] =	wrdreg $0xC0  }
0xad: {  	_ =	task [dreg:s9], $0x5FFFF  }
0xae: {  	[dreg:$0x1] =	wrdreg $0xFFFFFFFF  }
0xaf: {  	[dreg:$0x0] =	wrdreg $0x60  }
0xb0: {  	[dreg:$0x2] =	wrdreg s2  }
0xb1: {  	[dreg:$0x3] =	wrdreg s19  }
0xb2: {  	[dreg:$0x4] =	wrdreg s4  }
0xb3: {  	[dreg:$0x5] =	wrdreg $0x19FC00  }
0xb4: {  	[dreg:$0x6] =	wrdreg $0x16EE00  }
0xb5: {  	[dreg:$0x7] =	wrdreg $0x187500  }
0xb6: {  	[dreg:$0x8] =	wrdreg $0x13E000  }
0xb7: {  	[dreg:$0x9] =	wrdreg $0x156700  }
0xb8: {  	[dreg:$0xa] =	wrdreg $0x9  }
0xb9: {  	_ =	task.clear_ibuf [dreg:s9], $0xBFFFF;
	_ =	strace $0x90000046  }
0xba: {  	s29 =	simm.s32 $0x9;
	_ =	strace $0x80000048  }
0xbb: {  	_ =	swait.ge [sflag:s29], $0x1  }
0xbc: {  	[sflag:s29] =	ssyncadd.s32 $0xFFFFFFFF  }
0xbd: {  	_ =	strace $0x90000048  }
0xbe: {  	_ =	sfence  }
0xbf: {  	s30 =	sld [smem:$0x0];
	_ =	sdelay $0x2  }
0xc0: {  	s31 =	sshll.u32 s1, $0xD;
	s1 =	sshrl.u32 s1, $0x2  }
0xc1: {  	s3 =	sand.u32 $0x4000, s31;
	s1 =	sadd.s32 s1, s30  }
0xc2: {  	s0 =	sor.u32 s3, s0;
	s1 =	sshll.u32 s1, $0x11  }
0xc3: {  	s0 =	sor.u32 s1, s0  }
0xc4: {  	s0 =	sadd.s32 $0x8F2B, s0  }
0xc5: {  	[sflag:s0] =	ssyncadd.remote.s32 $0x1  }
0xc6: {  	_ =	sfence.sel $0xFFFF  }
0xc7: {  	[dreg:$0x0] =	wrdreg $0xFFFFFFFF;
	(pc) =	sbr.abs _section_cstart, $3  }
0xc8: {  	[dreg:$0x1] =	wrdreg $0xFFFFFFFF  }
0xc9: {  	_ =	task.clear_ibuf [dreg:s9], $0x2FFFF;
	_ =	strace $0x9FFFFFFF  }
0xca: {  	(tm) =	ssettm $0x7FFFFFFF  }
0xcb: {  	_ =	shalt  }
tec
execute0_lowered:
.L_overlay_start_1:
0x0: {  	(tag) =	ssettag $0x1  }
0x1: {  	s1 =	rddreg [dreg:$0x0]  }
0x2: {  	s2 =	rddreg [dreg:$0x1]  }
0x3: {  	s0 =	rddreg [dreg:$0x2]  }
0x4: {  	s15 =	rddreg [dreg:$0x3]  }
0x5: {  	s17 =	rddreg [dreg:$0x4]  }
0x6: {  	s18 =	rddreg [dreg:$0x5]  }
0x7: {  	s3 =	srdreg.scid;
	s19 =	rddreg [dreg:$0x6]  }
0x8: {  	s4 =	stileid.u32;
	s7 =	rddreg [dreg:$0x7];
	s23 =	simm.s32 $0x0  }
0x9: {  	s28 =	simm.s32 $0x11280;
	s29 =	simm.s32 $0xD500;
	s31 =	simm.s32 $0x0  }
0xa: {  	s3 =	sand.u32 $0x1, s3;
	s5 =	smul.u32 $0x1870, s4;
	[smem:$0x7FF] =	sst s23  }
0xb: {  	s14 =	sshll.u32 s4, $0x8;
	p0 =	sne.s32 s4, $0x0;
	s6 =	smul.u32 $0x18700, s3  }
0xc: {  	s8 =	ssub.s32 $0x2, s3;
	_ =	strace $0x80000047;
	s16 =	sadd.s32 s14, s15  }
0xd: {  	s3 =	smul.u32 $0xC400, s3;
	[dreg:$0xb] =	wrdreg s16;
	s20 =	sadd.s32 s5, s17  }
0xe: {  	s9 =	sshrl.u32 s8, $0x1;
	s21 =	sadd.s32 s5, s18;
	[dreg:$0xc] =	wrdreg s20  }
0xf: {  	s13 =	sshrl.u32 s5, $0x3;
	s22 =	sadd.s32 s5, s19;
	[dreg:$0xd] =	wrdreg s21  }
0x10: {  	s25 =	sadd.s32 s5, s7;
	s6 =	sadd.s32 s5, s6;
	[dreg:$0xe] =	wrdreg s22  }
0x11: {  	s8 =	ssub.s32 s8, s9;
	s24 =	sshrl.u32 s3, $0x3;
	[dreg:$0xf] =	wrdreg s25  }
0x12: {  	s16 =	sadd.s32 $0xFFFFF001, s3;
	s21 =	simm.s32 $0xE180;
	s6 =	sshrl.u32 s6, $0x3  }
0x13: {  	s26 =	smax.u32 s8, $0x1;
	s30 =	sadd.s32 s1, s6;
	s1 =	sadd.s32 s2, s13  }
.Ltmp0:
0x14: {  	[dreg:$0xa] =	wrdreg s1;
	s1 =	sadd.s32 s0, s24;
	(pc) =	sbr.rel .LBB2_1-.Ltmp0, $4  }
0x15: {  	s20 =	simm.s32 $0x2;
	[dreg:$0x11] =	wrdreg s26;
	s1 =	sadd.s32 $0x1800, s1  }
0x16: {  	s22 =	simm.s32 $0x13B00;
	[dreg:$0x10] =	wrdreg s1;
	s1 =	simm.s32 @!p0 $0x0  }
0x17: {  	s25 =	simm.s32 $0x13D00;
	[dreg:$0x9] =	wrdreg s30;
	s1 =	simm.s32 @p0 $0x1  }
0x18: {  	v0 =	vimm.s32 $0x0;
	v1 =	vimm.s32 $0xFFFFFFFF;
	vm0 =	vmmov $0x1;
	s26 =	simm.s32 $0xFA00;
	s24 =	simm.s32 $0x1;
	[smem:$0x7FD] =	sst s1  }
.LBB2_56:
0x19: {  	s23 =	simm.s32 $0x0;
	s1 =	rddreg [dreg:$0x10];
	s2 =	simm.s32 $0xC480  }
0x1a: {  	[hbm4b:s1+s23] =	stream.linear.scatter [tilespmem:s2], [sflag:$0x2], $0x400, $0x38;
	[tilespmem:$0x1A0C0] =	vst v63  }
0x1b: {  	_ =	swait.ge [sflag:s20], $0x400  }
0x1c: {  	[sflag:s20] =	ssyncset.done $0x0  }
0x1d: {  	s30 =	rddreg [dreg:$0x9];
	[sflag:s20] =	ssyncadd.s32 $0xFFFFFC00  }
0x1e: {  	s15 =	rddreg [dreg:$0x3]  }
0x1f: {  	s17 =	rddreg [dreg:$0x4]  }
0x20: {  	s18 =	rddreg [dreg:$0x5]  }
0x21: {  	s19 =	rddreg [dreg:$0x6]  }
.LBB2_57:
0x22: {  	s31 =	sadd.s32 $0x1, s31;
	s1 =	rddreg [dreg:$0x11]  }
0x23: {  	p0 =	sne.s32 s31, s1  }
.Ltmp1:
0x24: {  	_ = 	snop;
	(pc) =	sbr.rel @!p0 .LBB2_58-.Ltmp1, $1  }
0x25: {  	_ =	sdelay $0x3  }
.LBB2_1:
0x26: {  	[tilespmem:s21], [sflag:$0x2] =	stream.linear.gather [hbm4b:s30+s23], $0x1870, $0x38;
	[tilespmem:$0x1A0C0] =	vst v63  }
0x27: {  	_ =	swait.ge [sflag:s20], $0x1870  }
0x28: {  	[sflag:s20] =	ssyncset.done $0x0  }
0x29: {  	s1 =	rddreg [dreg:$0xa];
	[sflag:s20] =	ssyncadd.s32 $0xFFFFE790  }
0x2a: {  	[tilespmem:s26], [sflag:$0x2] =	stream.linear.gather [hbm4b:s1+s23], $0x1870, $0x38;
	[tilespmem:$0x1A0C0] =	vst v63  }
0x2b: {  	_ =	swait.ge [sflag:s20], $0x1870  }
0x2c: {  	[sflag:s20] =	ssyncset.done $0x0  }
0x2d: {  	[sflag:s20] =	ssyncadd.s32 $0xFFFFE790  }
0x2e: {  	[tilespmem:$0x13B00] =	vst v0  }
0x2f: {  	[tilespmem:$0x13B10] =	vst v0  }
0x30: {  	[tilespmem:$0x13B20] =	vst v0  }
0x31: {  	[tilespmem:$0x13B30] =	vst v0  }
0x32: {  	[tilespmem:$0x13B40] =	vst v0  }
0x33: {  	[tilespmem:$0x13B50] =	vst v0  }
0x34: {  	[tilespmem:$0x13B60] =	vst v0  }
0x35: {  	[tilespmem:$0x13B70] =	vst v0  }
0x36: {  	[tilespmem:$0x13B80] =	vst v0  }
0x37: {  	[tilespmem:$0x13B90] =	vst v0  }
0x38: {  	[tilespmem:$0x13BA0] =	vst v0  }
0x39: {  	[tilespmem:$0x13BB0] =	vst v0  }
0x3a: {  	[tilespmem:$0x13BC0] =	vst v0  }
0x3b: {  	[tilespmem:$0x13BD0] =	vst v0  }
0x3c: {  	[tilespmem:$0x13BE0] =	vst v0  }
0x3d: {  	s2 =	simm.s32 $0x0;
	s1 =	simm.s32 $0x40;
	[tilespmem:$0x13BF0] =	vst v0  }
.LBB2_2:
0x3e: {  	p0 =	sne.s32 s1, $0x6180;
	v2 =	vld [tilespmem:s2+$0xE180];
	_ =	sdelay $0x4  }
0x3f: {  	v2 =	vand.u32 $0xFF, v2  }
0x40: {  	(xrf1) =	vunique.msk.u32 $0xffff, v2;
	_ =	sdelay $0xc  }
0x41: {  	v3 =	vld.idx.msk [tilespmem:v2+s22+$0x0], $0xffff  }
0x42: {  	_, v4, vm1 =	vpop (xrf1);
	_ =	sdelay $0x1  }
.Ltmp2:
0x43: {  	(pc) =	sbr.rel @p0 .LBB2_2-.Ltmp2, $3  }
0x44: {  	_ =	sdelay $0x1  }
0x45: {  	v3 =	vadd.s32 v3, v4  }
0x46: {  	s2 =	sshra.s32 s1, $0x2;
	s1 =	sadd.s32 $0x40, s1;
	[tilespmem:v2+s22+$0x0] =	vst.idx.msk vm1, v3  }
0x47: {  	v2 =	vld [tilespmem:s2+$0xE180];
	_ =	sdelay $0x4  }
0x48: {  	v2 =	vand.u32 $0xFF, v2  }
0x49: {  	(xrf1) =	vunique.msk.u32 $0xffff, v2;
	_ =	sdelay $0xd  }
0x4a: {  	v3 =	vld.idx.msk [tilespmem:v2+s22+$0x0], $0xffff;
	_, v4, vm1 =	vpop (xrf1);
	_ =	sdelay $0x4  }
0x4b: {  	v3 =	vadd.s32 v3, v4  }
0x4c: {  	s1 =	rddreg [dreg:$0xb];
	[tilespmem:v2+s22+$0x0] =	vst.idx.msk vm1, v3  }
0x4d: {  	[spmem:s1] =	stream.linear.scatter [tilespmem:s22], [sflag:$0x2], $0x100, $0x38;
	[tilespmem:$0x1A0C0] =	vst v63  }
0x4e: {  	_ =	swait.ge [sflag:s20], $0x100  }
0x4f: {  	[sflag:s20] =	ssyncset.done $0x0  }
0x50: {  	[sflag:s20] =	ssyncadd.s32 $0xFFFFFF00  }
0x51: {  	s26 =	simm.s32 $0x12B00;
	[bflag:$0x0] =	sbarrier.arrive $0xFFFF  }
0x52: {  	[tilespmem:s26], [sflag:$0x2] =	stream.linear.gather [spmem:s15], $0x1000, $0x38;
	[tilespmem:$0x1A0C0] =	vst v63  }
0x53: {  	_ =	swait.ge [sflag:s20], $0x1000  }
0x54: {  	[sflag:s20] =	ssyncset.done $0x0  }
0x55: {  	[sflag:s20] =	ssyncadd.s32 $0xFFFFF000  }
0x56: {  	[tilespmem:$0x13C00] =	vst v0  }
0x57: {  	[tilespmem:$0x13C10] =	vst v0  }
0x58: {  	[tilespmem:$0x13C20] =	vst v0  }
0x59: {  	[tilespmem:$0x13C30] =	vst v0  }
0x5a: {  	[tilespmem:$0x13C40] =	vst v0  }
0x5b: {  	[tilespmem:$0x13C50] =	vst v0  }
0x5c: {  	[tilespmem:$0x13C60] =	vst v0  }
0x5d: {  	[tilespmem:$0x13C70] =	vst v0  }
0x5e: {  	[tilespmem:$0x13C80] =	vst v0  }
0x5f: {  	[tilespmem:$0x13C90] =	vst v0  }
0x60: {  	[tilespmem:$0x13CA0] =	vst v0  }
0x61: {  	[tilespmem:$0x13CB0] =	vst v0  }
0x62: {  	[tilespmem:$0x13CC0] =	vst v0  }
0x63: {  	[tilespmem:$0x13CD0] =	vst v0  }
0x64: {  	[tilespmem:$0x13CE0] =	vst v0  }
0x65: {  	[tilespmem:$0x13CF0] =	vst v0  }
0x66: {  	[tilespmem:$0x13D00] =	vst v0  }
0x67: {  	[tilespmem:$0x13D10] =	vst v0  }
0x68: {  	[tilespmem:$0x13D20] =	vst v0  }
0x69: {  	[tilespmem:$0x13D30] =	vst v0  }
0x6a: {  	[tilespmem:$0x13D40] =	vst v0  }
0x6b: {  	[tilespmem:$0x13D50] =	vst v0  }
0x6c: {  	[tilespmem:$0x13D60] =	vst v0  }
0x6d: {  	[tilespmem:$0x13D70] =	vst v0  }
0x6e: {  	[tilespmem:$0x13D80] =	vst v0  }
0x6f: {  	[tilespmem:$0x13D90] =	vst v0  }
0x70: {  	[tilespmem:$0x13DA0] =	vst v0  }
0x71: {  	[tilespmem:$0x13DB0] =	vst v0  }
0x72: {  	[tilespmem:$0x13DC0] =	vst v0  }
0x73: {  	[tilespmem:$0x13DD0] =	vst v0  }
0x74: {  	[tilespmem:$0x13DE0] =	vst v0  }
0x75: {  	s2 =	simm.s32 $0x0;
	s3 =	simm.s32 $0x0;
	[tilespmem:$0x13DF0] =	vst v0  }
.LBB2_4:
0x76: {  	s1 =	sshll.u32 s3, $0x8  }
0x77: {  	s1 =	sand.u32 $0x3FFFFF00, s1  }
0x78: {  	s5 =	sand.u32 $0x80, s2;
	s1 =	sadd.s32 $0x12B00, s1  }
0x79: {  	s6 =	simm.s32 $0x13C00;
	s8 =	sand.u32 $0x70, s2;
	s5 =	sadd.s32 s5, s1  }
0x7a: {  	v2 =	vld [tilespmem:s6+$0x0];
	s5 =	sadd.s32 s8, s5  }
0x7b: {  	v3 =	vld [tilespmem:s5+$0x0];
	_ =	sdelay $0x4  }
0x7c: {  	v2 =	vadd.s32 v3, v2  }
0x7d: {  	s5 =	simm.s32 $0x13D00;
	[tilespmem:s6+$0x0] =	vst v2  }
0x7e: {  	p0 =	slt.u32 s3, s4;
	s6 =	simm.s32 $0x1;
	v4 =	vld [tilespmem:s5+$0x0]  }
0x7f: {  	s6 =	simm.s32 @!p0 $0x0  }
0x80: {  	v2 =	vmov s6  }
0x81: {  	s26 =	simm.s32 $0x10;
	v3 =	vmul.u32 v2, v3  }
0x82: {  	s10 =	simm.s32 $0x20;
	s9 =	sand.u32 $0x70, s26  }
0x83: {  	s11 =	sand.u32 $0x80, s26;
	s8 =	simm.s32 $0x13C10;
	s6 =	simm.s32 $0x13D10;
	v3 =	vadd.s32 v3, v4  }
.LBB2_5:
0x84: {  	s12 =	sand.u32 $0x70, s10;
	s11 =	sadd.s32 s11, s1  }
0x85: {  	[tilespmem:s5+$0x0] =	vst v3;
	s13 =	smov.u32 s10;
	s14 =	sadd.s32 $0x10, s10;
	s5 =	smov.u32 s6  }
0x86: {  	p0 =	sne.s32 s10, $0xF0;
	s10 =	sadd.s32 s9, s11;
	v3 =	vld [tilespmem:s8+$0x0];
	s9 =	smov.u32 s12  }
0x87: {  	v4 =	vld [tilespmem:s10+$0x0];
	_ =	sdelay $0x4  }
0x88: {  	v3 =	vadd.s32 v4, v3  }
0x89: {  	[tilespmem:s8+$0x0] =	vst v3  }
0x8a: {  	v3 =	vld [tilespmem:s6+$0x0]  }
.Ltmp3:
0x8b: {  	(pc) =	sbr.rel @p0 .LBB2_5-.Ltmp3, $4  }
0x8c: {  	_ = 	snop  }
0x8d: {  	v4 =	vmul.u32 v2, v4  }
0x8e: {  	s11 =	sand.u32 $0x80, s13  }
0x8f: {  	s10 =	smov.u32 s14;
	s8 =	sadd.s32 $0x10, s8;
	s6 =	sadd.s32 $0x10, s6;
	v3 =	vadd.s32 v4, v3  }
0x90: {  	s1 =	sadd.s32 s11, s1;
	[tilespmem:s5+$0x0] =	vst v3  }
0x91: {  	s1 =	sadd.s32 s9, s1;
	v3 =	vld [tilespmem:s8+$0x0]  }
0x92: {  	v4 =	vld [tilespmem:s1+$0x0];
	_ =	sdelay $0x4  }
0x93: {  	v3 =	vadd.s32 v4, v3  }
0x94: {  	[tilespmem:s8+$0x0] =	vst v3  }
0x95: {  	s3 =	sadd.s32 $0x1, s3;
	v3 =	vld [tilespmem:s6+$0x0]  }
0x96: {  	p0 =	sne.s32 s3, $0x10  }
.Ltmp4:
0x97: {  	_ = 	snop;
	(pc) =	sbr.rel @p0 .LBB2_4-.Ltmp4, $3  }
0x98: {  	v2 =	vmul.u32 v2, v4;
	_ =	sdelay $0x1  }
0x99: {  	v2 =	vadd.s32 v2, v3  }
0x9a: {  	s1 =	simm.s32 $0x0;
	[tilespmem:s6+$0x0] =	vst v2  }
0x9b: {  	s5 =	simm.s32 $0x0  }
0x9c: {  	v4 =	vld [tilespmem:s5+$0x13C00];
	_ =	sdelay $0x4  }
0x9d: {  	(xrf0) =	vadd.scan.msk.s32 $0xffff, v4;
	_ =	sdelay $0x1  }
0x9e: {  	s9 =	simm.s32 $0x10  }
0x9f: {  	v3 =	vld [tilespmem:s9+$0x13C00];
	_ =	sdelay $0x2  }
0xa0: {  	v5, _, _ =	vpop (xrf0)  }
0xa1: {  	(v2sf) =	vpush v5, $0xF  }
0xa2: {  	v6 =	vld [tilespmem:s5+$0x13D00];
	(xrf0) =	vadd.scan.msk.s32 $0xffff, v3;
	_ =	sdelay $0x1  }
0xa3: {  	s8 =	simm.s32 $0x20  }
0xa4: {  	v2 =	vld [tilespmem:s8+$0x13C00]  }
0xa5: {  	v4 =	vsub.s32 s1, v4  }
0xa6: {  	v4 =	vadd.s32 v6, v4  }
0xa7: {  	v6 =	vadd.s32 v5, v4;
	v5, _, _ =	vpop (xrf0)  }
0xa8: {  	(v2sf) =	vpush v5, $0xF  }
0xa9: {  	(xrf0) =	vadd.scan.msk.s32 $0xffff, v2;
	_ =	sdelay $0x1  }
0xaa: {  	s6 =	simm.s32 $0x30  }
0xab: {  	v4 =	vld [tilespmem:s6+$0x13C00];
	[tilespmem:s5+$0x13D00] =	vst v6  }
0xac: {  	v7 =	vld [tilespmem:s9+$0x13D00]  }
0xad: {  	s2 =	simm.s32 $0x40;
	s3 =	simm.s32 $0x80  }
0xae: {  	s10 =	simm.s32 $0x100;
	s11 =	simm.s32 $0x140;
	v6, _, _ =	vpop (xrf0);
	s12 =	spop (v2sf)  }
.LBB2_8:
0xaf: {  	p0 =	sne.s32 s11, $0x3C0;
	(v2sf) =	vpush v6, $0xF;
	s1 =	sadd.s32 s1, s12  }
0xb0: {  	(xrf0) =	vadd.scan.msk.s32 $0xffff, v4;
	v8 =	vsub.s32 s1, v3;
	v3 =	vmov v2;
	v2 =	vmov v4  }
0xb1: {  	v4 =	vadd.s32 v7, v8  }
.Ltmp5:
0xb2: {  	s12 =	sshra.s32 s10, $0x2;
	s10 =	smov.u32 s11;
	v7 =	vadd.s32 v5, v4;
	v5 =	vmov v6;
	(pc) =	sbr.rel @p0 .LBB2_8-.Ltmp5, $3  }
0xb3: {  	v4 =	vld [tilespmem:s12+$0x13C00];
	[tilespmem:s9+$0x13D00] =	vst v7;
	s9 =	smov.u32 s8;
	s8 =	smov.u32 s6;
	s6 =	smov.u32 s12  }
0xb4: {  	v7 =	vld [tilespmem:s9+$0x13D00];
	_ =	sdelay $0x1  }
0xb5: {  	s11 =	sadd.s32 $0x40, s11;
	v6, _, _ =	vpop (xrf0);
	s12 =	spop (v2sf)  }
0xb6: {  	(v2sf) =	vpush v6, $0xF;
	s1 =	sadd.s32 s1, s12  }
0xb7: {  	(xrf0) =	vadd.scan.msk.s32 $0xffff, v4;
	v3 =	vsub.s32 s1, v3  }
0xb8: {  	v3 =	vadd.s32 v7, v3  }
0xb9: {  	s10 =	sshra.s32 s10, $0x2;
	v3 =	vadd.s32 v5, v3  }
0xba: {  	v5 =	vld [tilespmem:s10+$0x13C00];
	[tilespmem:s9+$0x13D00] =	vst v3  }
0xbb: {  	v3 =	vld [tilespmem:s8+$0x13D00];
	_ =	sdelay $0x1  }
0xbc: {  	v63, _, _ =	vpop (xrf0);
	s13 =	spop (v2sf)  }
0xbd: {  	(v2sf) =	vpush v63, $0xF;
	s1 =	sadd.s32 s1, s13  }
0xbe: {  	v2 =	vsub.s32 s1, v2  }
0xbf: {  	v2 =	vadd.s32 v3, v2  }
0xc0: {  	v2 =	vadd.s32 v6, v2  }
0xc1: {  	[tilespmem:s8+$0x13D00] =	vst v2  }
0xc2: {  	v2 =	vld [tilespmem:s6+$0x13D00];
	_ =	sdelay $0x1  }
0xc3: {  	s14 =	spop (v2sf)  }
0xc4: {  	s1 =	sadd.s32 s1, s14  }
0xc5: {  	v3 =	vsub.s32 s1, v4  }
0xc6: {  	v2 =	vadd.s32 v2, v3  }
0xc7: {  	v2 =	vadd.s32 v63, v2  }
0xc8: {  	(xrf0) =	vadd.scan.msk.s32 $0xffff, v5;
	[tilespmem:s6+$0x13D00] =	vst v2  }
0xc9: {  	v2 =	vld [tilespmem:s10+$0x13D00];
	_ =	sdelay $0x1  }
0xca: {  	s21 =	spop (v2sf)  }
0xcb: {  	s1 =	sadd.s32 s1, s21  }
0xcc: {  	v3 =	vsub.s32 s1, v5  }
0xcd: {  	v4, _, _ =	vpop (xrf0);
	v2 =	vadd.s32 v2, v3  }
0xce: {  	v2 =	vadd.s32 v4, v2  }
0xcf: {  	[tilespmem:s10+$0x13D00] =	vst v2  }
0xd0: {  	v2 =	vld [tilespmem:s5+$0xE180];
	_ =	sdelay $0x4  }
0xd1: {  	v2 =	vand.u32 $0xFF, v2  }
0xd2: {  	(xrf1) =	vunique.msk.u32 $0xffff, v2;
	_ =	sdelay $0x2  }
0xd3: {  	(v2sf) =	vpush v4, $0xF;
	_ =	sdelay $0x7  }
0xd4: {  	v3 =	vld.idx.msk [tilespmem:v2+s25+$0x0], $0xffff;
	_ =	sdelay $0x2  }
0xd5: {  	_, v4, vm1 =	vpop (xrf1);
	_ =	sdelay $0x1  }
0xd6: {  	v3 =	vadd.s32 v3, v4  }
0xd7: {  	v4 =	vadd.s32 $0xFFFFFFFF, v3  }
0xd8: {  	s26 =	spop (v2sf);
	[tilespmem:s5+$0x11280] =	vst v4  }
.LBB2_10:
0xd9: {  	p0 =	sne.s32 s3, $0x6180  }
0xda: {  	s1 =	sshra.s32 s2, $0x2;
	[tilespmem:v2+s25+$0x0] =	vst.idx.msk vm1, v3;
	s2 =	smov.u32 s3;
	s3 =	sadd.s32 $0x40, s3  }
0xdb: {  	v2 =	vld [tilespmem:s1+$0xE180];
	_ =	sdelay $0x4  }
0xdc: {  	v2 =	vand.u32 $0xFF, v2  }
0xdd: {  	(xrf1) =	vunique.msk.u32 $0xffff, v2;
	_ =	sdelay $0xa  }
0xde: {  	v3 =	vld.idx.msk [tilespmem:v2+s25+$0x0], $0xffff;
	_ =	sdelay $0x2  }
0xdf: {  	_, v4, vm1 =	vpop (xrf1)  }
.Ltmp6:
0xe0: {  	(pc) =	sbr.rel @p0 .LBB2_10-.Ltmp6, $4  }
0xe1: {  	_ = 	snop  }
0xe2: {  	v3 =	vadd.s32 v3, v4  }
0xe3: {  	v4 =	vadd.s32 $0xFFFFFFFF, v3  }
0xe4: {  	[tilespmem:s1+$0x11280] =	vst v4  }
0xe5: {  	_ =	sdelay $0x4  }
0xe6: {  	s1 =	sshra.s32 s2, $0x2;
	[tilespmem:v2+s25+$0x0] =	vst.idx.msk vm1, v3  }
0xe7: {  	v2 =	vld [tilespmem:s1+$0xE180];
	_ =	sdelay $0x4  }
0xe8: {  	v2 =	vand.u32 $0xFF, v2  }
0xe9: {  	(xrf1) =	vunique.msk.u32 $0xffff, v2;
	_ =	sdelay $0xb  }
0xea: {  	v3 =	vld.idx.msk [tilespmem:v2+s25+$0x0], $0xffff;
	_ =	sdelay $0x1  }
0xeb: {  	_, v4, vm1 =	vpop (xrf1);
	_ =	sdelay $0x2  }
0xec: {  	v3 =	vadd.s32 v3, v4  }
0xed: {  	v4 =	vadd.s32 $0xFFFFFFFF, v3  }
0xee: {  	[tilespmem:s1+$0x11280] =	vst v4  }
0xef: {  	s13 =	simm.s32 $0xE180;
	s14 =	simm.s32 $0x1870;
	[tilespmem:v2+s25+$0x0] =	vst.idx.msk vm1, v3  }
0xf0: {  	[spmem:s17] =	stream.indirect.scatter [tilespmem:s13], [sflag:$0x1], $0x1, s28, s14, $0xb8;
	[tilespmem:$0x1A0C0] =	vst v63  }
0xf1: {  	s3 =	simm.s32 $0xFA00  }
0xf2: {  	[spmem:s18] =	stream.indirect.scatter [tilespmem:s3], [sflag:$0x1], $0x1, s28, s14, $0xb8;
	[tilespmem:$0x1A0C0] =	vst v63  }
0xf3: {  	_ =	swait.ge [sflag:s24], $0x1870  }
0xf4: {  	[sflag:s24] =	ssyncset.done $0x0  }
0xf5: {  	[sflag:s24] =	ssyncadd.s32 $0xFFFFE790  }
0xf6: {  	_ =	swait.ge [sflag:s24], $0x1870  }
0xf7: {  	[sflag:s24] =	ssyncset.done $0x0  }
0xf8: {  	[sflag:s24] =	ssyncadd.s32 $0xFFFFE790  }
0xf9: {  	[bflag:$0x0] =	sbarrier.arrive $0xFFFF  }
0xfa: {  	s21 =	rddreg [dreg:$0xc]  }
0xfb: {  	[tilespmem:s13], [sflag:$0x2] =	stream.linear.gather [spmem:s21], $0x1870, $0x38;
	[tilespmem:$0x1A0C0] =	vst v63  }
0xfc: {  	_ =	swait.ge [sflag:s20], $0x1870  }
0xfd: {  	[sflag:s20] =	ssyncset.done $0x0  }
0xfe: {  	s26 =	rddreg [dreg:$0xd];
	[sflag:s20] =	ssyncadd.s32 $0xFFFFE790  }
0xff: {  	[tilespmem:s3], [sflag:$0x2] =	stream.linear.gather [spmem:s26], $0x1870, $0x38;
	[tilespmem:$0x1A0C0] =	vst v63  }
0x100: {  	_ =	swait.ge [sflag:s20], $0x1870  }
0x101: {  	[sflag:s20] =	ssyncset.done $0x0  }
0x102: {  	[sflag:s20] =	ssyncadd.s32 $0xFFFFE790  }
0x103: {  	[tilespmem:$0x13B00] =	vst v0  }
0x104: {  	[tilespmem:$0x13B10] =	vst v0  }
0x105: {  	[tilespmem:$0x13B20] =	vst v0  }
0x106: {  	[tilespmem:$0x13B30] =	vst v0  }
0x107: {  	[tilespmem:$0x13B40] =	vst v0  }
0x108: {  	[tilespmem:$0x13B50] =	vst v0  }
0x109: {  	[tilespmem:$0x13B60] =	vst v0  }
0x10a: {  	[tilespmem:$0x13B70] =	vst v0  }
0x10b: {  	[tilespmem:$0x13B80] =	vst v0  }
0x10c: {  	[tilespmem:$0x13B90] =	vst v0  }
0x10d: {  	[tilespmem:$0x13BA0] =	vst v0  }
0x10e: {  	[tilespmem:$0x13BB0] =	vst v0  }
0x10f: {  	[tilespmem:$0x13BC0] =	vst v0  }
0x110: {  	[tilespmem:$0x13BD0] =	vst v0  }
0x111: {  	[tilespmem:$0x13BE0] =	vst v0  }
0x112: {  	s2 =	simm.s32 $0x0;
	s1 =	simm.s32 $0x40;
	[tilespmem:$0x13BF0] =	vst v0  }
.LBB2_12:
0x113: {  	p0 =	sne.s32 s1, $0x6180;
	v2 =	vld [tilespmem:s2+$0xE180];
	_ =	sdelay $0x4  }
0x114: {  	v2 =	vshrl.u32 v2, $0x8  }
0x115: {  	v2 =	vand.u32 $0xFF, v2  }
0x116: {  	(xrf1) =	vunique.msk.u32 $0xffff, v2;
	_ =	sdelay $0xc  }
0x117: {  	v3 =	vld.idx.msk [tilespmem:v2+s22+$0x0], $0xffff  }
0x118: {  	_, v4, vm1 =	vpop (xrf1);
	_ =	sdelay $0x1  }
.Ltmp7:
0x119: {  	(pc) =	sbr.rel @p0 .LBB2_12-.Ltmp7, $3  }
0x11a: {  	_ =	sdelay $0x1  }
0x11b: {  	v3 =	vadd.s32 v3, v4  }
0x11c: {  	s2 =	sshra.s32 s1, $0x2;
	s1 =	sadd.s32 $0x40, s1;
	[tilespmem:v2+s22+$0x0] =	vst.idx.msk vm1, v3  }
0x11d: {  	v2 =	vld [tilespmem:s2+$0xE180];
	_ =	sdelay $0x4  }
0x11e: {  	v2 =	vshrl.u32 v2, $0x8  }
0x11f: {  	v2 =	vand.u32 $0xFF, v2  }
0x120: {  	(xrf1) =	vunique.msk.u32 $0xffff, v2;
	_ =	sdelay $0xd  }
0x121: {  	v3 =	vld.idx.msk [tilespmem:v2+s22+$0x0], $0xffff;
	_, v4, vm1 =	vpop (xrf1);
	_ =	sdelay $0x4  }
0x122: {  	v3 =	vadd.s32 v3, v4  }
0x123: {  	s1 =	rddreg [dreg:$0xb];
	[tilespmem:v2+s22+$0x0] =	vst.idx.msk vm1, v3  }
0x124: {  	[spmem:s1] =	stream.linear.scatter [tilespmem:s22], [sflag:$0x2], $0x100, $0x38;
	[tilespmem:$0x1A0C0] =	vst v63  }
0x125: {  	_ =	swait.ge [sflag:s20], $0x100  }
0x126: {  	[sflag:s20] =	ssyncset.done $0x0  }
0x127: {  	[sflag:s20] =	ssyncadd.s32 $0xFFFFFF00  }
0x128: {  	s26 =	simm.s32 $0x12B00;
	[bflag:$0x0] =	sbarrier.arrive $0xFFFF  }
0x129: {  	[tilespmem:s26], [sflag:$0x2] =	stream.linear.gather [spmem:s15], $0x1000, $0x38;
	[tilespmem:$0x1A0C0] =	vst v63  }
0x12a: {  	_ =	swait.ge [sflag:s20], $0x1000  }
0x12b: {  	[sflag:s20] =	ssyncset.done $0x0  }
0x12c: {  	[sflag:s20] =	ssyncadd.s32 $0xFFFFF000  }
0x12d: {  	[tilespmem:$0x13C00] =	vst v0  }
0x12e: {  	[tilespmem:$0x13C10] =	vst v0  }
0x12f: {  	[tilespmem:$0x13C20] =	vst v0  }
0x130: {  	[tilespmem:$0x13C30] =	vst v0  }
0x131: {  	[tilespmem:$0x13C40] =	vst v0  }
0x132: {  	[tilespmem:$0x13C50] =	vst v0  }
0x133: {  	[tilespmem:$0x13C60] =	vst v0  }
0x134: {  	[tilespmem:$0x13C70] =	vst v0  }
0x135: {  	[tilespmem:$0x13C80] =	vst v0  }
0x136: {  	[tilespmem:$0x13C90] =	vst v0  }
0x137: {  	[tilespmem:$0x13CA0] =	vst v0  }
0x138: {  	[tilespmem:$0x13CB0] =	vst v0  }
0x139: {  	[tilespmem:$0x13CC0] =	vst v0  }
0x13a: {  	[tilespmem:$0x13CD0] =	vst v0  }
0x13b: {  	[tilespmem:$0x13CE0] =	vst v0  }
0x13c: {  	[tilespmem:$0x13CF0] =	vst v0  }
0x13d: {  	[tilespmem:$0x13D00] =	vst v0  }
0x13e: {  	[tilespmem:$0x13D10] =	vst v0  }
0x13f: {  	[tilespmem:$0x13D20] =	vst v0  }
0x140: {  	[tilespmem:$0x13D30] =	vst v0  }
0x141: {  	[tilespmem:$0x13D40] =	vst v0  }
0x142: {  	[tilespmem:$0x13D50] =	vst v0  }
0x143: {  	[tilespmem:$0x13D60] =	vst v0  }
0x144: {  	[tilespmem:$0x13D70] =	vst v0  }
0x145: {  	[tilespmem:$0x13D80] =	vst v0  }
0x146: {  	[tilespmem:$0x13D90] =	vst v0  }
0x147: {  	[tilespmem:$0x13DA0] =	vst v0  }
0x148: {  	[tilespmem:$0x13DB0] =	vst v0  }
0x149: {  	[tilespmem:$0x13DC0] =	vst v0  }
0x14a: {  	[tilespmem:$0x13DD0] =	vst v0  }
0x14b: {  	[tilespmem:$0x13DE0] =	vst v0  }
0x14c: {  	s2 =	simm.s32 $0x0;
	s3 =	simm.s32 $0x0;
	[tilespmem:$0x13DF0] =	vst v0  }
.LBB2_14:
0x14d: {  	s1 =	sshll.u32 s3, $0x8  }
0x14e: {  	s1 =	sand.u32 $0x3FFFFF00, s1  }
0x14f: {  	s5 =	sand.u32 $0x80, s2;
	s1 =	sadd.s32 $0x12B00, s1  }
0x150: {  	s6 =	simm.s32 $0x13C00;
	s8 =	sand.u32 $0x70, s2;
	s5 =	sadd.s32 s5, s1  }
0x151: {  	v2 =	vld [tilespmem:s6+$0x0];
	s5 =	sadd.s32 s8, s5  }
0x152: {  	v3 =	vld [tilespmem:s5+$0x0];
	_ =	sdelay $0x4  }
0x153: {  	v2 =	vadd.s32 v3, v2  }
0x154: {  	s5 =	simm.s32 $0x13D00;
	[tilespmem:s6+$0x0] =	vst v2  }
0x155: {  	p0 =	slt.u32 s3, s4;
	s6 =	simm.s32 $0x1;
	v4 =	vld [tilespmem:s5+$0x0]  }
0x156: {  	s6 =	simm.s32 @!p0 $0x0  }
0x157: {  	v2 =	vmov s6  }
0x158: {  	s26 =	simm.s32 $0x10;
	v3 =	vmul.u32 v2, v3  }
0x159: {  	s10 =	simm.s32 $0x20;
	s9 =	sand.u32 $0x70, s26  }
0x15a: {  	s11 =	sand.u32 $0x80, s26;
	s8 =	simm.s32 $0x13C10;
	s6 =	simm.s32 $0x13D10;
	v3 =	vadd.s32 v3, v4  }
.LBB2_15:
0x15b: {  	s12 =	sand.u32 $0x70, s10;
	s11 =	sadd.s32 s11, s1  }
0x15c: {  	[tilespmem:s5+$0x0] =	vst v3;
	s13 =	smov.u32 s10;
	s14 =	sadd.s32 $0x10, s10;
	s5 =	smov.u32 s6  }
0x15d: {  	p0 =	sne.s32 s10, $0xF0;
	s10 =	sadd.s32 s9, s11;
	v3 =	vld [tilespmem:s8+$0x0];
	s9 =	smov.u32 s12  }
0x15e: {  	v4 =	vld [tilespmem:s10+$0x0];
	_ =	sdelay $0x4  }
0x15f: {  	v3 =	vadd.s32 v4, v3  }
0x160: {  	[tilespmem:s8+$0x0] =	vst v3  }
0x161: {  	v3 =	vld [tilespmem:s6+$0x0]  }
.Ltmp8:
0x162: {  	(pc) =	sbr.rel @p0 .LBB2_15-.Ltmp8, $4  }
0x163: {  	_ = 	snop  }
0x164: {  	v4 =	vmul.u32 v2, v4  }
0x165: {  	s11 =	sand.u32 $0x80, s13  }
0x166: {  	s10 =	smov.u32 s14;
	s8 =	sadd.s32 $0x10, s8;
	s6 =	sadd.s32 $0x10, s6;
	v3 =	vadd.s32 v4, v3  }
0x167: {  	s1 =	sadd.s32 s11, s1;
	[tilespmem:s5+$0x0] =	vst v3  }
0x168: {  	s1 =	sadd.s32 s9, s1;
	v3 =	vld [tilespmem:s8+$0x0]  }
0x169: {  	v4 =	vld [tilespmem:s1+$0x0];
	_ =	sdelay $0x4  }
0x16a: {  	v3 =	vadd.s32 v4, v3  }
0x16b: {  	[tilespmem:s8+$0x0] =	vst v3  }
0x16c: {  	s3 =	sadd.s32 $0x1, s3;
	v3 =	vld [tilespmem:s6+$0x0]  }
0x16d: {  	p0 =	sne.s32 s3, $0x10  }
.Ltmp9:
0x16e: {  	_ = 	snop;
	(pc) =	sbr.rel @p0 .LBB2_14-.Ltmp9, $3  }
0x16f: {  	v2 =	vmul.u32 v2, v4;
	_ =	sdelay $0x1  }
0x170: {  	v2 =	vadd.s32 v2, v3  }
0x171: {  	s1 =	simm.s32 $0x0;
	[tilespmem:s6+$0x0] =	vst v2  }
0x172: {  	s5 =	simm.s32 $0x0  }
0x173: {  	v4 =	vld [tilespmem:s5+$0x13C00];
	_ =	sdelay $0x4  }
0x174: {  	(xrf0) =	vadd.scan.msk.s32 $0xffff, v4;
	_ =	sdelay $0x1  }
0x175: {  	s9 =	simm.s32 $0x10  }
0x176: {  	v3 =	vld [tilespmem:s9+$0x13C00];
	_ =	sdelay $0x2  }
0x177: {  	v5, _, _ =	vpop (xrf0)  }
0x178: {  	(v2sf) =	vpush v5, $0xF  }
0x179: {  	v6 =	vld [tilespmem:s5+$0x13D00];
	(xrf0) =	vadd.scan.msk.s32 $0xffff, v3;
	_ =	sdelay $0x1  }
0x17a: {  	s8 =	simm.s32 $0x20  }
0x17b: {  	v2 =	vld [tilespmem:s8+$0x13C00]  }
0x17c: {  	v4 =	vsub.s32 s1, v4  }
0x17d: {  	v4 =	vadd.s32 v6, v4  }
0x17e: {  	v6 =	vadd.s32 v5, v4;
	v5, _, _ =	vpop (xrf0)  }
0x17f: {  	(v2sf) =	vpush v5, $0xF  }
0x180: {  	(xrf0) =	vadd.scan.msk.s32 $0xffff, v2;
	_ =	sdelay $0x1  }
0x181: {  	s6 =	simm.s32 $0x30  }
0x182: {  	v4 =	vld [tilespmem:s6+$0x13C00];
	[tilespmem:s5+$0x13D00] =	vst v6  }
0x183: {  	v7 =	vld [tilespmem:s9+$0x13D00]  }
0x184: {  	s2 =	simm.s32 $0x40;
	s3 =	simm.s32 $0x80  }
0x185: {  	s10 =	simm.s32 $0x100;
	s11 =	simm.s32 $0x140;
	v6, _, _ =	vpop (xrf0);
	s12 =	spop (v2sf)  }
.LBB2_18:
0x186: {  	p0 =	sne.s32 s11, $0x3C0;
	(v2sf) =	vpush v6, $0xF;
	s1 =	sadd.s32 s1, s12  }
0x187: {  	(xrf0) =	vadd.scan.msk.s32 $0xffff, v4;
	v8 =	vsub.s32 s1, v3;
	v3 =	vmov v2;
	v2 =	vmov v4  }
0x188: {  	v4 =	vadd.s32 v7, v8  }
.Ltmp10:
0x189: {  	s12 =	sshra.s32 s10, $0x2;
	s10 =	smov.u32 s11;
	v7 =	vadd.s32 v5, v4;
	v5 =	vmov v6;
	(pc) =	sbr.rel @p0 .LBB2_18-.Ltmp10, $3  }
0x18a: {  	v4 =	vld [tilespmem:s12+$0x13C00];
	[tilespmem:s9+$0x13D00] =	vst v7;
	s9 =	smov.u32 s8;
	s8 =	smov.u32 s6;
	s6 =	smov.u32 s12  }
0x18b: {  	v7 =	vld [tilespmem:s9+$0x13D00];
	_ =	sdelay $0x1  }
0x18c: {  	s11 =	sadd.s32 $0x40, s11;
	v6, _, _ =	vpop (xrf0);
	s12 =	spop (v2sf)  }
0x18d: {  	(v2sf) =	vpush v6, $0xF;
	s1 =	sadd.s32 s1, s12  }
0x18e: {  	(xrf0) =	vadd.scan.msk.s32 $0xffff, v4;
	v3 =	vsub.s32 s1, v3  }
0x18f: {  	v3 =	vadd.s32 v7, v3  }
0x190: {  	s10 =	sshra.s32 s10, $0x2;
	v3 =	vadd.s32 v5, v3  }
0x191: {  	v5 =	vld [tilespmem:s10+$0x13C00];
	[tilespmem:s9+$0x13D00] =	vst v3  }
0x192: {  	v3 =	vld [tilespmem:s8+$0x13D00];
	_ =	sdelay $0x1  }
0x193: {  	v63, _, _ =	vpop (xrf0);
	s13 =	spop (v2sf)  }
0x194: {  	(v2sf) =	vpush v63, $0xF;
	s1 =	sadd.s32 s1, s13  }
0x195: {  	v2 =	vsub.s32 s1, v2  }
0x196: {  	v2 =	vadd.s32 v3, v2  }
0x197: {  	v2 =	vadd.s32 v6, v2  }
0x198: {  	[tilespmem:s8+$0x13D00] =	vst v2  }
0x199: {  	v2 =	vld [tilespmem:s6+$0x13D00];
	_ =	sdelay $0x1  }
0x19a: {  	s14 =	spop (v2sf)  }
0x19b: {  	s1 =	sadd.s32 s1, s14  }
0x19c: {  	v3 =	vsub.s32 s1, v4  }
0x19d: {  	v2 =	vadd.s32 v2, v3  }
0x19e: {  	v2 =	vadd.s32 v63, v2  }
0x19f: {  	(xrf0) =	vadd.scan.msk.s32 $0xffff, v5;
	[tilespmem:s6+$0x13D00] =	vst v2  }
0x1a0: {  	v2 =	vld [tilespmem:s10+$0x13D00];
	_ =	sdelay $0x1  }
0x1a1: {  	s21 =	spop (v2sf)  }
0x1a2: {  	s1 =	sadd.s32 s1, s21  }
0x1a3: {  	v3 =	vsub.s32 s1, v5  }
0x1a4: {  	v4, _, _ =	vpop (xrf0);
	v2 =	vadd.s32 v2, v3  }
0x1a5: {  	v2 =	vadd.s32 v4, v2  }
0x1a6: {  	[tilespmem:s10+$0x13D00] =	vst v2  }
0x1a7: {  	v2 =	vld [tilespmem:s5+$0xE180];
	_ =	sdelay $0x4  }
0x1a8: {  	v2 =	vshrl.u32 v2, $0x8  }
0x1a9: {  	v2 =	vand.u32 $0xFF, v2  }
0x1aa: {  	(xrf1) =	vunique.msk.u32 $0xffff, v2;
	_ =	sdelay $0x2  }
0x1ab: {  	(v2sf) =	vpush v4, $0xF;
	_ =	sdelay $0x7  }
0x1ac: {  	v3 =	vld.idx.msk [tilespmem:v2+s25+$0x0], $0xffff;
	_ =	sdelay $0x2  }
0x1ad: {  	_, v4, vm1 =	vpop (xrf1);
	_ =	sdelay $0x1  }
0x1ae: {  	v3 =	vadd.s32 v3, v4  }
0x1af: {  	v4 =	vadd.s32 $0xFFFFFFFF, v3  }
0x1b0: {  	s26 =	spop (v2sf);
	[tilespmem:s5+$0x11280] =	vst v4  }
.LBB2_20:
0x1b1: {  	p0 =	sne.s32 s3, $0x6180  }
0x1b2: {  	s1 =	sshra.s32 s2, $0x2;
	[tilespmem:v2+s25+$0x0] =	vst.idx.msk vm1, v3;
	s2 =	smov.u32 s3;
	s3 =	sadd.s32 $0x40, s3  }
0x1b3: {  	v2 =	vld [tilespmem:s1+$0xE180];
	_ =	sdelay $0x4  }
0x1b4: {  	v2 =	vshrl.u32 v2, $0x8  }
0x1b5: {  	v2 =	vand.u32 $0xFF, v2  }
0x1b6: {  	(xrf1) =	vunique.msk.u32 $0xffff, v2;
	_ =	sdelay $0xa  }
0x1b7: {  	v3 =	vld.idx.msk [tilespmem:v2+s25+$0x0], $0xffff;
	_ =	sdelay $0x2  }
0x1b8: {  	_, v4, vm1 =	vpop (xrf1)  }
.Ltmp11:
0x1b9: {  	(pc) =	sbr.rel @p0 .LBB2_20-.Ltmp11, $4  }
0x1ba: {  	_ = 	snop  }
0x1bb: {  	v3 =	vadd.s32 v3, v4  }
0x1bc: {  	v4 =	vadd.s32 $0xFFFFFFFF, v3  }
0x1bd: {  	[tilespmem:s1+$0x11280] =	vst v4  }
0x1be: {  	_ =	sdelay $0x4  }
0x1bf: {  	s1 =	sshra.s32 s2, $0x2;
	[tilespmem:v2+s25+$0x0] =	vst.idx.msk vm1, v3  }
0x1c0: {  	v2 =	vld [tilespmem:s1+$0xE180];
	_ =	sdelay $0x4  }
0x1c1: {  	v2 =	vshrl.u32 v2, $0x8  }
0x1c2: {  	v2 =	vand.u32 $0xFF, v2  }
0x1c3: {  	(xrf1) =	vunique.msk.u32 $0xffff, v2;
	_ =	sdelay $0xb  }
0x1c4: {  	v3 =	vld.idx.msk [tilespmem:v2+s25+$0x0], $0xffff;
	_ =	sdelay $0x1  }
0x1c5: {  	_, v4, vm1 =	vpop (xrf1);
	_ =	sdelay $0x2  }
0x1c6: {  	v3 =	vadd.s32 v3, v4  }
0x1c7: {  	v4 =	vadd.s32 $0xFFFFFFFF, v3  }
0x1c8: {  	[tilespmem:s1+$0x11280] =	vst v4  }
0x1c9: {  	s13 =	simm.s32 $0xE180;
	s14 =	simm.s32 $0x1870;
	[tilespmem:v2+s25+$0x0] =	vst.idx.msk vm1, v3  }
0x1ca: {  	[spmem:s19] =	stream.indirect.scatter [tilespmem:s13], [sflag:$0x1], $0x1, s28, s14, $0xb8;
	[tilespmem:$0x1A0C0] =	vst v63  }
0x1cb: {  	s3 =	simm.s32 $0xFA00  }
0x1cc: {  	[spmem:s7] =	stream.indirect.scatter [tilespmem:s3], [sflag:$0x1], $0x1, s28, s14, $0xb8;
	[tilespmem:$0x1A0C0] =	vst v63  }
0x1cd: {  	_ =	swait.ge [sflag:s24], $0x1870  }
0x1ce: {  	[sflag:s24] =	ssyncset.done $0x0  }
0x1cf: {  	[sflag:s24] =	ssyncadd.s32 $0xFFFFE790  }
0x1d0: {  	_ =	swait.ge [sflag:s24], $0x1870  }
0x1d1: {  	[sflag:s24] =	ssyncset.done $0x0  }
0x1d2: {  	[sflag:s24] =	ssyncadd.s32 $0xFFFFE790  }
0x1d3: {  	[bflag:$0x0] =	sbarrier.arrive $0xFFFF  }
0x1d4: {  	s21 =	rddreg [dreg:$0xe]  }
0x1d5: {  	[tilespmem:s13], [sflag:$0x2] =	stream.linear.gather [spmem:s21], $0x1870, $0x38;
	[tilespmem:$0x1A0C0] =	vst v63  }
0x1d6: {  	_ =	swait.ge [sflag:s20], $0x1870  }
0x1d7: {  	[sflag:s20] =	ssyncset.done $0x0  }
0x1d8: {  	s26 =	rddreg [dreg:$0xf];
	[sflag:s20] =	ssyncadd.s32 $0xFFFFE790  }
0x1d9: {  	[tilespmem:s3], [sflag:$0x2] =	stream.linear.gather [spmem:s26], $0x1870, $0x38;
	[tilespmem:$0x1A0C0] =	vst v63  }
0x1da: {  	_ =	swait.ge [sflag:s20], $0x1870  }
0x1db: {  	[sflag:s20] =	ssyncset.done $0x0  }
0x1dc: {  	[sflag:s20] =	ssyncadd.s32 $0xFFFFE790  }
0x1dd: {  	[tilespmem:$0x13B00] =	vst v0  }
0x1de: {  	[tilespmem:$0x13B10] =	vst v0  }
0x1df: {  	[tilespmem:$0x13B20] =	vst v0  }
0x1e0: {  	[tilespmem:$0x13B30] =	vst v0  }
0x1e1: {  	[tilespmem:$0x13B40] =	vst v0  }
0x1e2: {  	[tilespmem:$0x13B50] =	vst v0  }
0x1e3: {  	[tilespmem:$0x13B60] =	vst v0  }
0x1e4: {  	[tilespmem:$0x13B70] =	vst v0  }
0x1e5: {  	[tilespmem:$0x13B80] =	vst v0  }
0x1e6: {  	[tilespmem:$0x13B90] =	vst v0  }
0x1e7: {  	[tilespmem:$0x13BA0] =	vst v0  }
0x1e8: {  	[tilespmem:$0x13BB0] =	vst v0  }
0x1e9: {  	[tilespmem:$0x13BC0] =	vst v0  }
0x1ea: {  	[tilespmem:$0x13BD0] =	vst v0  }
0x1eb: {  	[tilespmem:$0x13BE0] =	vst v0  }
0x1ec: {  	s2 =	simm.s32 $0x0;
	s1 =	simm.s32 $0x40;
	[tilespmem:$0x13BF0] =	vst v0  }
.LBB2_22:
0x1ed: {  	p0 =	sne.s32 s1, $0x6180;
	v2 =	vld [tilespmem:s2+$0xE180];
	_ =	sdelay $0x4  }
0x1ee: {  	v2 =	vshrl.u32 v2, $0x10  }
0x1ef: {  	v2 =	vand.u32 $0xFF, v2  }
0x1f0: {  	(xrf1) =	vunique.msk.u32 $0xffff, v2;
	_ =	sdelay $0xc  }
0x1f1: {  	v3 =	vld.idx.msk [tilespmem:v2+s22+$0x0], $0xffff  }
0x1f2: {  	_, v4, vm1 =	vpop (xrf1);
	_ =	sdelay $0x1  }
.Ltmp12:
0x1f3: {  	(pc) =	sbr.rel @p0 .LBB2_22-.Ltmp12, $3  }
0x1f4: {  	_ =	sdelay $0x1  }
0x1f5: {  	v3 =	vadd.s32 v3, v4  }
0x1f6: {  	s2 =	sshra.s32 s1, $0x2;
	s1 =	sadd.s32 $0x40, s1;
	[tilespmem:v2+s22+$0x0] =	vst.idx.msk vm1, v3  }
0x1f7: {  	v2 =	vld [tilespmem:s2+$0xE180];
	_ =	sdelay $0x4  }
0x1f8: {  	v2 =	vshrl.u32 v2, $0x10  }
0x1f9: {  	v2 =	vand.u32 $0xFF, v2  }
0x1fa: {  	(xrf1) =	vunique.msk.u32 $0xffff, v2;
	_ =	sdelay $0xd  }
0x1fb: {  	v3 =	vld.idx.msk [tilespmem:v2+s22+$0x0], $0xffff;
	_, v4, vm1 =	vpop (xrf1);
	_ =	sdelay $0x4  }
0x1fc: {  	v3 =	vadd.s32 v3, v4  }
0x1fd: {  	s1 =	rddreg [dreg:$0xb];
	[tilespmem:v2+s22+$0x0] =	vst.idx.msk vm1, v3  }
0x1fe: {  	[spmem:s1] =	stream.linear.scatter [tilespmem:s22], [sflag:$0x2], $0x100, $0x38;
	[tilespmem:$0x1A0C0] =	vst v63  }
0x1ff: {  	_ =	swait.ge [sflag:s20], $0x100  }
0x200: {  	[sflag:s20] =	ssyncset.done $0x0  }
0x201: {  	[sflag:s20] =	ssyncadd.s32 $0xFFFFFF00  }
0x202: {  	s26 =	simm.s32 $0x12B00;
	[bflag:$0x0] =	sbarrier.arrive $0xFFFF  }
0x203: {  	[tilespmem:s26], [sflag:$0x2] =	stream.linear.gather [spmem:s15], $0x1000, $0x38;
	[tilespmem:$0x1A0C0] =	vst v63  }
0x204: {  	_ =	swait.ge [sflag:s20], $0x1000  }
0x205: {  	[sflag:s20] =	ssyncset.done $0x0  }
0x206: {  	[sflag:s20] =	ssyncadd.s32 $0xFFFFF000  }
0x207: {  	[tilespmem:$0x13C00] =	vst v0  }
0x208: {  	[tilespmem:$0x13C10] =	vst v0  }
0x209: {  	[tilespmem:$0x13C20] =	vst v0  }
0x20a: {  	[tilespmem:$0x13C30] =	vst v0  }
0x20b: {  	[tilespmem:$0x13C40] =	vst v0  }
0x20c: {  	[tilespmem:$0x13C50] =	vst v0  }
0x20d: {  	[tilespmem:$0x13C60] =	vst v0  }
0x20e: {  	[tilespmem:$0x13C70] =	vst v0  }
0x20f: {  	[tilespmem:$0x13C80] =	vst v0  }
0x210: {  	[tilespmem:$0x13C90] =	vst v0  }
0x211: {  	[tilespmem:$0x13CA0] =	vst v0  }
0x212: {  	[tilespmem:$0x13CB0] =	vst v0  }
0x213: {  	[tilespmem:$0x13CC0] =	vst v0  }
0x214: {  	[tilespmem:$0x13CD0] =	vst v0  }
0x215: {  	[tilespmem:$0x13CE0] =	vst v0  }
0x216: {  	[tilespmem:$0x13CF0] =	vst v0  }
0x217: {  	[tilespmem:$0x13D00] =	vst v0  }
0x218: {  	[tilespmem:$0x13D10] =	vst v0  }
0x219: {  	[tilespmem:$0x13D20] =	vst v0  }
0x21a: {  	[tilespmem:$0x13D30] =	vst v0  }
0x21b: {  	[tilespmem:$0x13D40] =	vst v0  }
0x21c: {  	[tilespmem:$0x13D50] =	vst v0  }
0x21d: {  	[tilespmem:$0x13D60] =	vst v0  }
0x21e: {  	[tilespmem:$0x13D70] =	vst v0  }
0x21f: {  	[tilespmem:$0x13D80] =	vst v0  }
0x220: {  	[tilespmem:$0x13D90] =	vst v0  }
0x221: {  	[tilespmem:$0x13DA0] =	vst v0  }
0x222: {  	[tilespmem:$0x13DB0] =	vst v0  }
0x223: {  	[tilespmem:$0x13DC0] =	vst v0  }
0x224: {  	[tilespmem:$0x13DD0] =	vst v0  }
0x225: {  	[tilespmem:$0x13DE0] =	vst v0  }
0x226: {  	s2 =	simm.s32 $0x0;
	s3 =	simm.s32 $0x0;
	[tilespmem:$0x13DF0] =	vst v0  }
.LBB2_24:
0x227: {  	s1 =	sshll.u32 s3, $0x8  }
0x228: {  	s1 =	sand.u32 $0x3FFFFF00, s1  }
0x229: {  	s5 =	sand.u32 $0x80, s2;
	s1 =	sadd.s32 $0x12B00, s1  }
0x22a: {  	s6 =	simm.s32 $0x13C00;
	s8 =	sand.u32 $0x70, s2;
	s5 =	sadd.s32 s5, s1  }
0x22b: {  	v2 =	vld [tilespmem:s6+$0x0];
	s5 =	sadd.s32 s8, s5  }
0x22c: {  	v3 =	vld [tilespmem:s5+$0x0];
	_ =	sdelay $0x4  }
0x22d: {  	v2 =	vadd.s32 v3, v2  }
0x22e: {  	s5 =	simm.s32 $0x13D00;
	[tilespmem:s6+$0x0] =	vst v2  }
0x22f: {  	p0 =	slt.u32 s3, s4;
	s6 =	simm.s32 $0x1;
	v4 =	vld [tilespmem:s5+$0x0]  }
0x230: {  	s6 =	simm.s32 @!p0 $0x0  }
0x231: {  	v2 =	vmov s6  }
0x232: {  	s26 =	simm.s32 $0x10;
	v3 =	vmul.u32 v2, v3  }
0x233: {  	s10 =	simm.s32 $0x20;
	s9 =	sand.u32 $0x70, s26  }
0x234: {  	s11 =	sand.u32 $0x80, s26;
	s8 =	simm.s32 $0x13C10;
	s6 =	simm.s32 $0x13D10;
	v3 =	vadd.s32 v3, v4  }
.LBB2_25:
0x235: {  	s12 =	sand.u32 $0x70, s10;
	s11 =	sadd.s32 s11, s1  }
0x236: {  	[tilespmem:s5+$0x0] =	vst v3;
	s13 =	smov.u32 s10;
	s14 =	sadd.s32 $0x10, s10;
	s5 =	smov.u32 s6  }
0x237: {  	p0 =	sne.s32 s10, $0xF0;
	s10 =	sadd.s32 s9, s11;
	v3 =	vld [tilespmem:s8+$0x0];
	s9 =	smov.u32 s12  }
0x238: {  	v4 =	vld [tilespmem:s10+$0x0];
	_ =	sdelay $0x4  }
0x239: {  	v3 =	vadd.s32 v4, v3  }
0x23a: {  	[tilespmem:s8+$0x0] =	vst v3  }
0x23b: {  	v3 =	vld [tilespmem:s6+$0x0]  }
.Ltmp13:
0x23c: {  	(pc) =	sbr.rel @p0 .LBB2_25-.Ltmp13, $4  }
0x23d: {  	_ = 	snop  }
0x23e: {  	v4 =	vmul.u32 v2, v4  }
0x23f: {  	s11 =	sand.u32 $0x80, s13  }
0x240: {  	s10 =	smov.u32 s14;
	s8 =	sadd.s32 $0x10, s8;
	s6 =	sadd.s32 $0x10, s6;
	v3 =	vadd.s32 v4, v3  }
0x241: {  	s1 =	sadd.s32 s11, s1;
	[tilespmem:s5+$0x0] =	vst v3  }
0x242: {  	s1 =	sadd.s32 s9, s1;
	v3 =	vld [tilespmem:s8+$0x0]  }
0x243: {  	v4 =	vld [tilespmem:s1+$0x0];
	_ =	sdelay $0x4  }
0x244: {  	v3 =	vadd.s32 v4, v3  }
0x245: {  	[tilespmem:s8+$0x0] =	vst v3  }
0x246: {  	s3 =	sadd.s32 $0x1, s3;
	v3 =	vld [tilespmem:s6+$0x0]  }
0x247: {  	p0 =	sne.s32 s3, $0x10  }
.Ltmp14:
0x248: {  	_ = 	snop;
	(pc) =	sbr.rel @p0 .LBB2_24-.Ltmp14, $3  }
0x249: {  	v2 =	vmul.u32 v2, v4;
	_ =	sdelay $0x1  }
0x24a: {  	v2 =	vadd.s32 v2, v3  }
0x24b: {  	s1 =	simm.s32 $0x0;
	[tilespmem:s6+$0x0] =	vst v2  }
0x24c: {  	s5 =	simm.s32 $0x0  }
0x24d: {  	v4 =	vld [tilespmem:s5+$0x13C00];
	_ =	sdelay $0x4  }
0x24e: {  	(xrf0) =	vadd.scan.msk.s32 $0xffff, v4;
	_ =	sdelay $0x1  }
0x24f: {  	s9 =	simm.s32 $0x10  }
0x250: {  	v3 =	vld [tilespmem:s9+$0x13C00];
	_ =	sdelay $0x2  }
0x251: {  	v5, _, _ =	vpop (xrf0)  }
0x252: {  	(v2sf) =	vpush v5, $0xF  }
0x253: {  	v6 =	vld [tilespmem:s5+$0x13D00];
	(xrf0) =	vadd.scan.msk.s32 $0xffff, v3;
	_ =	sdelay $0x1  }
0x254: {  	s8 =	simm.s32 $0x20  }
0x255: {  	v2 =	vld [tilespmem:s8+$0x13C00]  }
0x256: {  	v4 =	vsub.s32 s1, v4  }
0x257: {  	v4 =	vadd.s32 v6, v4  }
0x258: {  	v6 =	vadd.s32 v5, v4;
	v5, _, _ =	vpop (xrf0)  }
0x259: {  	(v2sf) =	vpush v5, $0xF  }
0x25a: {  	(xrf0) =	vadd.scan.msk.s32 $0xffff, v2;
	_ =	sdelay $0x1  }
0x25b: {  	s6 =	simm.s32 $0x30  }
0x25c: {  	v4 =	vld [tilespmem:s6+$0x13C00];
	[tilespmem:s5+$0x13D00] =	vst v6  }
0x25d: {  	v7 =	vld [tilespmem:s9+$0x13D00]  }
0x25e: {  	s2 =	simm.s32 $0x40;
	s3 =	simm.s32 $0x80  }
0x25f: {  	s10 =	simm.s32 $0x100;
	s11 =	simm.s32 $0x140;
	v6, _, _ =	vpop (xrf0);
	s12 =	spop (v2sf)  }
.LBB2_28:
0x260: {  	p0 =	sne.s32 s11, $0x3C0;
	(v2sf) =	vpush v6, $0xF;
	s1 =	sadd.s32 s1, s12  }
0x261: {  	(xrf0) =	vadd.scan.msk.s32 $0xffff, v4;
	v8 =	vsub.s32 s1, v3;
	v3 =	vmov v2;
	v2 =	vmov v4  }
0x262: {  	v4 =	vadd.s32 v7, v8  }
.Ltmp15:
0x263: {  	s12 =	sshra.s32 s10, $0x2;
	s10 =	smov.u32 s11;
	v7 =	vadd.s32 v5, v4;
	v5 =	vmov v6;
	(pc) =	sbr.rel @p0 .LBB2_28-.Ltmp15, $3  }
0x264: {  	v4 =	vld [tilespmem:s12+$0x13C00];
	[tilespmem:s9+$0x13D00] =	vst v7;
	s9 =	smov.u32 s8;
	s8 =	smov.u32 s6;
	s6 =	smov.u32 s12  }
0x265: {  	v7 =	vld [tilespmem:s9+$0x13D00];
	_ =	sdelay $0x1  }
0x266: {  	s11 =	sadd.s32 $0x40, s11;
	v6, _, _ =	vpop (xrf0);
	s12 =	spop (v2sf)  }
0x267: {  	(v2sf) =	vpush v6, $0xF;
	s1 =	sadd.s32 s1, s12  }
0x268: {  	(xrf0) =	vadd.scan.msk.s32 $0xffff, v4;
	v3 =	vsub.s32 s1, v3  }
0x269: {  	v3 =	vadd.s32 v7, v3  }
0x26a: {  	s10 =	sshra.s32 s10, $0x2;
	v3 =	vadd.s32 v5, v3  }
0x26b: {  	v5 =	vld [tilespmem:s10+$0x13C00];
	[tilespmem:s9+$0x13D00] =	vst v3  }
0x26c: {  	v3 =	vld [tilespmem:s8+$0x13D00];
	_ =	sdelay $0x1  }
0x26d: {  	v63, _, _ =	vpop (xrf0);
	s13 =	spop (v2sf)  }
0x26e: {  	(v2sf) =	vpush v63, $0xF;
	s1 =	sadd.s32 s1, s13  }
0x26f: {  	v2 =	vsub.s32 s1, v2  }
0x270: {  	v2 =	vadd.s32 v3, v2  }
0x271: {  	v2 =	vadd.s32 v6, v2  }
0x272: {  	[tilespmem:s8+$0x13D00] =	vst v2  }
0x273: {  	v2 =	vld [tilespmem:s6+$0x13D00];
	_ =	sdelay $0x1  }
0x274: {  	s14 =	spop (v2sf)  }
0x275: {  	s1 =	sadd.s32 s1, s14  }
0x276: {  	v3 =	vsub.s32 s1, v4  }
0x277: {  	v2 =	vadd.s32 v2, v3  }
0x278: {  	v2 =	vadd.s32 v63, v2  }
0x279: {  	(xrf0) =	vadd.scan.msk.s32 $0xffff, v5;
	[tilespmem:s6+$0x13D00] =	vst v2  }
0x27a: {  	v2 =	vld [tilespmem:s10+$0x13D00];
	_ =	sdelay $0x1  }
0x27b: {  	s21 =	spop (v2sf)  }
0x27c: {  	s1 =	sadd.s32 s1, s21  }
0x27d: {  	v3 =	vsub.s32 s1, v5  }
0x27e: {  	v4, _, _ =	vpop (xrf0);
	v2 =	vadd.s32 v2, v3  }
0x27f: {  	v2 =	vadd.s32 v4, v2  }
0x280: {  	[tilespmem:s10+$0x13D00] =	vst v2  }
0x281: {  	v2 =	vld [tilespmem:s5+$0xE180];
	_ =	sdelay $0x4  }
0x282: {  	v2 =	vshrl.u32 v2, $0x10  }
0x283: {  	v2 =	vand.u32 $0xFF, v2  }
0x284: {  	(xrf1) =	vunique.msk.u32 $0xffff, v2;
	_ =	sdelay $0x2  }
0x285: {  	(v2sf) =	vpush v4, $0xF;
	_ =	sdelay $0x7  }
0x286: {  	v3 =	vld.idx.msk [tilespmem:v2+s25+$0x0], $0xffff;
	_ =	sdelay $0x2  }
0x287: {  	_, v4, vm1 =	vpop (xrf1);
	_ =	sdelay $0x1  }
0x288: {  	v3 =	vadd.s32 v3, v4  }
0x289: {  	v4 =	vadd.s32 $0xFFFFFFFF, v3  }
0x28a: {  	s26 =	spop (v2sf);
	[tilespmem:s5+$0x11280] =	vst v4  }
.LBB2_30:
0x28b: {  	p0 =	sne.s32 s3, $0x6180  }
0x28c: {  	s1 =	sshra.s32 s2, $0x2;
	[tilespmem:v2+s25+$0x0] =	vst.idx.msk vm1, v3;
	s2 =	smov.u32 s3;
	s3 =	sadd.s32 $0x40, s3  }
0x28d: {  	v2 =	vld [tilespmem:s1+$0xE180];
	_ =	sdelay $0x4  }
0x28e: {  	v2 =	vshrl.u32 v2, $0x10  }
0x28f: {  	v2 =	vand.u32 $0xFF, v2  }
0x290: {  	(xrf1) =	vunique.msk.u32 $0xffff, v2;
	_ =	sdelay $0xa  }
0x291: {  	v3 =	vld.idx.msk [tilespmem:v2+s25+$0x0], $0xffff;
	_ =	sdelay $0x2  }
0x292: {  	_, v4, vm1 =	vpop (xrf1)  }
.Ltmp16:
0x293: {  	(pc) =	sbr.rel @p0 .LBB2_30-.Ltmp16, $4  }
0x294: {  	_ = 	snop  }
0x295: {  	v3 =	vadd.s32 v3, v4  }
0x296: {  	v4 =	vadd.s32 $0xFFFFFFFF, v3  }
0x297: {  	[tilespmem:s1+$0x11280] =	vst v4  }
0x298: {  	_ =	sdelay $0x4  }
0x299: {  	s1 =	sshra.s32 s2, $0x2;
	[tilespmem:v2+s25+$0x0] =	vst.idx.msk vm1, v3  }
0x29a: {  	v2 =	vld [tilespmem:s1+$0xE180];
	_ =	sdelay $0x4  }
0x29b: {  	v2 =	vshrl.u32 v2, $0x10  }
0x29c: {  	v2 =	vand.u32 $0xFF, v2  }
0x29d: {  	(xrf1) =	vunique.msk.u32 $0xffff, v2;
	_ =	sdelay $0xb  }
0x29e: {  	v3 =	vld.idx.msk [tilespmem:v2+s25+$0x0], $0xffff;
	_ =	sdelay $0x1  }
0x29f: {  	_, v4, vm1 =	vpop (xrf1);
	_ =	sdelay $0x2  }
0x2a0: {  	v3 =	vadd.s32 v3, v4  }
0x2a1: {  	v4 =	vadd.s32 $0xFFFFFFFF, v3  }
0x2a2: {  	[tilespmem:s1+$0x11280] =	vst v4  }
0x2a3: {  	s11 =	simm.s32 $0xE180;
	s12 =	simm.s32 $0x1870;
	[tilespmem:v2+s25+$0x0] =	vst.idx.msk vm1, v3  }
0x2a4: {  	[spmem:s17] =	stream.indirect.scatter [tilespmem:s11], [sflag:$0x1], $0x1, s28, s12, $0xb8;
	[tilespmem:$0x1A0C0] =	vst v63  }
0x2a5: {  	s3 =	simm.s32 $0xFA00  }
0x2a6: {  	[spmem:s18] =	stream.indirect.scatter [tilespmem:s3], [sflag:$0x1], $0x1, s28, s12, $0xb8;
	[tilespmem:$0x1A0C0] =	vst v63  }
0x2a7: {  	_ =	swait.ge [sflag:s24], $0x1870  }
0x2a8: {  	[sflag:s24] =	ssyncset.done $0x0  }
0x2a9: {  	[sflag:s24] =	ssyncadd.s32 $0xFFFFE790  }
0x2aa: {  	_ =	swait.ge [sflag:s24], $0x1870  }
0x2ab: {  	[sflag:s24] =	ssyncset.done $0x0  }
0x2ac: {  	[sflag:s24] =	ssyncadd.s32 $0xFFFFE790  }
0x2ad: {  	[bflag:$0x0] =	sbarrier.arrive $0xFFFF  }
0x2ae: {  	s13 =	rddreg [dreg:$0xc]  }
0x2af: {  	[tilespmem:s11], [sflag:$0x2] =	stream.linear.gather [spmem:s13], $0x1870, $0x38;
	[tilespmem:$0x1A0C0] =	vst v63  }
0x2b0: {  	_ =	swait.ge [sflag:s20], $0x1870  }
0x2b1: {  	[sflag:s20] =	ssyncset.done $0x0  }
0x2b2: {  	s14 =	rddreg [dreg:$0xd];
	[sflag:s20] =	ssyncadd.s32 $0xFFFFE790  }
0x2b3: {  	[tilespmem:s3], [sflag:$0x2] =	stream.linear.gather [spmem:s14], $0x1870, $0x38;
	[tilespmem:$0x1A0C0] =	vst v63  }
0x2b4: {  	_ =	swait.ge [sflag:s20], $0x1870  }
0x2b5: {  	[sflag:s20] =	ssyncset.done $0x0  }
0x2b6: {  	[sflag:s20] =	ssyncadd.s32 $0xFFFFE790  }
0x2b7: {  	[tilespmem:$0x13B00] =	vst v0  }
0x2b8: {  	[tilespmem:$0x13B10] =	vst v0  }
0x2b9: {  	[tilespmem:$0x13B20] =	vst v0  }
0x2ba: {  	[tilespmem:$0x13B30] =	vst v0  }
0x2bb: {  	[tilespmem:$0x13B40] =	vst v0  }
0x2bc: {  	[tilespmem:$0x13B50] =	vst v0  }
0x2bd: {  	[tilespmem:$0x13B60] =	vst v0  }
0x2be: {  	[tilespmem:$0x13B70] =	vst v0  }
0x2bf: {  	[tilespmem:$0x13B80] =	vst v0  }
0x2c0: {  	[tilespmem:$0x13B90] =	vst v0  }
0x2c1: {  	[tilespmem:$0x13BA0] =	vst v0  }
0x2c2: {  	[tilespmem:$0x13BB0] =	vst v0  }
0x2c3: {  	[tilespmem:$0x13BC0] =	vst v0  }
0x2c4: {  	[tilespmem:$0x13BD0] =	vst v0  }
0x2c5: {  	s21 =	simm.s32 $0xE180;
	[tilespmem:$0x13BE0] =	vst v0  }
0x2c6: {  	s26 =	simm.s32 $0xFA00;
	s2 =	simm.s32 $0x0;
	s1 =	simm.s32 $0x40;
	[tilespmem:$0x13BF0] =	vst v0  }
.LBB2_32:
0x2c7: {  	p0 =	sne.s32 s1, $0x6180;
	v2 =	vld [tilespmem:s2+$0xE180];
	_ =	sdelay $0x4  }
0x2c8: {  	v2 =	vshrl.u32 v2, $0x18  }
0x2c9: {  	(xrf1) =	vunique.msk.u32 $0xffff, v2;
	_ =	sdelay $0xc  }
0x2ca: {  	v3 =	vld.idx.msk [tilespmem:v2+s22+$0x0], $0xffff  }
0x2cb: {  	_, v4, vm1 =	vpop (xrf1);
	_ =	sdelay $0x1  }
.Ltmp17:
0x2cc: {  	(pc) =	sbr.rel @p0 .LBB2_32-.Ltmp17, $3  }
0x2cd: {  	_ =	sdelay $0x1  }
0x2ce: {  	v3 =	vadd.s32 v3, v4  }
0x2cf: {  	s2 =	sshra.s32 s1, $0x2;
	s1 =	sadd.s32 $0x40, s1;
	[tilespmem:v2+s22+$0x0] =	vst.idx.msk vm1, v3  }
0x2d0: {  	v2 =	vld [tilespmem:s2+$0xE180];
	_ =	sdelay $0x4  }
0x2d1: {  	v2 =	vshrl.u32 v2, $0x18  }
0x2d2: {  	(xrf1) =	vunique.msk.u32 $0xffff, v2;
	_ =	sdelay $0xd  }
0x2d3: {  	v3 =	vld.idx.msk [tilespmem:v2+s22+$0x0], $0xffff;
	_, v4, vm1 =	vpop (xrf1);
	_ =	sdelay $0x4  }
0x2d4: {  	v3 =	vadd.s32 v3, v4  }
0x2d5: {  	s1 =	rddreg [dreg:$0xb];
	[tilespmem:v2+s22+$0x0] =	vst.idx.msk vm1, v3  }
0x2d6: {  	[spmem:s1] =	stream.linear.scatter [tilespmem:s22], [sflag:$0x2], $0x100, $0x38;
	[tilespmem:$0x1A0C0] =	vst v63  }
0x2d7: {  	_ =	swait.ge [sflag:s20], $0x100  }
0x2d8: {  	[sflag:s20] =	ssyncset.done $0x0  }
0x2d9: {  	[sflag:s20] =	ssyncadd.s32 $0xFFFFFF00  }
0x2da: {  	s14 =	simm.s32 $0x12B00;
	[bflag:$0x0] =	sbarrier.arrive $0xFFFF  }
0x2db: {  	[tilespmem:s14], [sflag:$0x2] =	stream.linear.gather [spmem:s15], $0x1000, $0x38;
	[tilespmem:$0x1A0C0] =	vst v63  }
0x2dc: {  	_ =	swait.ge [sflag:s20], $0x1000  }
0x2dd: {  	[sflag:s20] =	ssyncset.done $0x0  }
0x2de: {  	[sflag:s20] =	ssyncadd.s32 $0xFFFFF000  }
0x2df: {  	[tilespmem:$0x13C00] =	vst v0  }
0x2e0: {  	[tilespmem:$0x13C10] =	vst v0  }
0x2e1: {  	[tilespmem:$0x13C20] =	vst v0  }
0x2e2: {  	[tilespmem:$0x13C30] =	vst v0  }
0x2e3: {  	[tilespmem:$0x13C40] =	vst v0  }
0x2e4: {  	[tilespmem:$0x13C50] =	vst v0  }
0x2e5: {  	[tilespmem:$0x13C60] =	vst v0  }
0x2e6: {  	[tilespmem:$0x13C70] =	vst v0  }
0x2e7: {  	[tilespmem:$0x13C80] =	vst v0  }
0x2e8: {  	[tilespmem:$0x13C90] =	vst v0  }
0x2e9: {  	[tilespmem:$0x13CA0] =	vst v0  }
0x2ea: {  	[tilespmem:$0x13CB0] =	vst v0  }
0x2eb: {  	[tilespmem:$0x13CC0] =	vst v0  }
0x2ec: {  	[tilespmem:$0x13CD0] =	vst v0  }
0x2ed: {  	[tilespmem:$0x13CE0] =	vst v0  }
0x2ee: {  	[tilespmem:$0x13CF0] =	vst v0  }
0x2ef: {  	[tilespmem:$0x13D00] =	vst v0  }
0x2f0: {  	[tilespmem:$0x13D10] =	vst v0  }
0x2f1: {  	[tilespmem:$0x13D20] =	vst v0  }
0x2f2: {  	[tilespmem:$0x13D30] =	vst v0  }
0x2f3: {  	[tilespmem:$0x13D40] =	vst v0  }
0x2f4: {  	[tilespmem:$0x13D50] =	vst v0  }
0x2f5: {  	[tilespmem:$0x13D60] =	vst v0  }
0x2f6: {  	[tilespmem:$0x13D70] =	vst v0  }
0x2f7: {  	[tilespmem:$0x13D80] =	vst v0  }
0x2f8: {  	[tilespmem:$0x13D90] =	vst v0  }
0x2f9: {  	[tilespmem:$0x13DA0] =	vst v0  }
0x2fa: {  	[tilespmem:$0x13DB0] =	vst v0  }
0x2fb: {  	[tilespmem:$0x13DC0] =	vst v0  }
0x2fc: {  	[tilespmem:$0x13DD0] =	vst v0  }
0x2fd: {  	[tilespmem:$0x13DE0] =	vst v0  }
0x2fe: {  	s2 =	simm.s32 $0x0;
	s3 =	simm.s32 $0x0;
	[tilespmem:$0x13DF0] =	vst v0  }
.LBB2_34:
0x2ff: {  	s1 =	sshll.u32 s3, $0x8  }
0x300: {  	s1 =	sand.u32 $0x3FFFFF00, s1  }
0x301: {  	s5 =	sand.u32 $0x80, s2;
	s1 =	sadd.s32 $0x12B00, s1  }
0x302: {  	s6 =	simm.s32 $0x13C00;
	s8 =	sand.u32 $0x70, s2;
	s5 =	sadd.s32 s5, s1  }
0x303: {  	v2 =	vld [tilespmem:s6+$0x0];
	s5 =	sadd.s32 s8, s5  }
0x304: {  	v3 =	vld [tilespmem:s5+$0x0];
	_ =	sdelay $0x4  }
0x305: {  	v2 =	vadd.s32 v3, v2  }
0x306: {  	s5 =	simm.s32 $0x13D00;
	[tilespmem:s6+$0x0] =	vst v2  }
0x307: {  	p0 =	slt.u32 s3, s4;
	s6 =	simm.s32 $0x1;
	v4 =	vld [tilespmem:s5+$0x0]  }
0x308: {  	s6 =	simm.s32 @!p0 $0x0  }
0x309: {  	v2 =	vmov s6  }
0x30a: {  	s14 =	simm.s32 $0x10;
	v3 =	vmul.u32 v2, v3  }
0x30b: {  	s10 =	simm.s32 $0x20;
	s9 =	sand.u32 $0x70, s14  }
0x30c: {  	s11 =	sand.u32 $0x80, s14;
	s8 =	simm.s32 $0x13C10;
	s6 =	simm.s32 $0x13D10;
	v3 =	vadd.s32 v3, v4  }
.LBB2_35:
0x30d: {  	s12 =	sand.u32 $0x70, s10;
	s11 =	sadd.s32 s11, s1  }
0x30e: {  	[tilespmem:s5+$0x0] =	vst v3;
	s13 =	smov.u32 s10;
	s14 =	sadd.s32 $0x10, s10;
	s5 =	smov.u32 s6  }
0x30f: {  	p0 =	sne.s32 s10, $0xF0;
	s10 =	sadd.s32 s9, s11;
	v3 =	vld [tilespmem:s8+$0x0];
	s9 =	smov.u32 s12  }
0x310: {  	v4 =	vld [tilespmem:s10+$0x0];
	_ =	sdelay $0x4  }
0x311: {  	v3 =	vadd.s32 v4, v3  }
0x312: {  	[tilespmem:s8+$0x0] =	vst v3  }
0x313: {  	v3 =	vld [tilespmem:s6+$0x0]  }
.Ltmp18:
0x314: {  	(pc) =	sbr.rel @p0 .LBB2_35-.Ltmp18, $4  }
0x315: {  	_ = 	snop  }
0x316: {  	v4 =	vmul.u32 v2, v4  }
0x317: {  	s11 =	sand.u32 $0x80, s13  }
0x318: {  	s10 =	smov.u32 s14;
	s8 =	sadd.s32 $0x10, s8;
	s6 =	sadd.s32 $0x10, s6;
	v3 =	vadd.s32 v4, v3  }
0x319: {  	s1 =	sadd.s32 s11, s1;
	[tilespmem:s5+$0x0] =	vst v3  }
0x31a: {  	s1 =	sadd.s32 s9, s1;
	v3 =	vld [tilespmem:s8+$0x0]  }
0x31b: {  	v4 =	vld [tilespmem:s1+$0x0];
	_ =	sdelay $0x4  }
0x31c: {  	v3 =	vadd.s32 v4, v3  }
0x31d: {  	[tilespmem:s8+$0x0] =	vst v3  }
0x31e: {  	s3 =	sadd.s32 $0x1, s3;
	v3 =	vld [tilespmem:s6+$0x0]  }
0x31f: {  	p0 =	sne.s32 s3, $0x10  }
.Ltmp19:
0x320: {  	_ = 	snop;
	(pc) =	sbr.rel @p0 .LBB2_34-.Ltmp19, $3  }
0x321: {  	v2 =	vmul.u32 v2, v4;
	_ =	sdelay $0x1  }
0x322: {  	v2 =	vadd.s32 v2, v3  }
0x323: {  	s1 =	simm.s32 $0x0;
	[tilespmem:s6+$0x0] =	vst v2  }
0x324: {  	s5 =	simm.s32 $0x0  }
0x325: {  	v4 =	vld [tilespmem:s5+$0x13C00];
	_ =	sdelay $0x4  }
0x326: {  	(xrf0) =	vadd.scan.msk.s32 $0xffff, v4;
	_ =	sdelay $0x1  }
0x327: {  	s9 =	simm.s32 $0x10  }
0x328: {  	v3 =	vld [tilespmem:s9+$0x13C00];
	_ =	sdelay $0x2  }
0x329: {  	v5, _, _ =	vpop (xrf0)  }
0x32a: {  	(v2sf) =	vpush v5, $0xF  }
0x32b: {  	v6 =	vld [tilespmem:s5+$0x13D00];
	(xrf0) =	vadd.scan.msk.s32 $0xffff, v3;
	_ =	sdelay $0x1  }
0x32c: {  	s8 =	simm.s32 $0x20  }
0x32d: {  	v2 =	vld [tilespmem:s8+$0x13C00]  }
0x32e: {  	v4 =	vsub.s32 s1, v4  }
0x32f: {  	v4 =	vadd.s32 v6, v4  }
0x330: {  	v6 =	vadd.s32 v5, v4;
	v5, _, _ =	vpop (xrf0)  }
0x331: {  	(v2sf) =	vpush v5, $0xF  }
0x332: {  	(xrf0) =	vadd.scan.msk.s32 $0xffff, v2;
	_ =	sdelay $0x1  }
0x333: {  	s6 =	simm.s32 $0x30  }
0x334: {  	v4 =	vld [tilespmem:s6+$0x13C00];
	[tilespmem:s5+$0x13D00] =	vst v6  }
0x335: {  	v7 =	vld [tilespmem:s9+$0x13D00]  }
0x336: {  	s2 =	simm.s32 $0x40;
	s3 =	simm.s32 $0x80  }
0x337: {  	s10 =	simm.s32 $0x100;
	s11 =	simm.s32 $0x140;
	v6, _, _ =	vpop (xrf0);
	s12 =	spop (v2sf)  }
.LBB2_38:
0x338: {  	p0 =	sne.s32 s11, $0x3C0;
	(v2sf) =	vpush v6, $0xF;
	s1 =	sadd.s32 s1, s12  }
0x339: {  	(xrf0) =	vadd.scan.msk.s32 $0xffff, v4;
	v8 =	vsub.s32 s1, v3;
	v3 =	vmov v2;
	v2 =	vmov v4  }
0x33a: {  	v4 =	vadd.s32 v7, v8  }
.Ltmp20:
0x33b: {  	s12 =	sshra.s32 s10, $0x2;
	s10 =	smov.u32 s11;
	v7 =	vadd.s32 v5, v4;
	v5 =	vmov v6;
	(pc) =	sbr.rel @p0 .LBB2_38-.Ltmp20, $3  }
0x33c: {  	v4 =	vld [tilespmem:s12+$0x13C00];
	[tilespmem:s9+$0x13D00] =	vst v7;
	s9 =	smov.u32 s8;
	s8 =	smov.u32 s6;
	s6 =	smov.u32 s12  }
0x33d: {  	v7 =	vld [tilespmem:s9+$0x13D00];
	_ =	sdelay $0x1  }
0x33e: {  	s11 =	sadd.s32 $0x40, s11;
	v6, _, _ =	vpop (xrf0);
	s12 =	spop (v2sf)  }
0x33f: {  	(v2sf) =	vpush v6, $0xF;
	s1 =	sadd.s32 s1, s12  }
0x340: {  	(xrf0) =	vadd.scan.msk.s32 $0xffff, v4;
	v3 =	vsub.s32 s1, v3  }
0x341: {  	v3 =	vadd.s32 v7, v3  }
0x342: {  	s10 =	sshra.s32 s10, $0x2;
	v3 =	vadd.s32 v5, v3  }
0x343: {  	v5 =	vld [tilespmem:s10+$0x13C00];
	[tilespmem:s9+$0x13D00] =	vst v3  }
0x344: {  	v3 =	vld [tilespmem:s8+$0x13D00];
	_ =	sdelay $0x1  }
0x345: {  	v63, _, _ =	vpop (xrf0);
	s11 =	spop (v2sf)  }
0x346: {  	(v2sf) =	vpush v63, $0xF;
	s1 =	sadd.s32 s1, s11  }
0x347: {  	v2 =	vsub.s32 s1, v2  }
0x348: {  	v2 =	vadd.s32 v3, v2  }
0x349: {  	v2 =	vadd.s32 v6, v2  }
0x34a: {  	[tilespmem:s8+$0x13D00] =	vst v2  }
0x34b: {  	v2 =	vld [tilespmem:s6+$0x13D00];
	_ =	sdelay $0x1  }
0x34c: {  	s12 =	spop (v2sf)  }
0x34d: {  	s1 =	sadd.s32 s1, s12  }
0x34e: {  	v3 =	vsub.s32 s1, v4  }
0x34f: {  	v2 =	vadd.s32 v2, v3  }
0x350: {  	v2 =	vadd.s32 v63, v2  }
0x351: {  	(xrf0) =	vadd.scan.msk.s32 $0xffff, v5;
	[tilespmem:s6+$0x13D00] =	vst v2  }
0x352: {  	v2 =	vld [tilespmem:s10+$0x13D00];
	_ =	sdelay $0x1  }
0x353: {  	s13 =	spop (v2sf)  }
0x354: {  	s1 =	sadd.s32 s1, s13  }
0x355: {  	v3 =	vsub.s32 s1, v5  }
0x356: {  	v4, _, _ =	vpop (xrf0);
	v2 =	vadd.s32 v2, v3  }
0x357: {  	v2 =	vadd.s32 v4, v2  }
0x358: {  	[tilespmem:s10+$0x13D00] =	vst v2  }
0x359: {  	v2 =	vld [tilespmem:s5+$0xE180];
	_ =	sdelay $0x4  }
0x35a: {  	v2 =	vshrl.u32 v2, $0x18  }
0x35b: {  	(xrf1) =	vunique.msk.u32 $0xffff, v2;
	_ =	sdelay $0x2  }
0x35c: {  	(v2sf) =	vpush v4, $0xF;
	_ =	sdelay $0x7  }
0x35d: {  	v3 =	vld.idx.msk [tilespmem:v2+s25+$0x0], $0xffff;
	_ =	sdelay $0x2  }
0x35e: {  	_, v4, vm1 =	vpop (xrf1);
	_ =	sdelay $0x1  }
0x35f: {  	v3 =	vadd.s32 v3, v4  }
0x360: {  	v4 =	vadd.s32 $0xFFFFFFFF, v3  }
0x361: {  	s14 =	spop (v2sf);
	[tilespmem:s5+$0x11280] =	vst v4  }
.LBB2_40:
0x362: {  	p0 =	sne.s32 s3, $0x6180  }
0x363: {  	s1 =	sshra.s32 s2, $0x2;
	[tilespmem:v2+s25+$0x0] =	vst.idx.msk vm1, v3;
	s2 =	smov.u32 s3;
	s3 =	sadd.s32 $0x40, s3  }
0x364: {  	v2 =	vld [tilespmem:s1+$0xE180];
	_ =	sdelay $0x4  }
0x365: {  	v2 =	vshrl.u32 v2, $0x18  }
0x366: {  	(xrf1) =	vunique.msk.u32 $0xffff, v2;
	_ =	sdelay $0xa  }
0x367: {  	v3 =	vld.idx.msk [tilespmem:v2+s25+$0x0], $0xffff;
	_ =	sdelay $0x2  }
0x368: {  	_, v4, vm1 =	vpop (xrf1)  }
.Ltmp21:
0x369: {  	(pc) =	sbr.rel @p0 .LBB2_40-.Ltmp21, $4  }
0x36a: {  	_ = 	snop  }
0x36b: {  	v3 =	vadd.s32 v3, v4  }
0x36c: {  	v4 =	vadd.s32 $0xFFFFFFFF, v3  }
0x36d: {  	[tilespmem:s1+$0x11280] =	vst v4  }
0x36e: {  	_ =	sdelay $0x4  }
0x36f: {  	s1 =	sshra.s32 s2, $0x2;
	[tilespmem:v2+s25+$0x0] =	vst.idx.msk vm1, v3  }
0x370: {  	v2 =	vld [tilespmem:s1+$0xE180];
	_ =	sdelay $0x4  }
0x371: {  	v2 =	vshrl.u32 v2, $0x18  }
0x372: {  	(xrf1) =	vunique.msk.u32 $0xffff, v2;
	_ =	sdelay $0xb  }
0x373: {  	v3 =	vld.idx.msk [tilespmem:v2+s25+$0x0], $0xffff;
	_ =	sdelay $0x1  }
0x374: {  	_, v4, vm1 =	vpop (xrf1);
	_ =	sdelay $0x2  }
0x375: {  	v3 =	vadd.s32 v3, v4  }
0x376: {  	v4 =	vadd.s32 $0xFFFFFFFF, v3  }
0x377: {  	[tilespmem:s1+$0x11280] =	vst v4  }
0x378: {  	s13 =	simm.s32 $0x1870;
	[tilespmem:v2+s25+$0x0] =	vst.idx.msk vm1, v3  }
0x379: {  	[spmem:s19] =	stream.indirect.scatter [tilespmem:s21], [sflag:$0x1], $0x1, s28, s13, $0xb8;
	[tilespmem:$0x1A0C0] =	vst v63  }
0x37a: {  	_ = 	snop  }
0x37b: {  	[spmem:s7] =	stream.indirect.scatter [tilespmem:s26], [sflag:$0x1], $0x1, s28, s13, $0xb8;
	[tilespmem:$0x1A0C0] =	vst v63  }
0x37c: {  	_ =	swait.ge [sflag:s24], $0x1870  }
0x37d: {  	[sflag:s24] =	ssyncset.done $0x0  }
0x37e: {  	[sflag:s24] =	ssyncadd.s32 $0xFFFFE790  }
0x37f: {  	_ =	swait.ge [sflag:s24], $0x1870  }
0x380: {  	[sflag:s24] =	ssyncset.done $0x0  }
0x381: {  	[sflag:s24] =	ssyncadd.s32 $0xFFFFE790  }
0x382: {  	[bflag:$0x0] =	sbarrier.arrive $0xFFFF  }
0x383: {  	s14 =	sld [smem:$0x7FD];
	_ =	sdelay $0x2  }
0x384: {  	p0 =	seq.s32 s14, $0x1  }
.Ltmp22:
0x385: {  	_ = 	snop;
	(pc) =	sbr.rel @p0 .LBB2_57-.Ltmp22, $2  }
0x386: {  	_ =	sdelay $0x2  }
0x387: {  	s5 =	simm.s32 $0x0  }
0x388: {  	s1 =	simm.s32 $0x40;
	s2 =	simm.s32 $0x0  }
.LBB2_43:
0x389: {  	p0 =	sne.s32 s1, $0x31000;
	[tilespmem:s2+$0x0] =	vst v1;
	s2 =	smov.u32 s1;
	s1 =	sadd.s32 $0x40, s1  }
.Ltmp23:
0x38a: {  	(pc) =	sbr.rel @p0 .LBB2_43-.Ltmp23, $2  }
0x38b: {  	_ =	sdelay $0x2  }
0x38c: {  	s2 =	sshra.s32 s2, $0x2  }
.Ltmp24:
0x38d: {  	(pc) =	sbr.rel .LBB2_45-.Ltmp24, $2  }
0x38e: {  	_ =	sdelay $0x2  }
0x38f: {  	[tilespmem:s2+$0x0] =	vst v1;
	s30 =	simm.s32 $0x0  }
.LBB2_55:
0x390: {  	s30 =	sadd.s32 $0x1, s30  }
0x391: {  	p0 =	sne.s32 s30, $0x20  }
.Ltmp25:
0x392: {  	_ = 	snop;
	(pc) =	sbr.rel @!p0 .LBB2_56-.Ltmp25, $1  }
0x393: {  	_ =	sdelay $0x3  }
.LBB2_45:
0x394: {  	s1 =	smul.u32 $0x30E0, s30;
	_ =	sdelay $0x1  }
0x395: {  	s1 =	sshra.s32 s1, $0x2  }
.Ltmp26:
0x396: {  	s1 =	sadd.s32 s1, s7;
	(pc) =	sbr.rel .LBB2_46-.Ltmp26, $4  }
0x397: {  	[tilespmem:s29], [sflag:$0x2] =	stream.linear.gather [spmem:s1], $0xC38, $0x38;
	[tilespmem:$0x1A0C0] =	vst v63  }
0x398: {  	_ =	swait.ge [sflag:s20], $0xC38  }
0x399: {  	[sflag:s20] =	ssyncset.done $0x0  }
0x39a: {  	s17 =	simm.s32 $0x0;
	[sflag:s20] =	ssyncadd.s32 $0xFFFFF3C8  }
.LBB2_52:
0x39b: {  	v4 =	vld [tilespmem:s19+$0x0];
	_ =	sdelay $0x4  }
0x39c: {  	v3 =	vsel vm0, v3, v4  }
0x39d: {  	[tilespmem:s19+$0x0] =	vst v3  }
0x39e: {  	v3 =	vld [tilespmem:s12+$0x0];
	_ =	sdelay $0x4  }
0x39f: {  	(v2sf) =	vpush v3, $0x0;
	_ =	sdelay $0xe  }
0x3a0: {  	s1 =	spop (v2sf)  }
0x3a1: {  	p0 =	slt.s32 s1, $0x0  }
0x3a2: {  	v4 =	vld @!p0 [tilespmem:s23+$0x0];
	_ =	sdelay $0x3  }
0x3a3: {  	vm1 =	vmmov @!p0 $0x1  }
0x3a4: {  	v3 =	vsel @!p0 vm1, v3, v4  }
0x3a5: {  	[tilespmem:s23+$0x0] =	vst @!p0 v3  }
0x3a6: {  	v3 =	vld @!p0 [tilespmem:s1+$0x0];
	_ =	sdelay $0x4  }
0x3a7: {  	(v2sf) =	vpush @!p0 v3, $0x0;
	_ =	sdelay $0xe  }
0x3a8: {  	s3 =	spop @!p0 (v2sf)  }
0x3a9: {  	p1 =	slt.s32 @!p0 s3, $0x0  }
0x3aa: {  	p2 =	por p1, p0  }
0x3ab: {  	v4 =	vld @!p2 [tilespmem:s12+$0x0];
	_ =	sdelay $0x3  }
0x3ac: {  	vm1 =	vmmov @!p2 $0x1  }
0x3ad: {  	v3 =	vsel @!p2 vm1, v3, v4  }
0x3ae: {  	[tilespmem:s12+$0x0] =	vst @!p2 v3  }
0x3af: {  	v3 =	vld @!p2 [tilespmem:s3+$0x0];
	_ =	sdelay $0x4  }
0x3b0: {  	(v2sf) =	vpush @!p2 v3, $0x0;
	_ =	sdelay $0xe  }
0x3b1: {  	s6 =	spop @!p2 (v2sf)  }
0x3b2: {  	p3 =	slt.s32 @!p2 s6, $0x0  }
0x3b3: {  	p4 =	por @!p0 p3, p1  }
0x3b4: {  	p4 =	por p4, p0  }
0x3b5: {  	v4 =	vld @!p4 [tilespmem:s1+$0x0];
	_ =	sdelay $0x3  }
0x3b6: {  	vm1 =	vmmov @!p4 $0x1  }
0x3b7: {  	v3 =	vsel @!p4 vm1, v3, v4  }
0x3b8: {  	[tilespmem:s1+$0x0] =	vst @!p4 v3  }
0x3b9: {  	v3 =	vld @!p4 [tilespmem:s6+$0x0];
	_ =	sdelay $0x4  }
0x3ba: {  	(v2sf) =	vpush @!p4 v3, $0x0;
	_ =	sdelay $0xe  }
0x3bb: {  	s8 =	spop @!p4 (v2sf)  }
0x3bc: {  	p4 =	slt.s32 @!p4 s8, $0x0  }
0x3bd: {  	p5 =	por @!p2 p4, p3  }
0x3be: {  	p5 =	por @!p0 p5, p1  }
0x3bf: {  	p2 =	por @!p2 !p4, p3;
	p5 =	por p5, p0  }
0x3c0: {  	p2 =	por @!p0 !p2, p1;
	v4 =	vld @!p5 [tilespmem:s3+$0x0]  }
0x3c1: {  	p3 =	por @!p0 !p3, p1;
	p2 =	por !p2, p0  }
0x3c2: {  	s6 =	smov.u32 @p2 s8;
	p2 =	por !p3, p0  }
0x3c3: {  	p1 =	por !p1, p0;
	s6 =	smov.u32 @p2 s3  }
0x3c4: {  	vm1 =	vmmov @!p5 $0x1;
	s1 =	smov.u32 @p1 s6  }
0x3c5: {  	s1 =	smov.u32 @p0 s12;
	v3 =	vsel @!p5 vm1, v3, v4  }
0x3c6: {  	s23 =	smov.u32 s1;
	[tilespmem:s3+$0x0] =	vst @!p5 v3  }
.LBB2_53:
0x3c7: {  	p0 =	seq.s32 s2, s23  }
0x3c8: {  	v3 =	vld @!p0 [tilespmem:s2+$0x0]  }
0x3c9: {  	v4 =	vld @!p0 [tilespmem:s23+$0x0];
	_ =	sdelay $0x3  }
0x3ca: {  	(v2sf) =	vpush @!p0 v3, $0x0  }
0x3cb: {  	(v2sf) =	vpush @!p0 v4, $0x0;
	_ =	sdelay $0xd  }
0x3cc: {  	s1 =	spop @!p0 (v2sf)  }
0x3cd: {  	s3 =	spop @!p0 (v2sf)  }
0x3ce: {  	p1 =	sgt.s32 @!p0 s1, s3  }
0x3cf: {  	s6 =	smov.u32 s23;
	p1 =	por !p1, p0  }
0x3d0: {  	s6 =	smov.u32 @p1 s2;
	s2 =	smov.u32 @p1 s23  }
0x3d1: {  	v3 =	vld @!p0 [tilespmem:s2+$0x0];
	_ =	sdelay $0x2  }
0x3d2: {  	v4 =	vlaneseq.u32 @!p0  }
0x3d3: {  	vm1 =	veq.s32 @!p0 v4, $0x0  }
0x3d4: {  	v3 =	vsel @!p0 vm1, s6, v3  }
0x3d5: {  	[tilespmem:s2+$0x0] =	vst @!p0 v3  }
0x3d6: {  	v3 =	vld @!p0 [tilespmem:s6+$0x0];
	_ =	sdelay $0x3  }
0x3d7: {  	s1 =	sadd.s32 @!p0 s1, s3  }
0x3d8: {  	v3 =	vsel @!p0 vm1, s1, v3  }
0x3d9: {  	s1 =	sand.u32 @!p0 $0xFFF, s5;
	[tilespmem:s6+$0x0] =	vst @!p0 v3  }
0x3da: {  	v3 =	vld @!p0 [tilespmem:s1+$0xC480];
	_ =	sdelay $0x1  }
0x3db: {  	p1 =	sne.s32 @!p0 s1, $0xFFF  }
0x3dc: {  	p1 =	por p1, p0  }
0x3dd: {  	vm1 =	vmmov @!p0 $0x1;
	s2 =	sadd.s32 @!p1 s5, s16  }
0x3de: {  	s2 =	sshrl.u32 @!p1 s2, $0x3;
	v2 =	vsel @!p0 vm1, v2, v3  }
0x3df: {  	s3 =	simm.s32 @!p1 $0xC480;
	[tilespmem:s1+$0xC480] =	vst @!p0 v2;
	s1 =	sadd.s32 @!p1 s0, s2;
	s2 =	simm.s32 @!p1 $0x0  }
0x3e0: {  	[hbm4b:s1+s2] =	stream.linear.scatter @!p1 [tilespmem:s3], [sflag:$0x2], $0x1000, $0x38;
	[tilespmem:$0x1A0C0] =	vst v63  }
0x3e1: {  	s1 =	simm.s32 @!p1 $0x2  }
0x3e2: {  	s2 =	sadd.s32 @!p0 $0x1, s5;
	_ =	swait.ge @!p1 [sflag:s1], $0x1000  }
0x3e3: {  	s2 =	smov.u32 @p0 s5;
	[sflag:s1] =	ssyncset.done @!p1 $0x0  }
0x3e4: {  	s5 =	smov.u32 s2;
	[sflag:s1] =	ssyncadd.s32 @!p1 $0xFFFFF000  }
.LBB2_54:
0x3e5: {  	s17 =	sadd.s32 $0x4, s17  }
0x3e6: {  	p0 =	sne.s32 s17, $0x30E0  }
.Ltmp27:
0x3e7: {  	_ = 	snop;
	(pc) =	sbr.rel @!p0 .LBB2_55-.Ltmp27, $1  }
0x3e8: {  	_ =	sdelay $0x3  }
.LBB2_46:
0x3e9: {  	p0 =	sgt.s32 s5, $0xC3FE  }
.Ltmp28:
0x3ea: {  	_ = 	snop;
	(pc) =	sbr.rel @p0 .LBB2_54-.Ltmp28, $1  }
0x3eb: {  	_ =	sdelay $0x3  }
0x3ec: {  	s1 =	sshra.s32 s17, $0x2  }
0x3ed: {  	v2 =	vld [tilespmem:s1+$0xD500];
	_ =	sdelay $0x4  }
0x3ee: {  	(v2sf) =	vpush v2, $0x0;
	_ =	sdelay $0xe  }
0x3ef: {  	s6 =	spop (v2sf)  }
0x3f0: {  	s3 =	sshra.s32 s6, $0x1  }
0x3f1: {  	v3 =	vld [tilespmem:s3+$0x0];
	_ =	sdelay $0x4  }
0x3f2: {  	(v2sf) =	vpush v3, $0x0;
	_ =	sdelay $0xe  }
0x3f3: {  	s9 =	spop (v2sf)  }
0x3f4: {  	p1 =	slt.s32 s9, $0x0  }
0x3f5: {  	v4 =	vld @!p1 [tilespmem:s9+$0x0];
	_ =	sdelay $0x4  }
0x3f6: {  	(v2sf) =	vpush @!p1 v4, $0x0;
	_ =	sdelay $0xe  }
0x3f7: {  	s10 =	spop @!p1 (v2sf)  }
0x3f8: {  	s1 =	simm.s32 @!p1 $0x0;
	p0 =	slt.s32 @!p1 s10, $0x0  }
0x3f9: {  	s1 =	simm.s32 @p1 $0x1;
	p1 =	por p1, p0  }
0x3fa: {  	vm1 =	vmmov @!p1 $0x1  }
0x3fb: {  	v3 =	vsel @!p1 vm1, v4, v3  }
0x3fc: {  	[tilespmem:s3+$0x0] =	vst @!p1 v3  }
0x3fd: {  	v3 =	vld @!p1 [tilespmem:s10+$0x0];
	_ =	sdelay $0x4  }
0x3fe: {  	(v2sf) =	vpush @!p1 v3, $0x0;
	_ =	sdelay $0xe  }
0x3ff: {  	s14 =	spop @!p1 (v2sf)  }
0x400: {  	[smem:$0x7F7] =	sst s1;
	s1 =	simm.s32 @!p1 $0x0;
	p0 =	slt.s32 @!p1 s14, $0x0  }
0x401: {  	s1 =	simm.s32 @p1 $0x1;
	p1 =	por p1, p0  }
0x402: {  	v4 =	vld @!p1 [tilespmem:s9+$0x0];
	_ =	sdelay $0x3  }
0x403: {  	vm1 =	vmmov @!p1 $0x1  }
0x404: {  	v3 =	vsel @!p1 vm1, v3, v4  }
0x405: {  	[tilespmem:s9+$0x0] =	vst @!p1 v3  }
0x406: {  	v3 =	vld @!p1 [tilespmem:s14+$0x0];
	_ =	sdelay $0x4  }
0x407: {  	(v2sf) =	vpush @!p1 v3, $0x0;
	_ =	sdelay $0xe  }
0x408: {  	s15 =	spop @!p1 (v2sf)  }
0x409: {  	[smem:$0x7F8] =	sst s1;
	s1 =	simm.s32 @!p1 $0x0;
	p0 =	slt.s32 @!p1 s15, $0x0  }
0x40a: {  	s1 =	simm.s32 @p1 $0x1;
	p1 =	por p1, p0  }
0x40b: {  	v4 =	vld @!p1 [tilespmem:s10+$0x0];
	_ =	sdelay $0x3  }
0x40c: {  	vm1 =	vmmov @!p1 $0x1  }
0x40d: {  	v3 =	vsel @!p1 vm1, v3, v4  }
0x40e: {  	[tilespmem:s10+$0x0] =	vst @!p1 v3  }
0x40f: {  	v3 =	vld @!p1 [tilespmem:s15+$0x0];
	_ =	sdelay $0x4  }
0x410: {  	(v2sf) =	vpush @!p1 v3, $0x0;
	_ =	sdelay $0xe  }
0x411: {  	s18 =	spop @!p1 (v2sf)  }
0x412: {  	[smem:$0x7F9] =	sst s1;
	s1 =	simm.s32 @!p1 $0x0;
	p0 =	slt.s32 @!p1 s18, $0x0  }
0x413: {  	s1 =	simm.s32 @p1 $0x1;
	p1 =	por p1, p0  }
0x414: {  	v4 =	vld @!p1 [tilespmem:s14+$0x0];
	_ =	sdelay $0x3  }
0x415: {  	vm1 =	vmmov @!p1 $0x1  }
0x416: {  	v3 =	vsel @!p1 vm1, v3, v4  }
0x417: {  	[tilespmem:s14+$0x0] =	vst @!p1 v3  }
0x418: {  	v3 =	vld @!p1 [tilespmem:s18+$0x0];
	_ =	sdelay $0x4  }
0x419: {  	(v2sf) =	vpush @!p1 v3, $0x0;
	_ =	sdelay $0xe  }
0x41a: {  	s8 =	spop @!p1 (v2sf)  }
0x41b: {  	[smem:$0x7FA] =	sst s1;
	s1 =	simm.s32 @!p1 $0x0;
	p0 =	slt.s32 @!p1 s8, $0x0  }
0x41c: {  	s1 =	simm.s32 @p1 $0x1;
	p1 =	por p1, p0  }
0x41d: {  	v4 =	vld @!p1 [tilespmem:s15+$0x0];
	_ =	sdelay $0x3  }
0x41e: {  	vm1 =	vmmov @!p1 $0x1  }
0x41f: {  	v3 =	vsel @!p1 vm1, v3, v4  }
0x420: {  	[tilespmem:s15+$0x0] =	vst @!p1 v3  }
0x421: {  	v3 =	vld @!p1 [tilespmem:s8+$0x0];
	_ =	sdelay $0x4  }
0x422: {  	(v2sf) =	vpush @!p1 v3, $0x0;
	_ =	sdelay $0xe  }
0x423: {  	[smem:$0x7FB] =	sst s1;
	s1 =	spop @!p1 (v2sf)  }
0x424: {  	p0 =	slt.s32 @!p1 s1, $0x0  }
0x425: {  	p0 =	por p1, p0  }
0x426: {  	v4 =	vld @!p0 [tilespmem:s18+$0x0];
	_ =	sdelay $0x3  }
0x427: {  	vm1 =	vmmov @!p0 $0x1  }
0x428: {  	v3 =	vsel @!p0 vm1, v3, v4  }
0x429: {  	[tilespmem:s18+$0x0] =	vst @!p0 v3  }
0x42a: {  	v3 =	vld @!p0 [tilespmem:s1+$0x0];
	_ =	sdelay $0x4  }
0x42b: {  	(v2sf) =	vpush @!p0 v3, $0x0;
	_ =	sdelay $0xe  }
0x42c: {  	s2 =	simm.s32 @!p1 $0x0;
	s23 =	spop @!p0 (v2sf)  }
0x42d: {  	s2 =	simm.s32 @p1 $0x1;
	p1 =	slt.s32 @!p0 s23, $0x0  }
0x42e: {  	p1 =	por p0, p1  }
0x42f: {  	v4 =	vld @!p1 [tilespmem:s8+$0x0];
	_ =	sdelay $0x3  }
0x430: {  	vm1 =	vmmov @!p1 $0x1  }
0x431: {  	v3 =	vsel @!p1 vm1, v3, v4  }
0x432: {  	[tilespmem:s8+$0x0] =	vst @!p1 v3  }
0x433: {  	v3 =	vld @!p1 [tilespmem:s23+$0x0];
	_ =	sdelay $0x4  }
0x434: {  	(v2sf) =	vpush @!p1 v3, $0x0;
	_ =	sdelay $0xe  }
0x435: {  	s13 =	spop @!p1 (v2sf)  }
0x436: {  	p2 =	slt.s32 @!p1 s13, $0x0  }
0x437: {  	p2 =	por p1, p2  }
0x438: {  	v4 =	vld @!p2 [tilespmem:s1+$0x0];
	_ =	sdelay $0x3  }
0x439: {  	vm1 =	vmmov @!p2 $0x1  }
0x43a: {  	v3 =	vsel @!p2 vm1, v3, v4  }
0x43b: {  	[tilespmem:s1+$0x0] =	vst @!p2 v3  }
0x43c: {  	v3 =	vld @!p2 [tilespmem:s13+$0x0];
	_ =	sdelay $0x4  }
0x43d: {  	(v2sf) =	vpush @!p2 v3, $0x0;
	_ =	sdelay $0xe  }
0x43e: {  	s11 =	spop @!p2 (v2sf)  }
0x43f: {  	p3 =	slt.s32 @!p2 s11, $0x0  }
0x440: {  	p3 =	por p2, p3  }
0x441: {  	v4 =	vld @!p3 [tilespmem:s23+$0x0];
	_ =	sdelay $0x3  }
0x442: {  	vm1 =	vmmov @!p3 $0x1  }
0x443: {  	v3 =	vsel @!p3 vm1, v3, v4  }
0x444: {  	[tilespmem:s23+$0x0] =	vst @!p3 v3  }
0x445: {  	v3 =	vld @!p3 [tilespmem:s11+$0x0];
	_ =	sdelay $0x4  }
0x446: {  	(v2sf) =	vpush @!p3 v3, $0x0;
	_ =	sdelay $0xe  }
0x447: {  	s19 =	spop @!p3 (v2sf)  }
0x448: {  	p4 =	slt.s32 @!p3 s19, $0x0  }
0x449: {  	p4 =	por p3, p4  }
0x44a: {  	v4 =	vld @!p4 [tilespmem:s13+$0x0];
	_ =	sdelay $0x3  }
0x44b: {  	vm1 =	vmmov @!p4 $0x1  }
0x44c: {  	v3 =	vsel @!p4 vm1, v3, v4  }
0x44d: {  	[tilespmem:s13+$0x0] =	vst @!p4 v3  }
0x44e: {  	v3 =	vld @!p4 [tilespmem:s19+$0x0];
	_ =	sdelay $0x4  }
0x44f: {  	(v2sf) =	vpush @!p4 v3, $0x0;
	_ =	sdelay $0xe  }
0x450: {  	[smem:$0x7FC] =	sst s2;
	s2 =	spop @!p4 (v2sf)  }
0x451: {  	p5 =	slt.s32 @!p4 s2, $0x0  }
0x452: {  	p5 =	por p4, p5  }
0x453: {  	v4 =	vld @!p5 [tilespmem:s11+$0x0];
	_ =	sdelay $0x3  }
0x454: {  	vm1 =	vmmov @!p5 $0x1  }
0x455: {  	v3 =	vsel @!p5 vm1, v3, v4  }
0x456: {  	[tilespmem:s11+$0x0] =	vst @!p5 v3  }
0x457: {  	v3 =	vld @!p5 [tilespmem:s2+$0x0];
	_ =	sdelay $0x4  }
0x458: {  	(v2sf) =	vpush @!p5 v3, $0x0;
	_ =	sdelay $0xe  }
0x459: {  	s12 =	spop @!p5 (v2sf)  }
0x45a: {  	p6 =	slt.s32 @!p5 s12, $0x0  }
0x45b: {  	p6 =	por p5, p6  }
.Ltmp29:
0x45c: {  	_ = 	snop;
	(pc) =	sbr.rel @p6 .LBB2_48-.Ltmp29, $1  }
0x45d: {  	_ =	sdelay $0x3  }
0x45e: {  	v4 =	vld [tilespmem:s19+$0x0];
	_ =	sdelay $0x4  }
0x45f: {  	v3 =	vsel vm0, v3, v4  }
0x460: {  	[tilespmem:s19+$0x0] =	vst v3  }
0x461: {  	v3 =	vld [tilespmem:s12+$0x0];
	_ =	sdelay $0x4  }
0x462: {  	(v2sf) =	vpush v3, $0x0;
	_ =	sdelay $0xe  }
0x463: {  	s1 =	spop (v2sf)  }
0x464: {  	p0 =	slt.s32 s1, $0x0  }
0x465: {  	v4 =	vld @!p0 [tilespmem:s2+$0x0];
	_ =	sdelay $0x3  }
0x466: {  	vm1 =	vmmov @!p0 $0x1  }
0x467: {  	v3 =	vsel @!p0 vm1, v3, v4  }
0x468: {  	[tilespmem:s2+$0x0] =	vst @!p0 v3  }
0x469: {  	v3 =	vld @!p0 [tilespmem:s1+$0x0];
	_ =	sdelay $0x4  }
0x46a: {  	(v2sf) =	vpush @!p0 v3, $0x0;
	_ =	sdelay $0xe  }
0x46b: {  	s2 =	spop @!p0 (v2sf)  }
0x46c: {  	p1 =	slt.s32 @!p0 s2, $0x0  }
0x46d: {  	p2 =	por p1, p0  }
0x46e: {  	v4 =	vld @!p2 [tilespmem:s12+$0x0];
	_ =	sdelay $0x3  }
0x46f: {  	vm1 =	vmmov @!p2 $0x1  }
0x470: {  	v3 =	vsel @!p2 vm1, v3, v4  }
0x471: {  	[tilespmem:s12+$0x0] =	vst @!p2 v3  }
0x472: {  	v3 =	vld @!p2 [tilespmem:s2+$0x0];
	_ =	sdelay $0x4  }
0x473: {  	(v2sf) =	vpush @!p2 v3, $0x0;
	_ =	sdelay $0xe  }
0x474: {  	s8 =	spop @!p2 (v2sf)  }
0x475: {  	p3 =	slt.s32 @!p2 s8, $0x0  }
0x476: {  	p4 =	por @!p0 p3, p1  }
0x477: {  	p4 =	por p4, p0  }
0x478: {  	v4 =	vld @!p4 [tilespmem:s1+$0x0];
	_ =	sdelay $0x3  }
0x479: {  	vm1 =	vmmov @!p4 $0x1  }
0x47a: {  	v3 =	vsel @!p4 vm1, v3, v4  }
0x47b: {  	[tilespmem:s1+$0x0] =	vst @!p4 v3  }
0x47c: {  	v3 =	vld @!p4 [tilespmem:s8+$0x0];
	_ =	sdelay $0x4  }
0x47d: {  	(v2sf) =	vpush @!p4 v3, $0x0;
	_ =	sdelay $0xe  }
0x47e: {  	s9 =	spop @!p4 (v2sf)  }
0x47f: {  	p4 =	slt.s32 @!p4 s9, $0x0  }
0x480: {  	p5 =	por @!p2 p4, p3  }
0x481: {  	p5 =	por @!p0 p5, p1  }
0x482: {  	p2 =	por @!p2 !p4, p3;
	p5 =	por p5, p0  }
0x483: {  	p2 =	por @!p0 !p2, p1;
	v4 =	vld @!p5 [tilespmem:s2+$0x0]  }
0x484: {  	p3 =	por @!p0 !p3, p1;
	p2 =	por !p2, p0  }
.Ltmp30:
0x485: {  	s8 =	smov.u32 @p2 s9;
	p2 =	por !p3, p0;
	(pc) =	sbr.rel .LBB2_50-.Ltmp30, $4  }
0x486: {  	p1 =	por !p1, p0;
	s8 =	smov.u32 @p2 s2  }
0x487: {  	vm1 =	vmmov @!p5 $0x1;
	s1 =	smov.u32 @p1 s8  }
0x488: {  	s1 =	smov.u32 @p0 s12;
	v3 =	vsel @!p5 vm1, v3, v4  }
0x489: {  	[tilespmem:s2+$0x0] =	vst @!p5 v3;
	s2 =	smov.u32 s1  }
.LBB2_48:
0x48a: {  	s12 =	sld [smem:$0x7F7];
	_ =	sdelay $0x2  }
0x48b: {  	p6 =	seq.s32 s12, $0x1;
	s12 =	sld [smem:$0x7F8];
	_ =	sdelay $0x2  }
0x48c: {  	s9 =	smov.u32 @p6 s3;
	p6 =	seq.s32 s12, $0x1;
	s12 =	sld [smem:$0x7F9]  }
0x48d: {  	_ =	sdelay $0x1  }
0x48e: {  	s10 =	smov.u32 @p6 s9;
	p6 =	seq.s32 s12, $0x1;
	s12 =	sld [smem:$0x7FA]  }
0x48f: {  	_ =	sdelay $0x1  }
0x490: {  	s14 =	smov.u32 @p6 s10;
	p6 =	seq.s32 s12, $0x1  }
0x491: {  	s15 =	smov.u32 @p6 s14;
	s14 =	sld [smem:$0x7FB];
	_ =	sdelay $0x2  }
0x492: {  	p6 =	seq.s32 s14, $0x1  }
0x493: {  	s18 =	smov.u32 @p6 s15;
	s15 =	sld [smem:$0x7FC];
	_ =	sdelay $0x2  }
0x494: {  	p6 =	seq.s32 s15, $0x1  }
0x495: {  	s8 =	smov.u32 @p6 s18  }
0x496: {  	s1 =	smov.u32 @p0 s8  }
0x497: {  	s23 =	smov.u32 @p1 s1  }
0x498: {  	s13 =	smov.u32 @p2 s23  }
0x499: {  	s11 =	smov.u32 @p3 s13  }
0x49a: {  	s19 =	smov.u32 @p4 s11  }
0x49b: {  	s2 =	smov.u32 @p5 s19  }
.LBB2_50:
0x49c: {  	s1 =	sand.u32 $0x1, s6  }
0x49d: {  	p0 =	seq.s32 s1, $0x1;
	s1 =	simm.s32 $0x1  }
0x49e: {  	s1 =	simm.s32 @!p0 $0xE0  }
0x49f: {  	s3 =	sadd.s32 s3, s1  }
0x4a0: {  	v3 =	vld [tilespmem:s3+$0x0];
	_ =	sdelay $0x4  }
0x4a1: {  	(v2sf) =	vpush v3, $0x0;
	_ =	sdelay $0xe  }
0x4a2: {  	s6 =	spop (v2sf)  }
0x4a3: {  	p1 =	slt.s32 s6, $0x0  }
0x4a4: {  	v4 =	vld @!p1 [tilespmem:s6+$0x0];
	_ =	sdelay $0x4  }
0x4a5: {  	(v2sf) =	vpush @!p1 v4, $0x0;
	_ =	sdelay $0xe  }
0x4a6: {  	s9 =	spop @!p1 (v2sf)  }
0x4a7: {  	s1 =	simm.s32 @!p1 $0x0;
	p0 =	slt.s32 @!p1 s9, $0x0  }
0x4a8: {  	s1 =	simm.s32 @p1 $0x1;
	p1 =	por p1, p0  }
0x4a9: {  	vm1 =	vmmov @!p1 $0x1  }
0x4aa: {  	v3 =	vsel @!p1 vm1, v4, v3  }
0x4ab: {  	[tilespmem:s3+$0x0] =	vst @!p1 v3  }
0x4ac: {  	v3 =	vld @!p1 [tilespmem:s9+$0x0];
	_ =	sdelay $0x4  }
0x4ad: {  	(v2sf) =	vpush @!p1 v3, $0x0;
	_ =	sdelay $0xe  }
0x4ae: {  	s10 =	spop @!p1 (v2sf)  }
0x4af: {  	[smem:$0x7F1] =	sst s1;
	s1 =	simm.s32 @!p1 $0x0;
	p0 =	slt.s32 @!p1 s10, $0x0  }
0x4b0: {  	s1 =	simm.s32 @p1 $0x1;
	p1 =	por p1, p0  }
0x4b1: {  	v4 =	vld @!p1 [tilespmem:s6+$0x0];
	_ =	sdelay $0x3  }
0x4b2: {  	vm1 =	vmmov @!p1 $0x1  }
0x4b3: {  	v3 =	vsel @!p1 vm1, v3, v4  }
0x4b4: {  	[tilespmem:s6+$0x0] =	vst @!p1 v3  }
0x4b5: {  	v3 =	vld @!p1 [tilespmem:s10+$0x0];
	_ =	sdelay $0x4  }
0x4b6: {  	(v2sf) =	vpush @!p1 v3, $0x0;
	_ =	sdelay $0xe  }
0x4b7: {  	s14 =	spop @!p1 (v2sf)  }
0x4b8: {  	[smem:$0x7F2] =	sst s1;
	s1 =	simm.s32 @!p1 $0x0;
	p0 =	slt.s32 @!p1 s14, $0x0  }
0x4b9: {  	s1 =	simm.s32 @p1 $0x1;
	p1 =	por p1, p0  }
0x4ba: {  	v4 =	vld @!p1 [tilespmem:s9+$0x0];
	_ =	sdelay $0x3  }
0x4bb: {  	vm1 =	vmmov @!p1 $0x1  }
0x4bc: {  	v3 =	vsel @!p1 vm1, v3, v4  }
0x4bd: {  	[tilespmem:s9+$0x0] =	vst @!p1 v3  }
0x4be: {  	v3 =	vld @!p1 [tilespmem:s14+$0x0];
	_ =	sdelay $0x4  }
0x4bf: {  	(v2sf) =	vpush @!p1 v3, $0x0;
	_ =	sdelay $0xe  }
0x4c0: {  	s15 =	spop @!p1 (v2sf)  }
0x4c1: {  	[smem:$0x7F3] =	sst s1;
	s1 =	simm.s32 @!p1 $0x0;
	p0 =	slt.s32 @!p1 s15, $0x0  }
0x4c2: {  	s1 =	simm.s32 @p1 $0x1;
	p1 =	por p1, p0  }
0x4c3: {  	v4 =	vld @!p1 [tilespmem:s10+$0x0];
	_ =	sdelay $0x3  }
0x4c4: {  	vm1 =	vmmov @!p1 $0x1  }
0x4c5: {  	v3 =	vsel @!p1 vm1, v3, v4  }
0x4c6: {  	[tilespmem:s10+$0x0] =	vst @!p1 v3  }
0x4c7: {  	v3 =	vld @!p1 [tilespmem:s15+$0x0];
	_ =	sdelay $0x4  }
0x4c8: {  	(v2sf) =	vpush @!p1 v3, $0x0;
	_ =	sdelay $0xe  }
0x4c9: {  	s8 =	spop @!p1 (v2sf)  }
0x4ca: {  	[smem:$0x7F4] =	sst s1;
	s1 =	simm.s32 @!p1 $0x0;
	p0 =	slt.s32 @!p1 s8, $0x0  }
0x4cb: {  	s1 =	simm.s32 @p1 $0x1;
	p1 =	por p1, p0  }
0x4cc: {  	v4 =	vld @!p1 [tilespmem:s14+$0x0];
	_ =	sdelay $0x3  }
0x4cd: {  	vm1 =	vmmov @!p1 $0x1  }
0x4ce: {  	v3 =	vsel @!p1 vm1, v3, v4  }
0x4cf: {  	[tilespmem:s14+$0x0] =	vst @!p1 v3  }
0x4d0: {  	v3 =	vld @!p1 [tilespmem:s8+$0x0];
	_ =	sdelay $0x4  }
0x4d1: {  	(v2sf) =	vpush @!p1 v3, $0x0;
	_ =	sdelay $0xe  }
0x4d2: {  	[smem:$0x7F5] =	sst s1;
	s1 =	spop @!p1 (v2sf)  }
0x4d3: {  	p0 =	slt.s32 @!p1 s1, $0x0  }
0x4d4: {  	p0 =	por p1, p0  }
0x4d5: {  	v4 =	vld @!p0 [tilespmem:s15+$0x0];
	_ =	sdelay $0x3  }
0x4d6: {  	vm1 =	vmmov @!p0 $0x1  }
0x4d7: {  	v3 =	vsel @!p0 vm1, v3, v4  }
0x4d8: {  	[tilespmem:s15+$0x0] =	vst @!p0 v3  }
0x4d9: {  	v3 =	vld @!p0 [tilespmem:s1+$0x0];
	_ =	sdelay $0x4  }
0x4da: {  	(v2sf) =	vpush @!p0 v3, $0x0;
	_ =	sdelay $0xe  }
0x4db: {  	s11 =	simm.s32 @!p1 $0x0;
	s18 =	spop @!p0 (v2sf)  }
0x4dc: {  	s11 =	simm.s32 @p1 $0x1;
	p1 =	slt.s32 @!p0 s18, $0x0  }
0x4dd: {  	p1 =	por p0, p1  }
0x4de: {  	v4 =	vld @!p1 [tilespmem:s8+$0x0];
	_ =	sdelay $0x3  }
0x4df: {  	vm1 =	vmmov @!p1 $0x1  }
0x4e0: {  	v3 =	vsel @!p1 vm1, v3, v4  }
0x4e1: {  	[tilespmem:s8+$0x0] =	vst @!p1 v3  }
0x4e2: {  	v3 =	vld @!p1 [tilespmem:s18+$0x0];
	_ =	sdelay $0x4  }
0x4e3: {  	(v2sf) =	vpush @!p1 v3, $0x0;
	_ =	sdelay $0xe  }
0x4e4: {  	s13 =	spop @!p1 (v2sf)  }
0x4e5: {  	p2 =	slt.s32 @!p1 s13, $0x0  }
0x4e6: {  	p2 =	por p1, p2  }
0x4e7: {  	v4 =	vld @!p2 [tilespmem:s1+$0x0];
	_ =	sdelay $0x3  }
0x4e8: {  	vm1 =	vmmov @!p2 $0x1  }
0x4e9: {  	v3 =	vsel @!p2 vm1, v3, v4  }
0x4ea: {  	[tilespmem:s1+$0x0] =	vst @!p2 v3  }
0x4eb: {  	v3 =	vld @!p2 [tilespmem:s13+$0x0];
	_ =	sdelay $0x4  }
0x4ec: {  	(v2sf) =	vpush @!p2 v3, $0x0;
	_ =	sdelay $0xe  }
0x4ed: {  	[smem:$0x7F6] =	sst s11;
	s11 =	spop @!p2 (v2sf)  }
0x4ee: {  	p3 =	slt.s32 @!p2 s11, $0x0  }
0x4ef: {  	p3 =	por p2, p3  }
0x4f0: {  	v4 =	vld @!p3 [tilespmem:s18+$0x0];
	_ =	sdelay $0x3  }
0x4f1: {  	vm1 =	vmmov @!p3 $0x1  }
0x4f2: {  	v3 =	vsel @!p3 vm1, v3, v4  }
0x4f3: {  	[tilespmem:s18+$0x0] =	vst @!p3 v3  }
0x4f4: {  	v3 =	vld @!p3 [tilespmem:s11+$0x0];
	_ =	sdelay $0x4  }
0x4f5: {  	(v2sf) =	vpush @!p3 v3, $0x0;
	_ =	sdelay $0xe  }
0x4f6: {  	s19 =	spop @!p3 (v2sf)  }
0x4f7: {  	p4 =	slt.s32 @!p3 s19, $0x0  }
0x4f8: {  	p4 =	por p3, p4  }
0x4f9: {  	v4 =	vld @!p4 [tilespmem:s13+$0x0];
	_ =	sdelay $0x3  }
0x4fa: {  	vm1 =	vmmov @!p4 $0x1  }
0x4fb: {  	v3 =	vsel @!p4 vm1, v3, v4  }
0x4fc: {  	[tilespmem:s13+$0x0] =	vst @!p4 v3  }
0x4fd: {  	v3 =	vld @!p4 [tilespmem:s19+$0x0];
	_ =	sdelay $0x4  }
0x4fe: {  	(v2sf) =	vpush @!p4 v3, $0x0;
	_ =	sdelay $0xe  }
0x4ff: {  	s23 =	spop @!p4 (v2sf)  }
0x500: {  	p5 =	slt.s32 @!p4 s23, $0x0  }
0x501: {  	p5 =	por p4, p5  }
0x502: {  	v4 =	vld @!p5 [tilespmem:s11+$0x0];
	_ =	sdelay $0x3  }
0x503: {  	vm1 =	vmmov @!p5 $0x1  }
0x504: {  	v3 =	vsel @!p5 vm1, v3, v4  }
0x505: {  	[tilespmem:s11+$0x0] =	vst @!p5 v3  }
0x506: {  	v3 =	vld @!p5 [tilespmem:s23+$0x0];
	_ =	sdelay $0x4  }
0x507: {  	(v2sf) =	vpush @!p5 v3, $0x0;
	_ =	sdelay $0xe  }
0x508: {  	s12 =	spop @!p5 (v2sf)  }
0x509: {  	p6 =	slt.s32 @!p5 s12, $0x0  }
0x50a: {  	p6 =	por p5, p6  }
.Ltmp31:
0x50b: {  	_ = 	snop;
	(pc) =	sbr.rel @!p6 .LBB2_52-.Ltmp31, $1  }
0x50c: {  	_ =	sdelay $0x3  }
0x50d: {  	s12 =	sld [smem:$0x7F1];
	_ =	sdelay $0x2  }
0x50e: {  	p6 =	seq.s32 s12, $0x1;
	s12 =	sld [smem:$0x7F2];
	_ =	sdelay $0x2  }
0x50f: {  	s6 =	smov.u32 @p6 s3;
	p6 =	seq.s32 s12, $0x1  }
0x510: {  	s9 =	smov.u32 @p6 s6;
	s6 =	sld [smem:$0x7F3];
	_ =	sdelay $0x2  }
0x511: {  	p6 =	seq.s32 s6, $0x1  }
0x512: {  	s10 =	smov.u32 @p6 s9;
	s9 =	sld [smem:$0x7F4]  }
0x513: {  	s12 =	sld [smem:$0x7F5];
	_ =	sdelay $0x1  }
0x514: {  	p6 =	seq.s32 s9, $0x1  }
0x515: {  	s14 =	smov.u32 @p6 s10;
	p6 =	seq.s32 s12, $0x1  }
0x516: {  	s15 =	smov.u32 @p6 s14;
	s14 =	sld [smem:$0x7F6];
	_ =	sdelay $0x2  }
0x517: {  	p6 =	seq.s32 s14, $0x1  }
0x518: {  	s8 =	smov.u32 @p6 s15  }
0x519: {  	s1 =	smov.u32 @p0 s8  }
.Ltmp32:
0x51a: {  	s18 =	smov.u32 @p1 s1;
	(pc) =	sbr.rel .LBB2_53-.Ltmp32, $4  }
0x51b: {  	s13 =	smov.u32 @p2 s18  }
0x51c: {  	s11 =	smov.u32 @p3 s13  }
0x51d: {  	s19 =	smov.u32 @p4 s11  }
0x51e: {  	s23 =	smov.u32 @p5 s19  }
.LBB2_58:
0x51f: {  	_ =	sfence.sel $0x180000  }
0x520: {  	[bflag:$0x0] =	sbarrier.arrive $0xFFFF  }
0x521: {  	_ =	strace $0x90000047  }
0x522: {  	[bflag:$0x2] =	sbarrier.arrive $0xFFFF  }
0x523: {  	s1 =	sld [smem:$0x7FD];
	_ =	sdelay $0x2  }
0x524: {  	s0 =	rddreg [dreg:$0x8];
	p0 =	seq.s32 s1, $0x1  }
0x525: {  	s0 =	sadd.s32 @!p0 $0x100000, s0  }
0x526: {  	[sflag:s0] =	ssyncadd.tile.s32 @!p0 $0x1;
	_ =	shalt  }
.Lfunc_end2:
_tile_overlayer_lowered:
.L_overlay_start_2:
0x527: {  	(tag) =	ssettag $0x2  }
0x528: {  	s0 =	rddreg [dreg:$0x0];
	s2 =	stileid.u32  }
0x529: {  	s1 =	rddreg [dreg:$0x1];
	p0 =	sne.s32 s2, $0x0  }
0x52a: {  	s3 =	rddreg [dreg:$0x2];
	[bflag:$0x3] =	sbarrier.arrive $0xFFFF;
	s2 =	simm.s32 @!p0 $0x1C02  }
0x52b: {  	[timem:s3], [sflag:s2] =	dma.local @!p0 [hbm:s0], s1  }
0x52c: {  	s0 =	simm.s32 @!p0 $0x2  }
0x52d: {  	_ =	swait.ge @!p0 [sflag:s0], s1  }
0x52e: {  	s1 =	ssub.s32 @!p0 $0x0, s1;
	[sflag:s0] =	ssyncset.done @!p0 $0x0  }
0x52f: {  	[sflag:s0] =	ssyncadd.s32 @!p0 s1  }
0x530: {  	[bflag:$0x3] =	sbarrier.arrive $0xFFFF  }
0x531: {  	_ =	shalt  }

</sc_bundles>
